<compile_context>
chip_gen: v7x
topology: tpu7x:2x2x1
jax: 0.10.2.dev20260603
libtpu: 0.0.44.dev20260713+nightly
codegen_flags: <defaults>
</compile_context>

<pallas_src>
import functools

import jax
import jax.numpy as jnp
from jax import lax
from jax.experimental import pallas as pl
from jax.experimental.pallas import tpu as pltpu
from jax.experimental.pallas import tpu_sc as plsc

NUM_CORES = 2
NUM_SUBCORES = 16
NUM_WORKERS = NUM_CORES * NUM_SUBCORES

STREAM = 128
STREAMS_PER_SUPER = 2
SUPER = STREAM * STREAMS_PER_SUPER


def _gather_body(per_w, n_super, d, table_hbm, idx_hbm, out_hbm,
                 idx_v, rows0, rows1, sem0, sem1):
    wid = lax.axis_index("s") * NUM_CORES + lax.axis_index("c")
    base = wid * per_w
    pltpu.sync_copy(idx_hbm.at[wid], idx_v)

    bufs = (rows0, rows1)
    sems = (sem0, sem1)

    def issue(sup):
        buf = bufs[sup % 2]
        sem = sems[sup % 2]
        cps = []
        for j in range(STREAMS_PER_SUPER):
            s = sup * STREAMS_PER_SUPER + j
            cps.append(pltpu.async_copy(
                table_hbm.at[idx_v.at[s]],
                buf.at[pl.ds(j * STREAM, STREAM)],
                sem))
        return cps

    pending = [issue(0), None]
    for sup in range(n_super):
        nxt = sup + 1
        if nxt < n_super:
            pending[nxt % 2] = issue(nxt)
        for cp in pending[sup % 2]:
            cp.wait()
        pltpu.sync_copy(bufs[sup % 2],
                        out_hbm.at[pl.ds(base + sup * SUPER, SUPER)])


def _sc_gather(table4, idx4):
    n = idx4.shape[0]
    d = table4.shape[1]
    per_w = n // NUM_WORKERS
    n_super = per_w // SUPER
    assert per_w % SUPER == 0
    mesh = plsc.VectorSubcoreMesh(core_axis_name="c", subcore_axis_name="s")
    f = pl.kernel(
        functools.partial(_gather_body, per_w, n_super, d),
        out_type=jax.ShapeDtypeStruct((n, d), jnp.float32),
        mesh=mesh,
        scratch_types=[
            pltpu.VMEM((per_w // STREAM, STREAM), jnp.int32),
            pltpu.VMEM((SUPER, d), jnp.float32),
            pltpu.VMEM((SUPER, d), jnp.float32),
            pltpu.SemaphoreType.DMA,
            pltpu.SemaphoreType.DMA,
        ],
    )
    return f(table4, idx4.reshape(NUM_WORKERS, per_w // STREAM, STREAM))


def _select_matmul_body(g_ref, x_ref, w_ref, b_ref, out_ref):
    g = g_ref[0]
    xv = x_ref[0]
    pos = jnp.reshape(xv & 3, (xv.shape[1], 1))
    quarter = lax.broadcasted_iota(jnp.int32, g.shape, 1) >> 5
    masked = jnp.where(quarter == pos, g, 0.0)
    m = jnp.dot(masked, w_ref[...], preferred_element_type=jnp.float32)
    out_ref[0] = jnp.transpose(m + b_ref[...])


def _tc_select_matmul(g3, xT3, Wstack, b):
    seq, bsz, d4 = g3.shape
    o = Wstack.shape[1]
    return pl.pallas_call(
        _select_matmul_body,
        grid=(seq,),
        in_specs=[
            pl.BlockSpec((1, bsz, d4), lambda i: (i, 0, 0)),
            pl.BlockSpec((1, 1, bsz), lambda i: (i, 0, 0)),
            pl.BlockSpec((d4, o), lambda i: (0, 0)),
            pl.BlockSpec((1, o), lambda i: (0, 0)),
        ],
        out_specs=pl.BlockSpec((1, o, bsz), lambda i: (i, 0, 0)),
        out_shape=jax.ShapeDtypeStruct((seq, o, bsz), jnp.float32),
    )(g3, xT3, Wstack, b.reshape(1, o))


def kernel(x, table, W, b):
    bsz, seq = x.shape
    o = W.shape[1]
    xT = x.T.astype(jnp.int32)
    xf = xT.reshape(-1)
    table4 = table.reshape(table.shape[0] // 4, 4 * table.shape[1])
    g = _sc_gather(table4, xf >> 2)
    g3 = g.reshape(seq, bsz, table4.shape[1])
    Wstack = jnp.concatenate([W, W, W, W], axis=0)
    outT = _tc_select_matmul(g3, xT.reshape(seq, 1, bsz), Wstack, b)
    return outT.transpose(2, 0, 1)

# --- scband reference (transcript-rebuilt; emitter-appended) ---
"""Pipeline reference for scband-model-with-embedding-26611617366432 (READ-ONLY COPY).

The authoritative reference and input builder live on the scoring server;
editing this copy changes nothing except your own understanding.
"""

import jax, jax.numpy as jnp
import numpy as np

NUM_EMBEDDINGS = 1000000
EMBED_DIM = 32
OUTPUT_DIM = 64

def setup_inputs(seed: int = 0) -> dict:
    key = jax.random.key(seed)
    k1, k2, k3, k4 = jax.random.split(key, 4)
    x = jax.random.randint(k1, (4096, 50), 0, NUM_EMBEDDINGS, dtype=jnp.int64 if jax.config.jax_enable_x64 else jnp.int32)
    table = jax.random.normal(k2, (NUM_EMBEDDINGS, EMBED_DIM), dtype=jnp.float32)
    W = jax.random.normal(k3, (EMBED_DIM, OUTPUT_DIM), dtype=jnp.float32) * (1.0 / np.sqrt(EMBED_DIM))
    b = jax.random.normal(k4, (OUTPUT_DIM,), dtype=jnp.float32) * 0.01
    return {"x": x, "table": table, "W": W, "b": b}

def reference(x, table, W, b):
    # nn.Embedding lookup -> gather rows
    emb = jnp.take(table, x, axis=0)  # [B, L, embed_dim]
    # nn.Linear
    out = jnp.einsum('bld,do->blo', emb, W) + b
    return out

if __name__ == "__main__":
    import jax
    _d = setup_inputs()
    print(jax.jit(kernel)(*tuple(_d.values())))

</pallas_src>

<mosaic_0001>
#map = affine_map<(d0, d1) -> (0, 0)>
#map1 = affine_map<(d0, d1) -> (0, 0, 0)>
module attributes {stable_mosaic.version = 14 : i64} {
  func.func @_gather_body(%arg0: i32, %arg1: i32, %arg2: memref<250000x128xf32, #tpu.memory_space<hbm>>, %arg3: memref<32x50x128xi32, #tpu.memory_space<hbm>>, %arg4: memref<204800x128xf32, #tpu.memory_space<hbm>>, %arg5: memref<50x128xi32, #tpu.memory_space<vmem>>, %arg6: memref<256x128xf32, #tpu.memory_space<vmem>>, %arg7: memref<256x128xf32, #tpu.memory_space<vmem>>, %arg8: memref<!tpu.dma_semaphore, #tpu.memory_space<semaphore_mem>>, %arg9: memref<!tpu.dma_semaphore, #tpu.memory_space<semaphore_mem>>) attributes {dimension_semantics = [#tpu.dimension_semantics<core_parallel>, #tpu.dimension_semantics<subcore_parallel>], iteration_bounds = array<i64: 2, 16>, scalar_prefetch = 0 : i64, scratch_operands = 5 : i64, tpu.core_type = #tpu.core_type<sc_vector_subcore>, window_params = [{transform_indices = #map}, {transform_indices = #map1}, {transform_indices = #map}]} {
    %mul3A = arith.constant 2 : i32
    %mul3A_0 = arith.muli %arg1, %mul3A : i32
    %add3A = arith.addi %mul3A_0, %arg0 : i32
    %mul3A_1 = arith.constant 6400 : i32
    %mul3A_2 = arith.muli %add3A, %mul3A_1 : i32
    "tpu.region"() ({
      %run_scoped3A = tpu.sem_alloc : memref<!tpu.dma_semaphore, #tpu.memory_space<semaphore_mem>>
      %dma_start3A_1051 = arith.constant 0 : i32
      %dma_start3A_1052 = arith.constant 0 : i32
      %dma_start3A_1053 = tpu.memref_slice %arg3[%add3A, %dma_start3A_1051, %dma_start3A_1052] : memref<32x50x128xi32, #tpu.memory_space<hbm>> -> memref<1x50x128xi32, #tpu.memory_space<hbm>>
      %dma_start3A_1054 = tpu.memref_squeeze %dma_start3A_1053 : memref<1x50x128xi32, #tpu.memory_space<hbm>> -> memref<50x128xi32, #tpu.memory_space<hbm>>
      %dma_start3A_1055 = arith.constant 0 : i32
      %dma_start3A_1056 = arith.constant 0 : i32
      %dma_start3A_1057 = tpu.memref_slice %arg3[%add3A, %dma_start3A_1055, %dma_start3A_1056] : memref<32x50x128xi32, #tpu.memory_space<hbm>> -> memref<1x50x128xi32, #tpu.memory_space<hbm>>
      %dma_start3A_1058 = tpu.memref_squeeze %dma_start3A_1057 : memref<1x50x128xi32, #tpu.memory_space<hbm>> -> memref<50x128xi32, #tpu.memory_space<hbm>>
      tpu.enqueue_dma source(%dma_start3A_1058 : memref<50x128xi32, #tpu.memory_space<hbm>>) target(%arg5 : memref<50x128xi32, #tpu.memory_space<vmem>>) target_semaphore(%run_scoped3A : memref<!tpu.dma_semaphore, #tpu.memory_space<semaphore_mem>>)
      %dma_wait3A_1059 = arith.constant 0 : i32
      %dma_wait3A_1060 = arith.constant 0 : i32
      %dma_wait3A_1061 = tpu.memref_slice %arg3[%add3A, %dma_wait3A_1059, %dma_wait3A_1060] : memref<32x50x128xi32, #tpu.memory_space<hbm>> -> memref<1x50x128xi32, #tpu.memory_space<hbm>>
      %dma_wait3A_1062 = tpu.memref_squeeze %dma_wait3A_1061 : memref<1x50x128xi32, #tpu.memory_space<hbm>> -> memref<50x128xi32, #tpu.memory_space<hbm>>
      %dma_wait3A_1063 = arith.constant 0 : i32
      %dma_wait3A_1064 = arith.constant 0 : i32
      %dma_wait3A_1065 = tpu.memref_slice %arg3[%add3A, %dma_wait3A_1063, %dma_wait3A_1064] : memref<32x50x128xi32, #tpu.memory_space<hbm>> -> memref<1x50x128xi32, #tpu.memory_space<hbm>>
      %dma_wait3A_1066 = tpu.memref_squeeze %dma_wait3A_1065 : memref<1x50x128xi32, #tpu.memory_space<hbm>> -> memref<50x128xi32, #tpu.memory_space<hbm>>
      tpu.wait_dma2 semaphore(%run_scoped3A : memref<!tpu.dma_semaphore, #tpu.memory_space<semaphore_mem>>) src(%dma_wait3A_1066 : memref<50x128xi32, #tpu.memory_space<hbm>>) dst(%arg5 : memref<50x128xi32, #tpu.memory_space<vmem>>)
      tpu.yield
    }) : () -> ()
    %dma_start3A = arith.constant 0 : i32
    %dma_start3A_3 = arith.constant 0 : i32
    %dma_start3A_4 = arith.constant 0 : i32
    %dma_start3A_5 = tpu.memref_slice %arg6[%dma_start3A_3, %dma_start3A_4] : memref<256x128xf32, #tpu.memory_space<vmem>> -> memref<128x128xf32, #tpu.memory_space<vmem>>
    %dma_start3A_6 = arith.constant 0 : i32
    %dma_start3A_7 = tpu.memref_slice %arg5[%dma_start3A, %dma_start3A_6] : memref<50x128xi32, #tpu.memory_space<vmem>> -> memref<1x128xi32, #tpu.memory_space<vmem>>
    %dma_start3A_8 = tpu.memref_squeeze %dma_start3A_7 : memref<1x128xi32, #tpu.memory_space<vmem>> -> memref<128xi32, #tpu.memory_space<vmem>>
    %dma_start3A_9 = arith.constant 0 : i32
    %dma_start3A_10 = arith.constant 0 : i32
    %dma_start3A_11 = tpu.memref_slice %arg2[%dma_start3A_9, %dma_start3A_10] : memref<250000x128xf32, #tpu.memory_space<hbm>> -> memref<250000x128xf32, #tpu.memory_space<hbm>>
    tpu.enqueue_indirect_dma source(%dma_start3A_11 : memref<250000x128xf32, #tpu.memory_space<hbm>>) target(%dma_start3A_5 : memref<128x128xf32, #tpu.memory_space<vmem>>) offsets(%dma_start3A_8 : memref<128xi32, #tpu.memory_space<vmem>>) semaphore(%arg8 : memref<!tpu.dma_semaphore, #tpu.memory_space<semaphore_mem>>)
    %dma_start3A_12 = arith.constant 1 : i32
    %dma_start3A_13 = arith.constant 128 : i32
    %dma_start3A_14 = arith.constant 0 : i32
    %dma_start3A_15 = tpu.memref_slice %arg6[%dma_start3A_13, %dma_start3A_14] : memref<256x128xf32, #tpu.memory_space<vmem>> -> memref<128x128xf32, #tpu.memory_space<vmem>>
    %dma_start3A_16 = arith.constant 0 : i32
    %dma_start3A_17 = tpu.memref_slice %arg5[%dma_start3A_12, %dma_start3A_16] : memref<50x128xi32, #tpu.memory_space<vmem>> -> memref<1x128xi32, #tpu.memory_space<vmem>>
    %dma_start3A_18 = tpu.memref_squeeze %dma_start3A_17 : memref<1x128xi32, #tpu.memory_space<vmem>> -> memref<128xi32, #tpu.memory_space<vmem>>
    %dma_start3A_19 = arith.constant 0 : i32
    %dma_start3A_20 = arith.constant 0 : i32
    %dma_start3A_21 = tpu.memref_slice %arg2[%dma_start3A_19, %dma_start3A_20] : memref<250000x128xf32, #tpu.memory_space<hbm>> -> memref<250000x128xf32, #tpu.memory_space<hbm>>
    tpu.enqueue_indirect_dma source(%dma_start3A_21 : memref<250000x128xf32, #tpu.memory_space<hbm>>) target(%dma_start3A_15 : memref<128x128xf32, #tpu.memory_space<vmem>>) offsets(%dma_start3A_18 : memref<128xi32, #tpu.memory_space<vmem>>) semaphore(%arg8 : memref<!tpu.dma_semaphore, #tpu.memory_space<semaphore_mem>>)
    %dma_start3A_22 = arith.constant 2 : i32
    %dma_start3A_23 = arith.constant 0 : i32
    %dma_start3A_24 = arith.constant 0 : i32
    %dma_start3A_25 = tpu.memref_slice %arg7[%dma_start3A_23, %dma_start3A_24] : memref<256x128xf32, #tpu.memory_space<vmem>> -> memref<128x128xf32, #tpu.memory_space<vmem>>
    %dma_start3A_26 = arith.constant 0 : i32
    %dma_start3A_27 = tpu.memref_slice %arg5[%dma_start3A_22, %dma_start3A_26] : memref<50x128xi32, #tpu.memory_space<vmem>> -> memref<1x128xi32, #tpu.memory_space<vmem>>
    %dma_start3A_28 = tpu.memref_squeeze %dma_start3A_27 : memref<1x128xi32, #tpu.memory_space<vmem>> -> memref<128xi32, #tpu.memory_space<vmem>>
    %dma_start3A_29 = arith.constant 0 : i32
    %dma_start3A_30 = arith.constant 0 : i32
    %dma_start3A_31 = tpu.memref_slice %arg2[%dma_start3A_29, %dma_start3A_30] : memref<250000x128xf32, #tpu.memory_space<hbm>> -> memref<250000x128xf32, #tpu.memory_space<hbm>>
    tpu.enqueue_indirect_dma source(%dma_start3A_31 : memref<250000x128xf32, #tpu.memory_space<hbm>>) target(%dma_start3A_25 : memref<128x128xf32, #tpu.memory_space<vmem>>) offsets(%dma_start3A_28 : memref<128xi32, #tpu.memory_space<vmem>>) semaphore(%arg9 : memref<!tpu.dma_semaphore, #tpu.memory_space<semaphore_mem>>)
    %dma_start3A_32 = arith.constant 3 : i32
    %dma_start3A_33 = arith.constant 128 : i32
    %dma_start3A_34 = arith.constant 0 : i32
    %dma_start3A_35 = tpu.memref_slice %arg7[%dma_start3A_33, %dma_start3A_34] : memref<256x128xf32, #tpu.memory_space<vmem>> -> memref<128x128xf32, #tpu.memory_space<vmem>>
    %dma_start3A_36 = arith.constant 0 : i32
    %dma_start3A_37 = tpu.memref_slice %arg5[%dma_start3A_32, %dma_start3A_36] : memref<50x128xi32, #tpu.memory_space<vmem>> -> memref<1x128xi32, #tpu.memory_space<vmem>>
    %dma_start3A_38 = tpu.memref_squeeze %dma_start3A_37 : memref<1x128xi32, #tpu.memory_space<vmem>> -> memref<128xi32, #tpu.memory_space<vmem>>
    %dma_start3A_39 = arith.constant 0 : i32
    %dma_start3A_40 = arith.constant 0 : i32
    %dma_start3A_41 = tpu.memref_slice %arg2[%dma_start3A_39, %dma_start3A_40] : memref<250000x128xf32, #tpu.memory_space<hbm>> -> memref<250000x128xf32, #tpu.memory_space<hbm>>
    tpu.enqueue_indirect_dma source(%dma_start3A_41 : memref<250000x128xf32, #tpu.memory_space<hbm>>) target(%dma_start3A_35 : memref<128x128xf32, #tpu.memory_space<vmem>>) offsets(%dma_start3A_38 : memref<128xi32, #tpu.memory_space<vmem>>) semaphore(%arg9 : memref<!tpu.dma_semaphore, #tpu.memory_space<semaphore_mem>>)
    %dma_wait3A = arith.constant 0 : i32
    %dma_wait3A_42 = arith.constant 0 : i32
    %dma_wait3A_43 = arith.constant 0 : i32
    %dma_wait3A_44 = tpu.memref_slice %arg6[%dma_wait3A_42, %dma_wait3A_43] : memref<256x128xf32, #tpu.memory_space<vmem>> -> memref<128x128xf32, #tpu.memory_space<vmem>>
    %dma_wait3A_45 = arith.constant 0 : i32
    %dma_wait3A_46 = tpu.memref_slice %arg5[%dma_wait3A, %dma_wait3A_45] : memref<50x128xi32, #tpu.memory_space<vmem>> -> memref<1x128xi32, #tpu.memory_space<vmem>>
    %dma_wait3A_47 = tpu.memref_squeeze %dma_wait3A_46 : memref<1x128xi32, #tpu.memory_space<vmem>> -> memref<128xi32, #tpu.memory_space<vmem>>
    %dma_wait3A_48 = arith.constant 0 : i32
    %dma_wait3A_49 = arith.constant 0 : i32
    %dma_wait3A_50 = tpu.memref_slice %arg2[%dma_wait3A_48, %dma_wait3A_49] : memref<250000x128xf32, #tpu.memory_space<hbm>> -> memref<250000x128xf32, #tpu.memory_space<hbm>>
    tpu.wait_indirect_dma semaphore(%arg8 : memref<!tpu.dma_semaphore, #tpu.memory_space<semaphore_mem>>) src(%dma_wait3A_50 : memref<250000x128xf32, #tpu.memory_space<hbm>>) dst(%dma_wait3A_44 : memref<128x128xf32, #tpu.memory_space<vmem>>)
    %dma_wait3A_51 = arith.constant 1 : i32
    %dma_wait3A_52 = arith.constant 128 : i32
    %dma_wait3A_53 = arith.constant 0 : i32
    %dma_wait3A_54 = tpu.memref_slice %arg6[%dma_wait3A_52, %dma_wait3A_53] : memref<256x128xf32, #tpu.memory_space<vmem>> -> memref<128x128xf32, #tpu.memory_space<vmem>>
    %dma_wait3A_55 = arith.constant 0 : i32
    %dma_wait3A_56 = tpu.memref_slice %arg5[%dma_wait3A_51, %dma_wait3A_55] : memref<50x128xi32, #tpu.memory_space<vmem>> -> memref<1x128xi32, #tpu.memory_space<vmem>>
    %dma_wait3A_57 = tpu.memref_squeeze %dma_wait3A_56 : memref<1x128xi32, #tpu.memory_space<vmem>> -> memref<128xi32, #tpu.memory_space<vmem>>
    %dma_wait3A_58 = arith.constant 0 : i32
    %dma_wait3A_59 = arith.constant 0 : i32
    %dma_wait3A_60 = tpu.memref_slice %arg2[%dma_wait3A_58, %dma_wait3A_59] : memref<250000x128xf32, #tpu.memory_space<hbm>> -> memref<250000x128xf32, #tpu.memory_space<hbm>>
    tpu.wait_indirect_dma semaphore(%arg8 : memref<!tpu.dma_semaphore, #tpu.memory_space<semaphore_mem>>) src(%dma_wait3A_60 : memref<250000x128xf32, #tpu.memory_space<hbm>>) dst(%dma_wait3A_54 : memref<128x128xf32, #tpu.memory_space<vmem>>)
    %add3A_61 = arith.constant 0 : i32
    %add3A_62 = arith.addi %mul3A_2, %add3A_61 : i32
    "tpu.region"() ({
      %run_scoped3A = tpu.sem_alloc : memref<!tpu.dma_semaphore, #tpu.memory_space<semaphore_mem>>
      %dma_start3A_1051 = arith.constant 0 : i32
      %dma_start3A_1052 = tpu.memref_slice %arg4[%add3A_62, %dma_start3A_1051] : memref<204800x128xf32, #tpu.memory_space<hbm>> -> memref<256x128xf32, #tpu.memory_space<hbm>>
      %dma_start3A_1053 = arith.constant 0 : i32
      %dma_start3A_1054 = tpu.memref_slice %arg4[%add3A_62, %dma_start3A_1053] : memref<204800x128xf32, #tpu.memory_space<hbm>> -> memref<256x128xf32, #tpu.memory_space<hbm>>
      tpu.enqueue_dma source(%arg6 : memref<256x128xf32, #tpu.memory_space<vmem>>) target(%dma_start3A_1054 : memref<256x128xf32, #tpu.memory_space<hbm>>) target_semaphore(%run_scoped3A : memref<!tpu.dma_semaphore, #tpu.memory_space<semaphore_mem>>)
      %dma_wait3A_1055 = arith.constant 0 : i32
      %dma_wait3A_1056 = tpu.memref_slice %arg4[%add3A_62, %dma_wait3A_1055] : memref<204800x128xf32, #tpu.memory_space<hbm>> -> memref<256x128xf32, #tpu.memory_space<hbm>>
      %dma_wait3A_1057 = arith.constant 0 : i32
      %dma_wait3A_1058 = tpu.memref_slice %arg4[%add3A_62, %dma_wait3A_1057] : memref<204800x128xf32, #tpu.memory_space<hbm>> -> memref<256x128xf32, #tpu.memory_space<hbm>>
      tpu.wait_dma2 semaphore(%run_scoped3A : memref<!tpu.dma_semaphore, #tpu.memory_space<semaphore_mem>>) src(%arg6 : memref<256x128xf32, #tpu.memory_space<vmem>>) dst(%dma_wait3A_1058 : memref<256x128xf32, #tpu.memory_space<hbm>>)
      tpu.yield
    }) : () -> ()
    %dma_start3A_63 = arith.constant 4 : i32
    %dma_start3A_64 = arith.constant 0 : i32
    %dma_start3A_65 = arith.constant 0 : i32
    %dma_start3A_66 = tpu.memref_slice %arg6[%dma_start3A_64, %dma_start3A_65] : memref<256x128xf32, #tpu.memory_space<vmem>> -> memref<128x128xf32, #tpu.memory_space<vmem>>
    %dma_start3A_67 = arith.constant 0 : i32
    %dma_start3A_68 = tpu.memref_slice %arg5[%dma_start3A_63, %dma_start3A_67] : memref<50x128xi32, #tpu.memory_space<vmem>> -> memref<1x128xi32, #tpu.memory_space<vmem>>
    %dma_start3A_69 = tpu.memref_squeeze %dma_start3A_68 : memref<1x128xi32, #tpu.memory_space<vmem>> -> memref<128xi32, #tpu.memory_space<vmem>>
    %dma_start3A_70 = arith.constant 0 : i32
    %dma_start3A_71 = arith.constant 0 : i32
    %dma_start3A_72 = tpu.memref_slice %arg2[%dma_start3A_70, %dma_start3A_71] : memref<250000x128xf32, #tpu.memory_space<hbm>> -> memref<250000x128xf32, #tpu.memory_space<hbm>>
    tpu.enqueue_indirect_dma source(%dma_start3A_72 : memref<250000x128xf32, #tpu.memory_space<hbm>>) target(%dma_start3A_66 : memref<128x128xf32, #tpu.memory_space<vmem>>) offsets(%dma_start3A_69 : memref<128xi32, #tpu.memory_space<vmem>>) semaphore(%arg8 : memref<!tpu.dma_semaphore, #tpu.memory_space<semaphore_mem>>)
    %dma_start3A_73 = arith.constant 5 : i32
    %dma_start3A_74 = arith.constant 128 : i32
    %dma_start3A_75 = arith.constant 0 : i32
    %dma_start3A_76 = tpu.memref_slice %arg6[%dma_start3A_74, %dma_start3A_75] : memref<256x128xf32, #tpu.memory_space<vmem>> -> memref<128x128xf32, #tpu.memory_space<vmem>>
    %dma_start3A_77 = arith.constant 0 : i32
    %dma_start3A_78 = tpu.memref_slice %arg5[%dma_start3A_73, %dma_start3A_77] : memref<50x128xi32, #tpu.memory_space<vmem>> -> memref<1x128xi32, #tpu.memory_space<vmem>>
    %dma_start3A_79 = tpu.memref_squeeze %dma_start3A_78 : memref<1x128xi32, #tpu.memory_space<vmem>> -> memref<128xi32, #tpu.memory_space<vmem>>
    %dma_start3A_80 = arith.constant 0 : i32
    %dma_start3A_81 = arith.constant 0 : i32
    %dma_start3A_82 = tpu.memref_slice %arg2[%dma_start3A_80, %dma_start3A_81] : memref<250000x128xf32, #tpu.memory_space<hbm>> -> memref<250000x128xf32, #tpu.memory_space<hbm>>
    tpu.enqueue_indirect_dma source(%dma_start3A_82 : memref<250000x128xf32, #tpu.memory_space<hbm>>) target(%dma_start3A_76 : memref<128x128xf32, #tpu.memory_space<vmem>>) offsets(%dma_start3A_79 : memref<128xi32, #tpu.memory_space<vmem>>) semaphore(%arg8 : memref<!tpu.dma_semaphore, #tpu.memory_space<semaphore_mem>>)
    %dma_wait3A_83 = arith.constant 2 : i32
    %dma_wait3A_84 = arith.constant 0 : i32
    %dma_wait3A_85 = arith.constant 0 : i32
    %dma_wait3A_86 = tpu.memref_slice %arg7[%dma_wait3A_84, %dma_wait3A_85] : memref<256x128xf32, #tpu.memory_space<vmem>> -> memref<128x128xf32, #tpu.memory_space<vmem>>
    %dma_wait3A_87 = arith.constant 0 : i32
    %dma_wait3A_88 = tpu.memref_slice %arg5[%dma_wait3A_83, %dma_wait3A_87] : memref<50x128xi32, #tpu.memory_space<vmem>> -> memref<1x128xi32, #tpu.memory_space<vmem>>
    %dma_wait3A_89 = tpu.memref_squeeze %dma_wait3A_88 : memref<1x128xi32, #tpu.memory_space<vmem>> -> memref<128xi32, #tpu.memory_space<vmem>>
    %dma_wait3A_90 = arith.constant 0 : i32
    %dma_wait3A_91 = arith.constant 0 : i32
    %dma_wait3A_92 = tpu.memref_slice %arg2[%dma_wait3A_90, %dma_wait3A_91] : memref<250000x128xf32, #tpu.memory_space<hbm>> -> memref<250000x128xf32, #tpu.memory_space<hbm>>
    tpu.wait_indirect_dma semaphore(%arg9 : memref<!tpu.dma_semaphore, #tpu.memory_space<semaphore_mem>>) src(%dma_wait3A_92 : memref<250000x128xf32, #tpu.memory_space<hbm>>) dst(%dma_wait3A_86 : memref<128x128xf32, #tpu.memory_space<vmem>>)
    %dma_wait3A_93 = arith.constant 3 : i32
    %dma_wait3A_94 = arith.constant 128 : i32
    %dma_wait3A_95 = arith.constant 0 : i32
    %dma_wait3A_96 = tpu.memref_slice %arg7[%dma_wait3A_94, %dma_wait3A_95] : memref<256x128xf32, #tpu.memory_space<vmem>> -> memref<128x128xf32, #tpu.memory_space<vmem>>
    %dma_wait3A_97 = arith.constant 0 : i32
    %dma_wait3A_98 = tpu.memref_slice %arg5[%dma_wait3A_93, %dma_wait3A_97] : memref<50x128xi32, #tpu.memory_space<vmem>> -> memref<1x128xi32, #tpu.memory_space<vmem>>
    %dma_wait3A_99 = tpu.memref_squeeze %dma_wait3A_98 : memref<1x128xi32, #tpu.memory_space<vmem>> -> memref<128xi32, #tpu.memory_space<vmem>>
    %dma_wait3A_100 = arith.constant 0 : i32
    %dma_wait3A_101 = arith.constant 0 : i32
    %dma_wait3A_102 = tpu.memref_slice %arg2[%dma_wait3A_100, %dma_wait3A_101] : memref<250000x128xf32, #tpu.memory_space<hbm>> -> memref<250000x128xf32, #tpu.memory_space<hbm>>
    tpu.wait_indirect_dma semaphore(%arg9 : memref<!tpu.dma_semaphore, #tpu.memory_space<semaphore_mem>>) src(%dma_wait3A_102 : memref<250000x128xf32, #tpu.memory_space<hbm>>) dst(%dma_wait3A_96 : memref<128x128xf32, #tpu.memory_space<vmem>>)
    %add3A_103 = arith.constant 256 : i32
    %add3A_104 = arith.addi %mul3A_2, %add3A_103 : i32
    "tpu.region"() ({
      %run_scoped3A = tpu.sem_alloc : memref<!tpu.dma_semaphore, #tpu.memory_space<semaphore_mem>>
      %dma_start3A_1051 = arith.constant 0 : i32
      %dma_start3A_1052 = tpu.memref_slice %arg4[%add3A_104, %dma_start3A_1051] : memref<204800x128xf32, #tpu.memory_space<hbm>> -> memref<256x128xf32, #tpu.memory_space<hbm>>
      %dma_start3A_1053 = arith.constant 0 : i32
      %dma_start3A_1054 = tpu.memref_slice %arg4[%add3A_104, %dma_start3A_1053] : memref<204800x128xf32, #tpu.memory_space<hbm>> -> memref<256x128xf32, #tpu.memory_space<hbm>>
      tpu.enqueue_dma source(%arg7 : memref<256x128xf32, #tpu.memory_space<vmem>>) target(%dma_start3A_1054 : memref<256x128xf32, #tpu.memory_space<hbm>>) target_semaphore(%run_scoped3A : memref<!tpu.dma_semaphore, #tpu.memory_space<semaphore_mem>>)
      %dma_wait3A_1055 = arith.constant 0 : i32
      %dma_wait3A_1056 = tpu.memref_slice %arg4[%add3A_104, %dma_wait3A_1055] : memref<204800x128xf32, #tpu.memory_space<hbm>> -> memref<256x128xf32, #tpu.memory_space<hbm>>
      %dma_wait3A_1057 = arith.constant 0 : i32
      %dma_wait3A_1058 = tpu.memref_slice %arg4[%add3A_104, %dma_wait3A_1057] : memref<204800x128xf32, #tpu.memory_space<hbm>> -> memref<256x128xf32, #tpu.memory_space<hbm>>
      tpu.wait_dma2 semaphore(%run_scoped3A : memref<!tpu.dma_semaphore, #tpu.memory_space<semaphore_mem>>) src(%arg7 : memref<256x128xf32, #tpu.memory_space<vmem>>) dst(%dma_wait3A_1058 : memref<256x128xf32, #tpu.memory_space<hbm>>)
      tpu.yield
    }) : () -> ()
    %dma_start3A_105 = arith.constant 6 : i32
    %dma_start3A_106 = arith.constant 0 : i32
    %dma_start3A_107 = arith.constant 0 : i32
    %dma_start3A_108 = tpu.memref_slice %arg7[%dma_start3A_106, %dma_start3A_107] : memref<256x128xf32, #tpu.memory_space<vmem>> -> memref<128x128xf32, #tpu.memory_space<vmem>>
    %dma_start3A_109 = arith.constant 0 : i32
    %dma_start3A_110 = tpu.memref_slice %arg5[%dma_start3A_105, %dma_start3A_109] : memref<50x128xi32, #tpu.memory_space<vmem>> -> memref<1x128xi32, #tpu.memory_space<vmem>>
    %dma_start3A_111 = tpu.memref_squeeze %dma_start3A_110 : memref<1x128xi32, #tpu.memory_space<vmem>> -> memref<128xi32, #tpu.memory_space<vmem>>
    %dma_start3A_112 = arith.constant 0 : i32
    %dma_start3A_113 = arith.constant 0 : i32
    %dma_start3A_114 = tpu.memref_slice %arg2[%dma_start3A_112, %dma_start3A_113] : memref<250000x128xf32, #tpu.memory_space<hbm>> -> memref<250000x128xf32, #tpu.memory_space<hbm>>
    tpu.enqueue_indirect_dma source(%dma_start3A_114 : memref<250000x128xf32, #tpu.memory_space<hbm>>) target(%dma_start3A_108 : memref<128x128xf32, #tpu.memory_space<vmem>>) offsets(%dma_start3A_111 : memref<128xi32, #tpu.memory_space<vmem>>) semaphore(%arg9 : memref<!tpu.dma_semaphore, #tpu.memory_space<semaphore_mem>>)
    %dma_start3A_115 = arith.constant 7 : i32
    %dma_start3A_116 = arith.constant 128 : i32
    %dma_start3A_117 = arith.constant 0 : i32
    %dma_start3A_118 = tpu.memref_slice %arg7[%dma_start3A_116, %dma_start3A_117] : memref<256x128xf32, #tpu.memory_space<vmem>> -> memref<128x128xf32, #tpu.memory_space<vmem>>
    %dma_start3A_119 = arith.constant 0 : i32
    %dma_start3A_120 = tpu.memref_slice %arg5[%dma_start3A_115, %dma_start3A_119] : memref<50x128xi32, #tpu.memory_space<vmem>> -> memref<1x128xi32, #tpu.memory_space<vmem>>
    %dma_start3A_121 = tpu.memref_squeeze %dma_start3A_120 : memref<1x128xi32, #tpu.memory_space<vmem>> -> memref<128xi32, #tpu.memory_space<vmem>>
    %dma_start3A_122 = arith.constant 0 : i32
    %dma_start3A_123 = arith.constant 0 : i32
    %dma_start3A_124 = tpu.memref_slice %arg2[%dma_start3A_122, %dma_start3A_123] : memref<250000x128xf32, #tpu.memory_space<hbm>> -> memref<250000x128xf32, #tpu.memory_space<hbm>>
    tpu.enqueue_indirect_dma source(%dma_start3A_124 : memref<250000x128xf32, #tpu.memory_space<hbm>>) target(%dma_start3A_118 : memref<128x128xf32, #tpu.memory_space<vmem>>) offsets(%dma_start3A_121 : memref<128xi32, #tpu.memory_space<vmem>>) semaphore(%arg9 : memref<!tpu.dma_semaphore, #tpu.memory_space<semaphore_mem>>)
    %dma_wait3A_125 = arith.constant 4 : i32
    %dma_wait3A_126 = arith.constant 0 : i32
    %dma_wait3A_127 = arith.constant 0 : i32
    %dma_wait3A_128 = tpu.memref_slice %arg6[%dma_wait3A_126, %dma_wait3A_127] : memref<256x128xf32, #tpu.memory_space<vmem>> -> memref<128x128xf32, #tpu.memory_space<vmem>>
    %dma_wait3A_129 = arith.constant 0 : i32
    %dma_wait3A_130 = tpu.memref_slice %arg5[%dma_wait3A_125, %dma_wait3A_129] : memref<50x128xi32, #tpu.memory_space<vmem>> -> memref<1x128xi32, #tpu.memory_space<vmem>>
    %dma_wait3A_131 = tpu.memref_squeeze %dma_wait3A_130 : memref<1x128xi32, #tpu.memory_space<vmem>> -> memref<128xi32, #tpu.memory_space<vmem>>
    %dma_wait3A_132 = arith.constant 0 : i32
    %dma_wait3A_133 = arith.constant 0 : i32
    %dma_wait3A_134 = tpu.memref_slice %arg2[%dma_wait3A_132, %dma_wait3A_133] : memref<250000x128xf32, #tpu.memory_space<hbm>> -> memref<250000x128xf32, #tpu.memory_space<hbm>>
    tpu.wait_indirect_dma semaphore(%arg8 : memref<!tpu.dma_semaphore, #tpu.memory_space<semaphore_mem>>) src(%dma_wait3A_134 : memref<250000x128xf32, #tpu.memory_space<hbm>>) dst(%dma_wait3A_128 : memref<128x128xf32, #tpu.memory_space<vmem>>)
    %dma_wait3A_135 = arith.constant 5 : i32
    %dma_wait3A_136 = arith.constant 128 : i32
    %dma_wait3A_137 = arith.constant 0 : i32
    %dma_wait3A_138 = tpu.memref_slice %arg6[%dma_wait3A_136, %dma_wait3A_137] : memref<256x128xf32, #tpu.memory_space<vmem>> -> memref<128x128xf32, #tpu.memory_space<vmem>>
    %dma_wait3A_139 = arith.constant 0 : i32
    %dma_wait3A_140 = tpu.memref_slice %arg5[%dma_wait3A_135, %dma_wait3A_139] : memref<50x128xi32, #tpu.memory_space<vmem>> -> memref<1x128xi32, #tpu.memory_space<vmem>>
    %dma_wait3A_141 = tpu.memref_squeeze %dma_wait3A_140 : memref<1x128xi32, #tpu.memory_space<vmem>> -> memref<128xi32, #tpu.memory_space<vmem>>
    %dma_wait3A_142 = arith.constant 0 : i32
    %dma_wait3A_143 = arith.constant 0 : i32
    %dma_wait3A_144 = tpu.memref_slice %arg2[%dma_wait3A_142, %dma_wait3A_143] : memref<250000x128xf32, #tpu.memory_space<hbm>> -> memref<250000x128xf32, #tpu.memory_space<hbm>>
    tpu.wait_indirect_dma semaphore(%arg8 : memref<!tpu.dma_semaphore, #tpu.memory_space<semaphore_mem>>) src(%dma_wait3A_144 : memref<250000x128xf32, #tpu.memory_space<hbm>>) dst(%dma_wait3A_138 : memref<128x128xf32, #tpu.memory_space<vmem>>)
    %add3A_145 = arith.constant 512 : i32
    %add3A_146 = arith.addi %mul3A_2, %add3A_145 : i32
    "tpu.region"() ({
      %run_scoped3A = tpu.sem_alloc : memref<!tpu.dma_semaphore, #tpu.memory_space<semaphore_mem>>
      %dma_start3A_1051 = arith.constant 0 : i32
      %dma_start3A_1052 = tpu.memref_slice %arg4[%add3A_146, %dma_start3A_1051] : memref<204800x128xf32, #tpu.memory_space<hbm>> -> memref<256x128xf32, #tpu.memory_space<hbm>>
      %dma_start3A_1053 = arith.constant 0 : i32
      %dma_start3A_1054 = tpu.memref_slice %arg4[%add3A_146, %dma_start3A_1053] : memref<204800x128xf32, #tpu.memory_space<hbm>> -> memref<256x128xf32, #tpu.memory_space<hbm>>
      tpu.enqueue_dma source(%arg6 : memref<256x128xf32, #tpu.memory_space<vmem>>) target(%dma_start3A_1054 : memref<256x128xf32, #tpu.memory_space<hbm>>) target_semaphore(%run_scoped3A : memref<!tpu.dma_semaphore, #tpu.memory_space<semaphore_mem>>)
      %dma_wait3A_1055 = arith.constant 0 : i32
      %dma_wait3A_1056 = tpu.memref_slice %arg4[%add3A_146, %dma_wait3A_1055] : memref<204800x128xf32, #tpu.memory_space<hbm>> -> memref<256x128xf32, #tpu.memory_space<hbm>>
      %dma_wait3A_1057 = arith.constant 0 : i32
      %dma_wait3A_1058 = tpu.memref_slice %arg4[%add3A_146, %dma_wait3A_1057] : memref<204800x128xf32, #tpu.memory_space<hbm>> -> memref<256x128xf32, #tpu.memory_space<hbm>>
      tpu.wait_dma2 semaphore(%run_scoped3A : memref<!tpu.dma_semaphore, #tpu.memory_space<semaphore_mem>>) src(%arg6 : memref<256x128xf32, #tpu.memory_space<vmem>>) dst(%dma_wait3A_1058 : memref<256x128xf32, #tpu.memory_space<hbm>>)
      tpu.yield
    }) : () -> ()
    %dma_start3A_147 = arith.constant 8 : i32
    %dma_start3A_148 = arith.constant 0 : i32
    %dma_start3A_149 = arith.constant 0 : i32
    %dma_start3A_150 = tpu.memref_slice %arg6[%dma_start3A_148, %dma_start3A_149] : memref<256x128xf32, #tpu.memory_space<vmem>> -> memref<128x128xf32, #tpu.memory_space<vmem>>
    %dma_start3A_151 = arith.constant 0 : i32
    %dma_start3A_152 = tpu.memref_slice %arg5[%dma_start3A_147, %dma_start3A_151] : memref<50x128xi32, #tpu.memory_space<vmem>> -> memref<1x128xi32, #tpu.memory_space<vmem>>
    %dma_start3A_153 = tpu.memref_squeeze %dma_start3A_152 : memref<1x128xi32, #tpu.memory_space<vmem>> -> memref<128xi32, #tpu.memory_space<vmem>>
    %dma_start3A_154 = arith.constant 0 : i32
    %dma_start3A_155 = arith.constant 0 : i32
    %dma_start3A_156 = tpu.memref_slice %arg2[%dma_start3A_154, %dma_start3A_155] : memref<250000x128xf32, #tpu.memory_space<hbm>> -> memref<250000x128xf32, #tpu.memory_space<hbm>>
    tpu.enqueue_indirect_dma source(%dma_start3A_156 : memref<250000x128xf32, #tpu.memory_space<hbm>>) target(%dma_start3A_150 : memref<128x128xf32, #tpu.memory_space<vmem>>) offsets(%dma_start3A_153 : memref<128xi32, #tpu.memory_space<vmem>>) semaphore(%arg8 : memref<!tpu.dma_semaphore, #tpu.memory_space<semaphore_mem>>)
    %dma_start3A_157 = arith.constant 9 : i32
    %dma_start3A_158 = arith.constant 128 : i32
    %dma_start3A_159 = arith.constant 0 : i32
    %dma_start3A_160 = tpu.memref_slice %arg6[%dma_start3A_158, %dma_start3A_159] : memref<256x128xf32, #tpu.memory_space<vmem>> -> memref<128x128xf32, #tpu.memory_space<vmem>>
    %dma_start3A_161 = arith.constant 0 : i32
    %dma_start3A_162 = tpu.memref_slice %arg5[%dma_start3A_157, %dma_start3A_161] : memref<50x128xi32, #tpu.memory_space<vmem>> -> memref<1x128xi32, #tpu.memory_space<vmem>>
    %dma_start3A_163 = tpu.memref_squeeze %dma_start3A_162 : memref<1x128xi32, #tpu.memory_space<vmem>> -> memref<128xi32, #tpu.memory_space<vmem>>
    %dma_start3A_164 = arith.constant 0 : i32
    %dma_start3A_165 = arith.constant 0 : i32
    %dma_start3A_166 = tpu.memref_slice %arg2[%dma_start3A_164, %dma_start3A_165] : memref<250000x128xf32, #tpu.memory_space<hbm>> -> memref<250000x128xf32, #tpu.memory_space<hbm>>
    tpu.enqueue_indirect_dma source(%dma_start3A_166 : memref<250000x128xf32, #tpu.memory_space<hbm>>) target(%dma_start3A_160 : memref<128x128xf32, #tpu.memory_space<vmem>>) offsets(%dma_start3A_163 : memref<128xi32, #tpu.memory_space<vmem>>) semaphore(%arg8 : memref<!tpu.dma_semaphore, #tpu.memory_space<semaphore_mem>>)
    %dma_wait3A_167 = arith.constant 6 : i32
    %dma_wait3A_168 = arith.constant 0 : i32
    %dma_wait3A_169 = arith.constant 0 : i32
    %dma_wait3A_170 = tpu.memref_slice %arg7[%dma_wait3A_168, %dma_wait3A_169] : memref<256x128xf32, #tpu.memory_space<vmem>> -> memref<128x128xf32, #tpu.memory_space<vmem>>
    %dma_wait3A_171 = arith.constant 0 : i32
    %dma_wait3A_172 = tpu.memref_slice %arg5[%dma_wait3A_167, %dma_wait3A_171] : memref<50x128xi32, #tpu.memory_space<vmem>> -> memref<1x128xi32, #tpu.memory_space<vmem>>
    %dma_wait3A_173 = tpu.memref_squeeze %dma_wait3A_172 : memref<1x128xi32, #tpu.memory_space<vmem>> -> memref<128xi32, #tpu.memory_space<vmem>>
    %dma_wait3A_174 = arith.constant 0 : i32
    %dma_wait3A_175 = arith.constant 0 : i32
    %dma_wait3A_176 = tpu.memref_slice %arg2[%dma_wait3A_174, %dma_wait3A_175] : memref<250000x128xf32, #tpu.memory_space<hbm>> -> memref<250000x128xf32, #tpu.memory_space<hbm>>
    tpu.wait_indirect_dma semaphore(%arg9 : memref<!tpu.dma_semaphore, #tpu.memory_space<semaphore_mem>>) src(%dma_wait3A_176 : memref<250000x128xf32, #tpu.memory_space<hbm>>) dst(%dma_wait3A_170 : memref<128x128xf32, #tpu.memory_space<vmem>>)
    %dma_wait3A_177 = arith.constant 7 : i32
    %dma_wait3A_178 = arith.constant 128 : i32
    %dma_wait3A_179 = arith.constant 0 : i32
    %dma_wait3A_180 = tpu.memref_slice %arg7[%dma_wait3A_178, %dma_wait3A_179] : memref<256x128xf32, #tpu.memory_space<vmem>> -> memref<128x128xf32, #tpu.memory_space<vmem>>
    %dma_wait3A_181 = arith.constant 0 : i32
    %dma_wait3A_182 = tpu.memref_slice %arg5[%dma_wait3A_177, %dma_wait3A_181] : memref<50x128xi32, #tpu.memory_space<vmem>> -> memref<1x128xi32, #tpu.memory_space<vmem>>
    %dma_wait3A_183 = tpu.memref_squeeze %dma_wait3A_182 : memref<1x128xi32, #tpu.memory_space<vmem>> -> memref<128xi32, #tpu.memory_space<vmem>>
    %dma_wait3A_184 = arith.constant 0 : i32
    %dma_wait3A_185 = arith.constant 0 : i32
    %dma_wait3A_186 = tpu.memref_slice %arg2[%dma_wait3A_184, %dma_wait3A_185] : memref<250000x128xf32, #tpu.memory_space<hbm>> -> memref<250000x128xf32, #tpu.memory_space<hbm>>
    tpu.wait_indirect_dma semaphore(%arg9 : memref<!tpu.dma_semaphore, #tpu.memory_space<semaphore_mem>>) src(%dma_wait3A_186 : memref<250000x128xf32, #tpu.memory_space<hbm>>) dst(%dma_wait3A_180 : memref<128x128xf32, #tpu.memory_space<vmem>>)
    %add3A_187 = arith.constant 768 : i32
    %add3A_188 = arith.addi %mul3A_2, %add3A_187 : i32
    "tpu.region"() ({
      %run_scoped3A = tpu.sem_alloc : memref<!tpu.dma_semaphore, #tpu.memory_space<semaphore_mem>>
      %dma_start3A_1051 = arith.constant 0 : i32
      %dma_start3A_1052 = tpu.memref_slice %arg4[%add3A_188, %dma_start3A_1051] : memref<204800x128xf32, #tpu.memory_space<hbm>> -> memref<256x128xf32, #tpu.memory_space<hbm>>
      %dma_start3A_1053 = arith.constant 0 : i32
      %dma_start3A_1054 = tpu.memref_slice %arg4[%add3A_188, %dma_start3A_1053] : memref<204800x128xf32, #tpu.memory_space<hbm>> -> memref<256x128xf32, #tpu.memory_space<hbm>>
      tpu.enqueue_dma source(%arg7 : memref<256x128xf32, #tpu.memory_space<vmem>>) target(%dma_start3A_1054 : memref<256x128xf32, #tpu.memory_space<hbm>>) target_semaphore(%run_scoped3A : memref<!tpu.dma_semaphore, #tpu.memory_space<semaphore_mem>>)
      %dma_wait3A_1055 = arith.constant 0 : i32
      %dma_wait3A_1056 = tpu.memref_slice %arg4[%add3A_188, %dma_wait3A_1055] : memref<204800x128xf32, #tpu.memory_space<hbm>> -> memref<256x128xf32, #tpu.memory_space<hbm>>
      %dma_wait3A_1057 = arith.constant 0 : i32
      %dma_wait3A_1058 = tpu.memref_slice %arg4[%add3A_188, %dma_wait3A_1057] : memref<204800x128xf32, #tpu.memory_space<hbm>> -> memref<256x128xf32, #tpu.memory_space<hbm>>
      tpu.wait_dma2 semaphore(%run_scoped3A : memref<!tpu.dma_semaphore, #tpu.memory_space<semaphore_mem>>) src(%arg7 : memref<256x128xf32, #tpu.memory_space<vmem>>) dst(%dma_wait3A_1058 : memref<256x128xf32, #tpu.memory_space<hbm>>)
      tpu.yield
    }) : () -> ()
    %dma_start3A_189 = arith.constant 10 : i32
    %dma_start3A_190 = arith.constant 0 : i32
    %dma_start3A_191 = arith.constant 0 : i32
    %dma_start3A_192 = tpu.memref_slice %arg7[%dma_start3A_190, %dma_start3A_191] : memref<256x128xf32, #tpu.memory_space<vmem>> -> memref<128x128xf32, #tpu.memory_space<vmem>>
    %dma_start3A_193 = arith.constant 0 : i32
    %dma_start3A_194 = tpu.memref_slice %arg5[%dma_start3A_189, %dma_start3A_193] : memref<50x128xi32, #tpu.memory_space<vmem>> -> memref<1x128xi32, #tpu.memory_space<vmem>>
    %dma_start3A_195 = tpu.memref_squeeze %dma_start3A_194 : memref<1x128xi32, #tpu.memory_space<vmem>> -> memref<128xi32, #tpu.memory_space<vmem>>
    %dma_start3A_196 = arith.constant 0 : i32
    %dma_start3A_197 = arith.constant 0 : i32
    %dma_start3A_198 = tpu.memref_slice %arg2[%dma_start3A_196, %dma_start3A_197] : memref<250000x128xf32, #tpu.memory_space<hbm>> -> memref<250000x128xf32, #tpu.memory_space<hbm>>
    tpu.enqueue_indirect_dma source(%dma_start3A_198 : memref<250000x128xf32, #tpu.memory_space<hbm>>) target(%dma_start3A_192 : memref<128x128xf32, #tpu.memory_space<vmem>>) offsets(%dma_start3A_195 : memref<128xi32, #tpu.memory_space<vmem>>) semaphore(%arg9 : memref<!tpu.dma_semaphore, #tpu.memory_space<semaphore_mem>>)
    %dma_start3A_199 = arith.constant 11 : i32
    %dma_start3A_200 = arith.constant 128 : i32
    %dma_start3A_201 = arith.constant 0 : i32
    %dma_start3A_202 = tpu.memref_slice %arg7[%dma_start3A_200, %dma_start3A_201] : memref<256x128xf32, #tpu.memory_space<vmem>> -> memref<128x128xf32, #tpu.memory_space<vmem>>
    %dma_start3A_203 = arith.constant 0 : i32
    %dma_start3A_204 = tpu.memref_slice %arg5[%dma_start3A_199, %dma_start3A_203] : memref<50x128xi32, #tpu.memory_space<vmem>> -> memref<1x128xi32, #tpu.memory_space<vmem>>
    %dma_start3A_205 = tpu.memref_squeeze %dma_start3A_204 : memref<1x128xi32, #tpu.memory_space<vmem>> -> memref<128xi32, #tpu.memory_space<vmem>>
    %dma_start3A_206 = arith.constant 0 : i32
    %dma_start3A_207 = arith.constant 0 : i32
    %dma_start3A_208 = tpu.memref_slice %arg2[%dma_start3A_206, %dma_start3A_207] : memref<250000x128xf32, #tpu.memory_space<hbm>> -> memref<250000x128xf32, #tpu.memory_space<hbm>>
    tpu.enqueue_indirect_dma source(%dma_start3A_208 : memref<250000x128xf32, #tpu.memory_space<hbm>>) target(%dma_start3A_202 : memref<128x128xf32, #tpu.memory_space<vmem>>) offsets(%dma_start3A_205 : memref<128xi32, #tpu.memory_space<vmem>>) semaphore(%arg9 : memref<!tpu.dma_semaphore, #tpu.memory_space<semaphore_mem>>)
    %dma_wait3A_209 = arith.constant 8 : i32
    %dma_wait3A_210 = arith.constant 0 : i32
    %dma_wait3A_211 = arith.constant 0 : i32
    %dma_wait3A_212 = tpu.memref_slice %arg6[%dma_wait3A_210, %dma_wait3A_211] : memref<256x128xf32, #tpu.memory_space<vmem>> -> memref<128x128xf32, #tpu.memory_space<vmem>>
    %dma_wait3A_213 = arith.constant 0 : i32
    %dma_wait3A_214 = tpu.memref_slice %arg5[%dma_wait3A_209, %dma_wait3A_213] : memref<50x128xi32, #tpu.memory_space<vmem>> -> memref<1x128xi32, #tpu.memory_space<vmem>>
    %dma_wait3A_215 = tpu.memref_squeeze %dma_wait3A_214 : memref<1x128xi32, #tpu.memory_space<vmem>> -> memref<128xi32, #tpu.memory_space<vmem>>
    %dma_wait3A_216 = arith.constant 0 : i32
    %dma_wait3A_217 = arith.constant 0 : i32
    %dma_wait3A_218 = tpu.memref_slice %arg2[%dma_wait3A_216, %dma_wait3A_217] : memref<250000x128xf32, #tpu.memory_space<hbm>> -> memref<250000x128xf32, #tpu.memory_space<hbm>>
    tpu.wait_indirect_dma semaphore(%arg8 : memref<!tpu.dma_semaphore, #tpu.memory_space<semaphore_mem>>) src(%dma_wait3A_218 : memref<250000x128xf32, #tpu.memory_space<hbm>>) dst(%dma_wait3A_212 : memref<128x128xf32, #tpu.memory_space<vmem>>)
    %dma_wait3A_219 = arith.constant 9 : i32
    %dma_wait3A_220 = arith.constant 128 : i32
    %dma_wait3A_221 = arith.constant 0 : i32
    %dma_wait3A_222 = tpu.memref_slice %arg6[%dma_wait3A_220, %dma_wait3A_221] : memref<256x128xf32, #tpu.memory_space<vmem>> -> memref<128x128xf32, #tpu.memory_space<vmem>>
    %dma_wait3A_223 = arith.constant 0 : i32
    %dma_wait3A_224 = tpu.memref_slice %arg5[%dma_wait3A_219, %dma_wait3A_223] : memref<50x128xi32, #tpu.memory_space<vmem>> -> memref<1x128xi32, #tpu.memory_space<vmem>>
    %dma_wait3A_225 = tpu.memref_squeeze %dma_wait3A_224 : memref<1x128xi32, #tpu.memory_space<vmem>> -> memref<128xi32, #tpu.memory_space<vmem>>
    %dma_wait3A_226 = arith.constant 0 : i32
    %dma_wait3A_227 = arith.constant 0 : i32
    %dma_wait3A_228 = tpu.memref_slice %arg2[%dma_wait3A_226, %dma_wait3A_227] : memref<250000x128xf32, #tpu.memory_space<hbm>> -> memref<250000x128xf32, #tpu.memory_space<hbm>>
    tpu.wait_indirect_dma semaphore(%arg8 : memref<!tpu.dma_semaphore, #tpu.memory_space<semaphore_mem>>) src(%dma_wait3A_228 : memref<250000x128xf32, #tpu.memory_space<hbm>>) dst(%dma_wait3A_222 : memref<128x128xf32, #tpu.memory_space<vmem>>)
    %add3A_229 = arith.constant 1024 : i32
    %add3A_230 = arith.addi %mul3A_2, %add3A_229 : i32
    "tpu.region"() ({
      %run_scoped3A = tpu.sem_alloc : memref<!tpu.dma_semaphore, #tpu.memory_space<semaphore_mem>>
      %dma_start3A_1051 = arith.constant 0 : i32
      %dma_start3A_1052 = tpu.memref_slice %arg4[%add3A_230, %dma_start3A_1051] : memref<204800x128xf32, #tpu.memory_space<hbm>> -> memref<256x128xf32, #tpu.memory_space<hbm>>
      %dma_start3A_1053 = arith.constant 0 : i32
      %dma_start3A_1054 = tpu.memref_slice %arg4[%add3A_230, %dma_start3A_1053] : memref<204800x128xf32, #tpu.memory_space<hbm>> -> memref<256x128xf32, #tpu.memory_space<hbm>>
      tpu.enqueue_dma source(%arg6 : memref<256x128xf32, #tpu.memory_space<vmem>>) target(%dma_start3A_1054 : memref<256x128xf32, #tpu.memory_space<hbm>>) target_semaphore(%run_scoped3A : memref<!tpu.dma_semaphore, #tpu.memory_space<semaphore_mem>>)
      %dma_wait3A_1055 = arith.constant 0 : i32
      %dma_wait3A_1056 = tpu.memref_slice %arg4[%add3A_230, %dma_wait3A_1055] : memref<204800x128xf32, #tpu.memory_space<hbm>> -> memref<256x128xf32, #tpu.memory_space<hbm>>
      %dma_wait3A_1057 = arith.constant 0 : i32
      %dma_wait3A_1058 = tpu.memref_slice %arg4[%add3A_230, %dma_wait3A_1057] : memref<204800x128xf32, #tpu.memory_space<hbm>> -> memref<256x128xf32, #tpu.memory_space<hbm>>
      tpu.wait_dma2 semaphore(%run_scoped3A : memref<!tpu.dma_semaphore, #tpu.memory_space<semaphore_mem>>) src(%arg6 : memref<256x128xf32, #tpu.memory_space<vmem>>) dst(%dma_wait3A_1058 : memref<256x128xf32, #tpu.memory_space<hbm>>)
      tpu.yield
    }) : () -> ()
    %dma_start3A_231 = arith.constant 12 : i32
    %dma_start3A_232 = arith.constant 0 : i32
    %dma_start3A_233 = arith.constant 0 : i32
    %dma_start3A_234 = tpu.memref_slice %arg6[%dma_start3A_232, %dma_start3A_233] : memref<256x128xf32, #tpu.memory_space<vmem>> -> memref<128x128xf32, #tpu.memory_space<vmem>>
    %dma_start3A_235 = arith.constant 0 : i32
    %dma_start3A_236 = tpu.memref_slice %arg5[%dma_start3A_231, %dma_start3A_235] : memref<50x128xi32, #tpu.memory_space<vmem>> -> memref<1x128xi32, #tpu.memory_space<vmem>>
    %dma_start3A_237 = tpu.memref_squeeze %dma_start3A_236 : memref<1x128xi32, #tpu.memory_space<vmem>> -> memref<128xi32, #tpu.memory_space<vmem>>
    %dma_start3A_238 = arith.constant 0 : i32
    %dma_start3A_239 = arith.constant 0 : i32
    %dma_start3A_240 = tpu.memref_slice %arg2[%dma_start3A_238, %dma_start3A_239] : memref<250000x128xf32, #tpu.memory_space<hbm>> -> memref<250000x128xf32, #tpu.memory_space<hbm>>
    tpu.enqueue_indirect_dma source(%dma_start3A_240 : memref<250000x128xf32, #tpu.memory_space<hbm>>) target(%dma_start3A_234 : memref<128x128xf32, #tpu.memory_space<vmem>>) offsets(%dma_start3A_237 : memref<128xi32, #tpu.memory_space<vmem>>) semaphore(%arg8 : memref<!tpu.dma_semaphore, #tpu.memory_space<semaphore_mem>>)
    %dma_start3A_241 = arith.constant 13 : i32
    %dma_start3A_242 = arith.constant 128 : i32
    %dma_start3A_243 = arith.constant 0 : i32
    %dma_start3A_244 = tpu.memref_slice %arg6[%dma_start3A_242, %dma_start3A_243] : memref<256x128xf32, #tpu.memory_space<vmem>> -> memref<128x128xf32, #tpu.memory_space<vmem>>
    %dma_start3A_245 = arith.constant 0 : i32
    %dma_start3A_246 = tpu.memref_slice %arg5[%dma_start3A_241, %dma_start3A_245] : memref<50x128xi32, #tpu.memory_space<vmem>> -> memref<1x128xi32, #tpu.memory_space<vmem>>
    %dma_start3A_247 = tpu.memref_squeeze %dma_start3A_246 : memref<1x128xi32, #tpu.memory_space<vmem>> -> memref<128xi32, #tpu.memory_space<vmem>>
    %dma_start3A_248 = arith.constant 0 : i32
    %dma_start3A_249 = arith.constant 0 : i32
    %dma_start3A_250 = tpu.memref_slice %arg2[%dma_start3A_248, %dma_start3A_249] : memref<250000x128xf32, #tpu.memory_space<hbm>> -> memref<250000x128xf32, #tpu.memory_space<hbm>>
    tpu.enqueue_indirect_dma source(%dma_start3A_250 : memref<250000x128xf32, #tpu.memory_space<hbm>>) target(%dma_start3A_244 : memref<128x128xf32, #tpu.memory_space<vmem>>) offsets(%dma_start3A_247 : memref<128xi32, #tpu.memory_space<vmem>>) semaphore(%arg8 : memref<!tpu.dma_semaphore, #tpu.memory_space<semaphore_mem>>)
    %dma_wait3A_251 = arith.constant 10 : i32
    %dma_wait3A_252 = arith.constant 0 : i32
    %dma_wait3A_253 = arith.constant 0 : i32
    %dma_wait3A_254 = tpu.memref_slice %arg7[%dma_wait3A_252, %dma_wait3A_253] : memref<256x128xf32, #tpu.memory_space<vmem>> -> memref<128x128xf32, #tpu.memory_space<vmem>>
    %dma_wait3A_255 = arith.constant 0 : i32
    %dma_wait3A_256 = tpu.memref_slice %arg5[%dma_wait3A_251, %dma_wait3A_255] : memref<50x128xi32, #tpu.memory_space<vmem>> -> memref<1x128xi32, #tpu.memory_space<vmem>>
    %dma_wait3A_257 = tpu.memref_squeeze %dma_wait3A_256 : memref<1x128xi32, #tpu.memory_space<vmem>> -> memref<128xi32, #tpu.memory_space<vmem>>
    %dma_wait3A_258 = arith.constant 0 : i32
    %dma_wait3A_259 = arith.constant 0 : i32
    %dma_wait3A_260 = tpu.memref_slice %arg2[%dma_wait3A_258, %dma_wait3A_259] : memref<250000x128xf32, #tpu.memory_space<hbm>> -> memref<250000x128xf32, #tpu.memory_space<hbm>>
    tpu.wait_indirect_dma semaphore(%arg9 : memref<!tpu.dma_semaphore, #tpu.memory_space<semaphore_mem>>) src(%dma_wait3A_260 : memref<250000x128xf32, #tpu.memory_space<hbm>>) dst(%dma_wait3A_254 : memref<128x128xf32, #tpu.memory_space<vmem>>)
    %dma_wait3A_261 = arith.constant 11 : i32
    %dma_wait3A_262 = arith.constant 128 : i32
    %dma_wait3A_263 = arith.constant 0 : i32
    %dma_wait3A_264 = tpu.memref_slice %arg7[%dma_wait3A_262, %dma_wait3A_263] : memref<256x128xf32, #tpu.memory_space<vmem>> -> memref<128x128xf32, #tpu.memory_space<vmem>>
    %dma_wait3A_265 = arith.constant 0 : i32
    %dma_wait3A_266 = tpu.memref_slice %arg5[%dma_wait3A_261, %dma_wait3A_265] : memref<50x128xi32, #tpu.memory_space<vmem>> -> memref<1x128xi32, #tpu.memory_space<vmem>>
    %dma_wait3A_267 = tpu.memref_squeeze %dma_wait3A_266 : memref<1x128xi32, #tpu.memory_space<vmem>> -> memref<128xi32, #tpu.memory_space<vmem>>
    %dma_wait3A_268 = arith.constant 0 : i32
    %dma_wait3A_269 = arith.constant 0 : i32
    %dma_wait3A_270 = tpu.memref_slice %arg2[%dma_wait3A_268, %dma_wait3A_269] : memref<250000x128xf32, #tpu.memory_space<hbm>> -> memref<250000x128xf32, #tpu.memory_space<hbm>>
    tpu.wait_indirect_dma semaphore(%arg9 : memref<!tpu.dma_semaphore, #tpu.memory_space<semaphore_mem>>) src(%dma_wait3A_270 : memref<250000x128xf32, #tpu.memory_space<hbm>>) dst(%dma_wait3A_264 : memref<128x128xf32, #tpu.memory_space<vmem>>)
    %add3A_271 = arith.constant 1280 : i32
    %add3A_272 = arith.addi %mul3A_2, %add3A_271 : i32
    "tpu.region"() ({
      %run_scoped3A = tpu.sem_alloc : memref<!tpu.dma_semaphore, #tpu.memory_space<semaphore_mem>>
      %dma_start3A_1051 = arith.constant 0 : i32
      %dma_start3A_1052 = tpu.memref_slice %arg4[%add3A_272, %dma_start3A_1051] : memref<204800x128xf32, #tpu.memory_space<hbm>> -> memref<256x128xf32, #tpu.memory_space<hbm>>
      %dma_start3A_1053 = arith.constant 0 : i32
      %dma_start3A_1054 = tpu.memref_slice %arg4[%add3A_272, %dma_start3A_1053] : memref<204800x128xf32, #tpu.memory_space<hbm>> -> memref<256x128xf32, #tpu.memory_space<hbm>>
      tpu.enqueue_dma source(%arg7 : memref<256x128xf32, #tpu.memory_space<vmem>>) target(%dma_start3A_1054 : memref<256x128xf32, #tpu.memory_space<hbm>>) target_semaphore(%run_scoped3A : memref<!tpu.dma_semaphore, #tpu.memory_space<semaphore_mem>>)
      %dma_wait3A_1055 = arith.constant 0 : i32
      %dma_wait3A_1056 = tpu.memref_slice %arg4[%add3A_272, %dma_wait3A_1055] : memref<204800x128xf32, #tpu.memory_space<hbm>> -> memref<256x128xf32, #tpu.memory_space<hbm>>
      %dma_wait3A_1057 = arith.constant 0 : i32
      %dma_wait3A_1058 = tpu.memref_slice %arg4[%add3A_272, %dma_wait3A_1057] : memref<204800x128xf32, #tpu.memory_space<hbm>> -> memref<256x128xf32, #tpu.memory_space<hbm>>
      tpu.wait_dma2 semaphore(%run_scoped3A : memref<!tpu.dma_semaphore, #tpu.memory_space<semaphore_mem>>) src(%arg7 : memref<256x128xf32, #tpu.memory_space<vmem>>) dst(%dma_wait3A_1058 : memref<256x128xf32, #tpu.memory_space<hbm>>)
      tpu.yield
    }) : () -> ()
    %dma_start3A_273 = arith.constant 14 : i32
    %dma_start3A_274 = arith.constant 0 : i32
    %dma_start3A_275 = arith.constant 0 : i32
    %dma_start3A_276 = tpu.memref_slice %arg7[%dma_start3A_274, %dma_start3A_275] : memref<256x128xf32, #tpu.memory_space<vmem>> -> memref<128x128xf32, #tpu.memory_space<vmem>>
    %dma_start3A_277 = arith.constant 0 : i32
    %dma_start3A_278 = tpu.memref_slice %arg5[%dma_start3A_273, %dma_start3A_277] : memref<50x128xi32, #tpu.memory_space<vmem>> -> memref<1x128xi32, #tpu.memory_space<vmem>>
    %dma_start3A_279 = tpu.memref_squeeze %dma_start3A_278 : memref<1x128xi32, #tpu.memory_space<vmem>> -> memref<128xi32, #tpu.memory_space<vmem>>
    %dma_start3A_280 = arith.constant 0 : i32
    %dma_start3A_281 = arith.constant 0 : i32
    %dma_start3A_282 = tpu.memref_slice %arg2[%dma_start3A_280, %dma_start3A_281] : memref<250000x128xf32, #tpu.memory_space<hbm>> -> memref<250000x128xf32, #tpu.memory_space<hbm>>
    tpu.enqueue_indirect_dma source(%dma_start3A_282 : memref<250000x128xf32, #tpu.memory_space<hbm>>) target(%dma_start3A_276 : memref<128x128xf32, #tpu.memory_space<vmem>>) offsets(%dma_start3A_279 : memref<128xi32, #tpu.memory_space<vmem>>) semaphore(%arg9 : memref<!tpu.dma_semaphore, #tpu.memory_space<semaphore_mem>>)
    %dma_start3A_283 = arith.constant 15 : i32
    %dma_start3A_284 = arith.constant 128 : i32
    %dma_start3A_285 = arith.constant 0 : i32
    %dma_start3A_286 = tpu.memref_slice %arg7[%dma_start3A_284, %dma_start3A_285] : memref<256x128xf32, #tpu.memory_space<vmem>> -> memref<128x128xf32, #tpu.memory_space<vmem>>
    %dma_start3A_287 = arith.constant 0 : i32
    %dma_start3A_288 = tpu.memref_slice %arg5[%dma_start3A_283, %dma_start3A_287] : memref<50x128xi32, #tpu.memory_space<vmem>> -> memref<1x128xi32, #tpu.memory_space<vmem>>
    %dma_start3A_289 = tpu.memref_squeeze %dma_start3A_288 : memref<1x128xi32, #tpu.memory_space<vmem>> -> memref<128xi32, #tpu.memory_space<vmem>>
    %dma_start3A_290 = arith.constant 0 : i32
    %dma_start3A_291 = arith.constant 0 : i32
    %dma_start3A_292 = tpu.memref_slice %arg2[%dma_start3A_290, %dma_start3A_291] : memref<250000x128xf32, #tpu.memory_space<hbm>> -> memref<250000x128xf32, #tpu.memory_space<hbm>>
    tpu.enqueue_indirect_dma source(%dma_start3A_292 : memref<250000x128xf32, #tpu.memory_space<hbm>>) target(%dma_start3A_286 : memref<128x128xf32, #tpu.memory_space<vmem>>) offsets(%dma_start3A_289 : memref<128xi32, #tpu.memory_space<vmem>>) semaphore(%arg9 : memref<!tpu.dma_semaphore, #tpu.memory_space<semaphore_mem>>)
    %dma_wait3A_293 = arith.constant 12 : i32
    %dma_wait3A_294 = arith.constant 0 : i32
    %dma_wait3A_295 = arith.constant 0 : i32
    %dma_wait3A_296 = tpu.memref_slice %arg6[%dma_wait3A_294, %dma_wait3A_295] : memref<256x128xf32, #tpu.memory_space<vmem>> -> memref<128x128xf32, #tpu.memory_space<vmem>>
    %dma_wait3A_297 = arith.constant 0 : i32
    %dma_wait3A_298 = tpu.memref_slice %arg5[%dma_wait3A_293, %dma_wait3A_297] : memref<50x128xi32, #tpu.memory_space<vmem>> -> memref<1x128xi32, #tpu.memory_space<vmem>>
    %dma_wait3A_299 = tpu.memref_squeeze %dma_wait3A_298 : memref<1x128xi32, #tpu.memory_space<vmem>> -> memref<128xi32, #tpu.memory_space<vmem>>
    %dma_wait3A_300 = arith.constant 0 : i32
    %dma_wait3A_301 = arith.constant 0 : i32
    %dma_wait3A_302 = tpu.memref_slice %arg2[%dma_wait3A_300, %dma_wait3A_301] : memref<250000x128xf32, #tpu.memory_space<hbm>> -> memref<250000x128xf32, #tpu.memory_space<hbm>>
    tpu.wait_indirect_dma semaphore(%arg8 : memref<!tpu.dma_semaphore, #tpu.memory_space<semaphore_mem>>) src(%dma_wait3A_302 : memref<250000x128xf32, #tpu.memory_space<hbm>>) dst(%dma_wait3A_296 : memref<128x128xf32, #tpu.memory_space<vmem>>)
    %dma_wait3A_303 = arith.constant 13 : i32
    %dma_wait3A_304 = arith.constant 128 : i32
    %dma_wait3A_305 = arith.constant 0 : i32
    %dma_wait3A_306 = tpu.memref_slice %arg6[%dma_wait3A_304, %dma_wait3A_305] : memref<256x128xf32, #tpu.memory_space<vmem>> -> memref<128x128xf32, #tpu.memory_space<vmem>>
    %dma_wait3A_307 = arith.constant 0 : i32
    %dma_wait3A_308 = tpu.memref_slice %arg5[%dma_wait3A_303, %dma_wait3A_307] : memref<50x128xi32, #tpu.memory_space<vmem>> -> memref<1x128xi32, #tpu.memory_space<vmem>>
    %dma_wait3A_309 = tpu.memref_squeeze %dma_wait3A_308 : memref<1x128xi32, #tpu.memory_space<vmem>> -> memref<128xi32, #tpu.memory_space<vmem>>
    %dma_wait3A_310 = arith.constant 0 : i32
    %dma_wait3A_311 = arith.constant 0 : i32
    %dma_wait3A_312 = tpu.memref_slice %arg2[%dma_wait3A_310, %dma_wait3A_311] : memref<250000x128xf32, #tpu.memory_space<hbm>> -> memref<250000x128xf32, #tpu.memory_space<hbm>>
    tpu.wait_indirect_dma semaphore(%arg8 : memref<!tpu.dma_semaphore, #tpu.memory_space<semaphore_mem>>) src(%dma_wait3A_312 : memref<250000x128xf32, #tpu.memory_space<hbm>>) dst(%dma_wait3A_306 : memref<128x128xf32, #tpu.memory_space<vmem>>)
    %add3A_313 = arith.constant 1536 : i32
    %add3A_314 = arith.addi %mul3A_2, %add3A_313 : i32
    "tpu.region"() ({
      %run_scoped3A = tpu.sem_alloc : memref<!tpu.dma_semaphore, #tpu.memory_space<semaphore_mem>>
      %dma_start3A_1051 = arith.constant 0 : i32
      %dma_start3A_1052 = tpu.memref_slice %arg4[%add3A_314, %dma_start3A_1051] : memref<204800x128xf32, #tpu.memory_space<hbm>> -> memref<256x128xf32, #tpu.memory_space<hbm>>
      %dma_start3A_1053 = arith.constant 0 : i32
      %dma_start3A_1054 = tpu.memref_slice %arg4[%add3A_314, %dma_start3A_1053] : memref<204800x128xf32, #tpu.memory_space<hbm>> -> memref<256x128xf32, #tpu.memory_space<hbm>>
      tpu.enqueue_dma source(%arg6 : memref<256x128xf32, #tpu.memory_space<vmem>>) target(%dma_start3A_1054 : memref<256x128xf32, #tpu.memory_space<hbm>>) target_semaphore(%run_scoped3A : memref<!tpu.dma_semaphore, #tpu.memory_space<semaphore_mem>>)
      %dma_wait3A_1055 = arith.constant 0 : i32
      %dma_wait3A_1056 = tpu.memref_slice %arg4[%add3A_314, %dma_wait3A_1055] : memref<204800x128xf32, #tpu.memory_space<hbm>> -> memref<256x128xf32, #tpu.memory_space<hbm>>
      %dma_wait3A_1057 = arith.constant 0 : i32
      %dma_wait3A_1058 = tpu.memref_slice %arg4[%add3A_314, %dma_wait3A_1057] : memref<204800x128xf32, #tpu.memory_space<hbm>> -> memref<256x128xf32, #tpu.memory_space<hbm>>
      tpu.wait_dma2 semaphore(%run_scoped3A : memref<!tpu.dma_semaphore, #tpu.memory_space<semaphore_mem>>) src(%arg6 : memref<256x128xf32, #tpu.memory_space<vmem>>) dst(%dma_wait3A_1058 : memref<256x128xf32, #tpu.memory_space<hbm>>)
      tpu.yield
    }) : () -> ()
    %dma_start3A_315 = arith.constant 16 : i32
    %dma_start3A_316 = arith.constant 0 : i32
    %dma_start3A_317 = arith.constant 0 : i32
    %dma_start3A_318 = tpu.memref_slice %arg6[%dma_start3A_316, %dma_start3A_317] : memref<256x128xf32, #tpu.memory_space<vmem>> -> memref<128x128xf32, #tpu.memory_space<vmem>>
    %dma_start3A_319 = arith.constant 0 : i32
    %dma_start3A_320 = tpu.memref_slice %arg5[%dma_start3A_315, %dma_start3A_319] : memref<50x128xi32, #tpu.memory_space<vmem>> -> memref<1x128xi32, #tpu.memory_space<vmem>>
    %dma_start3A_321 = tpu.memref_squeeze %dma_start3A_320 : memref<1x128xi32, #tpu.memory_space<vmem>> -> memref<128xi32, #tpu.memory_space<vmem>>
    %dma_start3A_322 = arith.constant 0 : i32
    %dma_start3A_323 = arith.constant 0 : i32
    %dma_start3A_324 = tpu.memref_slice %arg2[%dma_start3A_322, %dma_start3A_323] : memref<250000x128xf32, #tpu.memory_space<hbm>> -> memref<250000x128xf32, #tpu.memory_space<hbm>>
    tpu.enqueue_indirect_dma source(%dma_start3A_324 : memref<250000x128xf32, #tpu.memory_space<hbm>>) target(%dma_start3A_318 : memref<128x128xf32, #tpu.memory_space<vmem>>) offsets(%dma_start3A_321 : memref<128xi32, #tpu.memory_space<vmem>>) semaphore(%arg8 : memref<!tpu.dma_semaphore, #tpu.memory_space<semaphore_mem>>)
    %dma_start3A_325 = arith.constant 17 : i32
    %dma_start3A_326 = arith.constant 128 : i32
    %dma_start3A_327 = arith.constant 0 : i32
    %dma_start3A_328 = tpu.memref_slice %arg6[%dma_start3A_326, %dma_start3A_327] : memref<256x128xf32, #tpu.memory_space<vmem>> -> memref<128x128xf32, #tpu.memory_space<vmem>>
    %dma_start3A_329 = arith.constant 0 : i32
    %dma_start3A_330 = tpu.memref_slice %arg5[%dma_start3A_325, %dma_start3A_329] : memref<50x128xi32, #tpu.memory_space<vmem>> -> memref<1x128xi32, #tpu.memory_space<vmem>>
    %dma_start3A_331 = tpu.memref_squeeze %dma_start3A_330 : memref<1x128xi32, #tpu.memory_space<vmem>> -> memref<128xi32, #tpu.memory_space<vmem>>
    %dma_start3A_332 = arith.constant 0 : i32
    %dma_start3A_333 = arith.constant 0 : i32
    %dma_start3A_334 = tpu.memref_slice %arg2[%dma_start3A_332, %dma_start3A_333] : memref<250000x128xf32, #tpu.memory_space<hbm>> -> memref<250000x128xf32, #tpu.memory_space<hbm>>
    tpu.enqueue_indirect_dma source(%dma_start3A_334 : memref<250000x128xf32, #tpu.memory_space<hbm>>) target(%dma_start3A_328 : memref<128x128xf32, #tpu.memory_space<vmem>>) offsets(%dma_start3A_331 : memref<128xi32, #tpu.memory_space<vmem>>) semaphore(%arg8 : memref<!tpu.dma_semaphore, #tpu.memory_space<semaphore_mem>>)
    %dma_wait3A_335 = arith.constant 14 : i32
    %dma_wait3A_336 = arith.constant 0 : i32
    %dma_wait3A_337 = arith.constant 0 : i32
    %dma_wait3A_338 = tpu.memref_slice %arg7[%dma_wait3A_336, %dma_wait3A_337] : memref<256x128xf32, #tpu.memory_space<vmem>> -> memref<128x128xf32, #tpu.memory_space<vmem>>
    %dma_wait3A_339 = arith.constant 0 : i32
    %dma_wait3A_340 = tpu.memref_slice %arg5[%dma_wait3A_335, %dma_wait3A_339] : memref<50x128xi32, #tpu.memory_space<vmem>> -> memref<1x128xi32, #tpu.memory_space<vmem>>
    %dma_wait3A_341 = tpu.memref_squeeze %dma_wait3A_340 : memref<1x128xi32, #tpu.memory_space<vmem>> -> memref<128xi32, #tpu.memory_space<vmem>>
    %dma_wait3A_342 = arith.constant 0 : i32
    %dma_wait3A_343 = arith.constant 0 : i32
    %dma_wait3A_344 = tpu.memref_slice %arg2[%dma_wait3A_342, %dma_wait3A_343] : memref<250000x128xf32, #tpu.memory_space<hbm>> -> memref<250000x128xf32, #tpu.memory_space<hbm>>
    tpu.wait_indirect_dma semaphore(%arg9 : memref<!tpu.dma_semaphore, #tpu.memory_space<semaphore_mem>>) src(%dma_wait3A_344 : memref<250000x128xf32, #tpu.memory_space<hbm>>) dst(%dma_wait3A_338 : memref<128x128xf32, #tpu.memory_space<vmem>>)
    %dma_wait3A_345 = arith.constant 15 : i32
    %dma_wait3A_346 = arith.constant 128 : i32
    %dma_wait3A_347 = arith.constant 0 : i32
    %dma_wait3A_348 = tpu.memref_slice %arg7[%dma_wait3A_346, %dma_wait3A_347] : memref<256x128xf32, #tpu.memory_space<vmem>> -> memref<128x128xf32, #tpu.memory_space<vmem>>
    %dma_wait3A_349 = arith.constant 0 : i32
    %dma_wait3A_350 = tpu.memref_slice %arg5[%dma_wait3A_345, %dma_wait3A_349] : memref<50x128xi32, #tpu.memory_space<vmem>> -> memref<1x128xi32, #tpu.memory_space<vmem>>
    %dma_wait3A_351 = tpu.memref_squeeze %dma_wait3A_350 : memref<1x128xi32, #tpu.memory_space<vmem>> -> memref<128xi32, #tpu.memory_space<vmem>>
    %dma_wait3A_352 = arith.constant 0 : i32
    %dma_wait3A_353 = arith.constant 0 : i32
    %dma_wait3A_354 = tpu.memref_slice %arg2[%dma_wait3A_352, %dma_wait3A_353] : memref<250000x128xf32, #tpu.memory_space<hbm>> -> memref<250000x128xf32, #tpu.memory_space<hbm>>
    tpu.wait_indirect_dma semaphore(%arg9 : memref<!tpu.dma_semaphore, #tpu.memory_space<semaphore_mem>>) src(%dma_wait3A_354 : memref<250000x128xf32, #tpu.memory_space<hbm>>) dst(%dma_wait3A_348 : memref<128x128xf32, #tpu.memory_space<vmem>>)
    %add3A_355 = arith.constant 1792 : i32
    %add3A_356 = arith.addi %mul3A_2, %add3A_355 : i32
    "tpu.region"() ({
      %run_scoped3A = tpu.sem_alloc : memref<!tpu.dma_semaphore, #tpu.memory_space<semaphore_mem>>
      %dma_start3A_1051 = arith.constant 0 : i32
      %dma_start3A_1052 = tpu.memref_slice %arg4[%add3A_356, %dma_start3A_1051] : memref<204800x128xf32, #tpu.memory_space<hbm>> -> memref<256x128xf32, #tpu.memory_space<hbm>>
      %dma_start3A_1053 = arith.constant 0 : i32
      %dma_start3A_1054 = tpu.memref_slice %arg4[%add3A_356, %dma_start3A_1053] : memref<204800x128xf32, #tpu.memory_space<hbm>> -> memref<256x128xf32, #tpu.memory_space<hbm>>
      tpu.enqueue_dma source(%arg7 : memref<256x128xf32, #tpu.memory_space<vmem>>) target(%dma_start3A_1054 : memref<256x128xf32, #tpu.memory_space<hbm>>) target_semaphore(%run_scoped3A : memref<!tpu.dma_semaphore, #tpu.memory_space<semaphore_mem>>)
      %dma_wait3A_1055 = arith.constant 0 : i32
      %dma_wait3A_1056 = tpu.memref_slice %arg4[%add3A_356, %dma_wait3A_1055] : memref<204800x128xf32, #tpu.memory_space<hbm>> -> memref<256x128xf32, #tpu.memory_space<hbm>>
      %dma_wait3A_1057 = arith.constant 0 : i32
      %dma_wait3A_1058 = tpu.memref_slice %arg4[%add3A_356, %dma_wait3A_1057] : memref<204800x128xf32, #tpu.memory_space<hbm>> -> memref<256x128xf32, #tpu.memory_space<hbm>>
      tpu.wait_dma2 semaphore(%run_scoped3A : memref<!tpu.dma_semaphore, #tpu.memory_space<semaphore_mem>>) src(%arg7 : memref<256x128xf32, #tpu.memory_space<vmem>>) dst(%dma_wait3A_1058 : memref<256x128xf32, #tpu.memory_space<hbm>>)
      tpu.yield
    }) : () -> ()
    %dma_start3A_357 = arith.constant 18 : i32
    %dma_start3A_358 = arith.constant 0 : i32
    %dma_start3A_359 = arith.constant 0 : i32
    %dma_start3A_360 = tpu.memref_slice %arg7[%dma_start3A_358, %dma_start3A_359] : memref<256x128xf32, #tpu.memory_space<vmem>> -> memref<128x128xf32, #tpu.memory_space<vmem>>
    %dma_start3A_361 = arith.constant 0 : i32
    %dma_start3A_362 = tpu.memref_slice %arg5[%dma_start3A_357, %dma_start3A_361] : memref<50x128xi32, #tpu.memory_space<vmem>> -> memref<1x128xi32, #tpu.memory_space<vmem>>
    %dma_start3A_363 = tpu.memref_squeeze %dma_start3A_362 : memref<1x128xi32, #tpu.memory_space<vmem>> -> memref<128xi32, #tpu.memory_space<vmem>>
    %dma_start3A_364 = arith.constant 0 : i32
    %dma_start3A_365 = arith.constant 0 : i32
    %dma_start3A_366 = tpu.memref_slice %arg2[%dma_start3A_364, %dma_start3A_365] : memref<250000x128xf32, #tpu.memory_space<hbm>> -> memref<250000x128xf32, #tpu.memory_space<hbm>>
    tpu.enqueue_indirect_dma source(%dma_start3A_366 : memref<250000x128xf32, #tpu.memory_space<hbm>>) target(%dma_start3A_360 : memref<128x128xf32, #tpu.memory_space<vmem>>) offsets(%dma_start3A_363 : memref<128xi32, #tpu.memory_space<vmem>>) semaphore(%arg9 : memref<!tpu.dma_semaphore, #tpu.memory_space<semaphore_mem>>)
    %dma_start3A_367 = arith.constant 19 : i32
    %dma_start3A_368 = arith.constant 128 : i32
    %dma_start3A_369 = arith.constant 0 : i32
    %dma_start3A_370 = tpu.memref_slice %arg7[%dma_start3A_368, %dma_start3A_369] : memref<256x128xf32, #tpu.memory_space<vmem>> -> memref<128x128xf32, #tpu.memory_space<vmem>>
    %dma_start3A_371 = arith.constant 0 : i32
    %dma_start3A_372 = tpu.memref_slice %arg5[%dma_start3A_367, %dma_start3A_371] : memref<50x128xi32, #tpu.memory_space<vmem>> -> memref<1x128xi32, #tpu.memory_space<vmem>>
    %dma_start3A_373 = tpu.memref_squeeze %dma_start3A_372 : memref<1x128xi32, #tpu.memory_space<vmem>> -> memref<128xi32, #tpu.memory_space<vmem>>
    %dma_start3A_374 = arith.constant 0 : i32
    %dma_start3A_375 = arith.constant 0 : i32
    %dma_start3A_376 = tpu.memref_slice %arg2[%dma_start3A_374, %dma_start3A_375] : memref<250000x128xf32, #tpu.memory_space<hbm>> -> memref<250000x128xf32, #tpu.memory_space<hbm>>
    tpu.enqueue_indirect_dma source(%dma_start3A_376 : memref<250000x128xf32, #tpu.memory_space<hbm>>) target(%dma_start3A_370 : memref<128x128xf32, #tpu.memory_space<vmem>>) offsets(%dma_start3A_373 : memref<128xi32, #tpu.memory_space<vmem>>) semaphore(%arg9 : memref<!tpu.dma_semaphore, #tpu.memory_space<semaphore_mem>>)
    %dma_wait3A_377 = arith.constant 16 : i32
    %dma_wait3A_378 = arith.constant 0 : i32
    %dma_wait3A_379 = arith.constant 0 : i32
    %dma_wait3A_380 = tpu.memref_slice %arg6[%dma_wait3A_378, %dma_wait3A_379] : memref<256x128xf32, #tpu.memory_space<vmem>> -> memref<128x128xf32, #tpu.memory_space<vmem>>
    %dma_wait3A_381 = arith.constant 0 : i32
    %dma_wait3A_382 = tpu.memref_slice %arg5[%dma_wait3A_377, %dma_wait3A_381] : memref<50x128xi32, #tpu.memory_space<vmem>> -> memref<1x128xi32, #tpu.memory_space<vmem>>
    %dma_wait3A_383 = tpu.memref_squeeze %dma_wait3A_382 : memref<1x128xi32, #tpu.memory_space<vmem>> -> memref<128xi32, #tpu.memory_space<vmem>>
    %dma_wait3A_384 = arith.constant 0 : i32
    %dma_wait3A_385 = arith.constant 0 : i32
    %dma_wait3A_386 = tpu.memref_slice %arg2[%dma_wait3A_384, %dma_wait3A_385] : memref<250000x128xf32, #tpu.memory_space<hbm>> -> memref<250000x128xf32, #tpu.memory_space<hbm>>
    tpu.wait_indirect_dma semaphore(%arg8 : memref<!tpu.dma_semaphore, #tpu.memory_space<semaphore_mem>>) src(%dma_wait3A_386 : memref<250000x128xf32, #tpu.memory_space<hbm>>) dst(%dma_wait3A_380 : memref<128x128xf32, #tpu.memory_space<vmem>>)
    %dma_wait3A_387 = arith.constant 17 : i32
    %dma_wait3A_388 = arith.constant 128 : i32
    %dma_wait3A_389 = arith.constant 0 : i32
    %dma_wait3A_390 = tpu.memref_slice %arg6[%dma_wait3A_388, %dma_wait3A_389] : memref<256x128xf32, #tpu.memory_space<vmem>> -> memref<128x128xf32, #tpu.memory_space<vmem>>
    %dma_wait3A_391 = arith.constant 0 : i32
    %dma_wait3A_392 = tpu.memref_slice %arg5[%dma_wait3A_387, %dma_wait3A_391] : memref<50x128xi32, #tpu.memory_space<vmem>> -> memref<1x128xi32, #tpu.memory_space<vmem>>
    %dma_wait3A_393 = tpu.memref_squeeze %dma_wait3A_392 : memref<1x128xi32, #tpu.memory_space<vmem>> -> memref<128xi32, #tpu.memory_space<vmem>>
    %dma_wait3A_394 = arith.constant 0 : i32
    %dma_wait3A_395 = arith.constant 0 : i32
    %dma_wait3A_396 = tpu.memref_slice %arg2[%dma_wait3A_394, %dma_wait3A_395] : memref<250000x128xf32, #tpu.memory_space<hbm>> -> memref<250000x128xf32, #tpu.memory_space<hbm>>
    tpu.wait_indirect_dma semaphore(%arg8 : memref<!tpu.dma_semaphore, #tpu.memory_space<semaphore_mem>>) src(%dma_wait3A_396 : memref<250000x128xf32, #tpu.memory_space<hbm>>) dst(%dma_wait3A_390 : memref<128x128xf32, #tpu.memory_space<vmem>>)
    %add3A_397 = arith.constant 2048 : i32
    %add3A_398 = arith.addi %mul3A_2, %add3A_397 : i32
    "tpu.region"() ({
      %run_scoped3A = tpu.sem_alloc : memref<!tpu.dma_semaphore, #tpu.memory_space<semaphore_mem>>
      %dma_start3A_1051 = arith.constant 0 : i32
      %dma_start3A_1052 = tpu.memref_slice %arg4[%add3A_398, %dma_start3A_1051] : memref<204800x128xf32, #tpu.memory_space<hbm>> -> memref<256x128xf32, #tpu.memory_space<hbm>>
      %dma_start3A_1053 = arith.constant 0 : i32
      %dma_start3A_1054 = tpu.memref_slice %arg4[%add3A_398, %dma_start3A_1053] : memref<204800x128xf32, #tpu.memory_space<hbm>> -> memref<256x128xf32, #tpu.memory_space<hbm>>
      tpu.enqueue_dma source(%arg6 : memref<256x128xf32, #tpu.memory_space<vmem>>) target(%dma_start3A_1054 : memref<256x128xf32, #tpu.memory_space<hbm>>) target_semaphore(%run_scoped3A : memref<!tpu.dma_semaphore, #tpu.memory_space<semaphore_mem>>)
      %dma_wait3A_1055 = arith.constant 0 : i32
      %dma_wait3A_1056 = tpu.memref_slice %arg4[%add3A_398, %dma_wait3A_1055] : memref<204800x128xf32, #tpu.memory_space<hbm>> -> memref<256x128xf32, #tpu.memory_space<hbm>>
      %dma_wait3A_1057 = arith.constant 0 : i32
      %dma_wait3A_1058 = tpu.memref_slice %arg4[%add3A_398, %dma_wait3A_1057] : memref<204800x128xf32, #tpu.memory_space<hbm>> -> memref<256x128xf32, #tpu.memory_space<hbm>>
      tpu.wait_dma2 semaphore(%run_scoped3A : memref<!tpu.dma_semaphore, #tpu.memory_space<semaphore_mem>>) src(%arg6 : memref<256x128xf32, #tpu.memory_space<vmem>>) dst(%dma_wait3A_1058 : memref<256x128xf32, #tpu.memory_space<hbm>>)
      tpu.yield
    }) : () -> ()
    %dma_start3A_399 = arith.constant 20 : i32
    %dma_start3A_400 = arith.constant 0 : i32
    %dma_start3A_401 = arith.constant 0 : i32
    %dma_start3A_402 = tpu.memref_slice %arg6[%dma_start3A_400, %dma_start3A_401] : memref<256x128xf32, #tpu.memory_space<vmem>> -> memref<128x128xf32, #tpu.memory_space<vmem>>
    %dma_start3A_403 = arith.constant 0 : i32
    %dma_start3A_404 = tpu.memref_slice %arg5[%dma_start3A_399, %dma_start3A_403] : memref<50x128xi32, #tpu.memory_space<vmem>> -> memref<1x128xi32, #tpu.memory_space<vmem>>
    %dma_start3A_405 = tpu.memref_squeeze %dma_start3A_404 : memref<1x128xi32, #tpu.memory_space<vmem>> -> memref<128xi32, #tpu.memory_space<vmem>>
    %dma_start3A_406 = arith.constant 0 : i32
    %dma_start3A_407 = arith.constant 0 : i32
    %dma_start3A_408 = tpu.memref_slice %arg2[%dma_start3A_406, %dma_start3A_407] : memref<250000x128xf32, #tpu.memory_space<hbm>> -> memref<250000x128xf32, #tpu.memory_space<hbm>>
    tpu.enqueue_indirect_dma source(%dma_start3A_408 : memref<250000x128xf32, #tpu.memory_space<hbm>>) target(%dma_start3A_402 : memref<128x128xf32, #tpu.memory_space<vmem>>) offsets(%dma_start3A_405 : memref<128xi32, #tpu.memory_space<vmem>>) semaphore(%arg8 : memref<!tpu.dma_semaphore, #tpu.memory_space<semaphore_mem>>)
    %dma_start3A_409 = arith.constant 21 : i32
    %dma_start3A_410 = arith.constant 128 : i32
    %dma_start3A_411 = arith.constant 0 : i32
    %dma_start3A_412 = tpu.memref_slice %arg6[%dma_start3A_410, %dma_start3A_411] : memref<256x128xf32, #tpu.memory_space<vmem>> -> memref<128x128xf32, #tpu.memory_space<vmem>>
    %dma_start3A_413 = arith.constant 0 : i32
    %dma_start3A_414 = tpu.memref_slice %arg5[%dma_start3A_409, %dma_start3A_413] : memref<50x128xi32, #tpu.memory_space<vmem>> -> memref<1x128xi32, #tpu.memory_space<vmem>>
    %dma_start3A_415 = tpu.memref_squeeze %dma_start3A_414 : memref<1x128xi32, #tpu.memory_space<vmem>> -> memref<128xi32, #tpu.memory_space<vmem>>
    %dma_start3A_416 = arith.constant 0 : i32
    %dma_start3A_417 = arith.constant 0 : i32
    %dma_start3A_418 = tpu.memref_slice %arg2[%dma_start3A_416, %dma_start3A_417] : memref<250000x128xf32, #tpu.memory_space<hbm>> -> memref<250000x128xf32, #tpu.memory_space<hbm>>
    tpu.enqueue_indirect_dma source(%dma_start3A_418 : memref<250000x128xf32, #tpu.memory_space<hbm>>) target(%dma_start3A_412 : memref<128x128xf32, #tpu.memory_space<vmem>>) offsets(%dma_start3A_415 : memref<128xi32, #tpu.memory_space<vmem>>) semaphore(%arg8 : memref<!tpu.dma_semaphore, #tpu.memory_space<semaphore_mem>>)
    %dma_wait3A_419 = arith.constant 18 : i32
    %dma_wait3A_420 = arith.constant 0 : i32
    %dma_wait3A_421 = arith.constant 0 : i32
    %dma_wait3A_422 = tpu.memref_slice %arg7[%dma_wait3A_420, %dma_wait3A_421] : memref<256x128xf32, #tpu.memory_space<vmem>> -> memref<128x128xf32, #tpu.memory_space<vmem>>
    %dma_wait3A_423 = arith.constant 0 : i32
    %dma_wait3A_424 = tpu.memref_slice %arg5[%dma_wait3A_419, %dma_wait3A_423] : memref<50x128xi32, #tpu.memory_space<vmem>> -> memref<1x128xi32, #tpu.memory_space<vmem>>
    %dma_wait3A_425 = tpu.memref_squeeze %dma_wait3A_424 : memref<1x128xi32, #tpu.memory_space<vmem>> -> memref<128xi32, #tpu.memory_space<vmem>>
    %dma_wait3A_426 = arith.constant 0 : i32
    %dma_wait3A_427 = arith.constant 0 : i32
    %dma_wait3A_428 = tpu.memref_slice %arg2[%dma_wait3A_426, %dma_wait3A_427] : memref<250000x128xf32, #tpu.memory_space<hbm>> -> memref<250000x128xf32, #tpu.memory_space<hbm>>
    tpu.wait_indirect_dma semaphore(%arg9 : memref<!tpu.dma_semaphore, #tpu.memory_space<semaphore_mem>>) src(%dma_wait3A_428 : memref<250000x128xf32, #tpu.memory_space<hbm>>) dst(%dma_wait3A_422 : memref<128x128xf32, #tpu.memory_space<vmem>>)
    %dma_wait3A_429 = arith.constant 19 : i32
    %dma_wait3A_430 = arith.constant 128 : i32
    %dma_wait3A_431 = arith.constant 0 : i32
    %dma_wait3A_432 = tpu.memref_slice %arg7[%dma_wait3A_430, %dma_wait3A_431] : memref<256x128xf32, #tpu.memory_space<vmem>> -> memref<128x128xf32, #tpu.memory_space<vmem>>
    %dma_wait3A_433 = arith.constant 0 : i32
    %dma_wait3A_434 = tpu.memref_slice %arg5[%dma_wait3A_429, %dma_wait3A_433] : memref<50x128xi32, #tpu.memory_space<vmem>> -> memref<1x128xi32, #tpu.memory_space<vmem>>
    %dma_wait3A_435 = tpu.memref_squeeze %dma_wait3A_434 : memref<1x128xi32, #tpu.memory_space<vmem>> -> memref<128xi32, #tpu.memory_space<vmem>>
    %dma_wait3A_436 = arith.constant 0 : i32
    %dma_wait3A_437 = arith.constant 0 : i32
    %dma_wait3A_438 = tpu.memref_slice %arg2[%dma_wait3A_436, %dma_wait3A_437] : memref<250000x128xf32, #tpu.memory_space<hbm>> -> memref<250000x128xf32, #tpu.memory_space<hbm>>
    tpu.wait_indirect_dma semaphore(%arg9 : memref<!tpu.dma_semaphore, #tpu.memory_space<semaphore_mem>>) src(%dma_wait3A_438 : memref<250000x128xf32, #tpu.memory_space<hbm>>) dst(%dma_wait3A_432 : memref<128x128xf32, #tpu.memory_space<vmem>>)
    %add3A_439 = arith.constant 2304 : i32
    %add3A_440 = arith.addi %mul3A_2, %add3A_439 : i32
    "tpu.region"() ({
      %run_scoped3A = tpu.sem_alloc : memref<!tpu.dma_semaphore, #tpu.memory_space<semaphore_mem>>
      %dma_start3A_1051 = arith.constant 0 : i32
      %dma_start3A_1052 = tpu.memref_slice %arg4[%add3A_440, %dma_start3A_1051] : memref<204800x128xf32, #tpu.memory_space<hbm>> -> memref<256x128xf32, #tpu.memory_space<hbm>>
      %dma_start3A_1053 = arith.constant 0 : i32
      %dma_start3A_1054 = tpu.memref_slice %arg4[%add3A_440, %dma_start3A_1053] : memref<204800x128xf32, #tpu.memory_space<hbm>> -> memref<256x128xf32, #tpu.memory_space<hbm>>
      tpu.enqueue_dma source(%arg7 : memref<256x128xf32, #tpu.memory_space<vmem>>) target(%dma_start3A_1054 : memref<256x128xf32, #tpu.memory_space<hbm>>) target_semaphore(%run_scoped3A : memref<!tpu.dma_semaphore, #tpu.memory_space<semaphore_mem>>)
      %dma_wait3A_1055 = arith.constant 0 : i32
      %dma_wait3A_1056 = tpu.memref_slice %arg4[%add3A_440, %dma_wait3A_1055] : memref<204800x128xf32, #tpu.memory_space<hbm>> -> memref<256x128xf32, #tpu.memory_space<hbm>>
      %dma_wait3A_1057 = arith.constant 0 : i32
      %dma_wait3A_1058 = tpu.memref_slice %arg4[%add3A_440, %dma_wait3A_1057] : memref<204800x128xf32, #tpu.memory_space<hbm>> -> memref<256x128xf32, #tpu.memory_space<hbm>>
      tpu.wait_dma2 semaphore(%run_scoped3A : memref<!tpu.dma_semaphore, #tpu.memory_space<semaphore_mem>>) src(%arg7 : memref<256x128xf32, #tpu.memory_space<vmem>>) dst(%dma_wait3A_1058 : memref<256x128xf32, #tpu.memory_space<hbm>>)
      tpu.yield
    }) : () -> ()
    %dma_start3A_441 = arith.constant 22 : i32
    %dma_start3A_442 = arith.constant 0 : i32
    %dma_start3A_443 = arith.constant 0 : i32
    %dma_start3A_444 = tpu.memref_slice %arg7[%dma_start3A_442, %dma_start3A_443] : memref<256x128xf32, #tpu.memory_space<vmem>> -> memref<128x128xf32, #tpu.memory_space<vmem>>
    %dma_start3A_445 = arith.constant 0 : i32
    %dma_start3A_446 = tpu.memref_slice %arg5[%dma_start3A_441, %dma_start3A_445] : memref<50x128xi32, #tpu.memory_space<vmem>> -> memref<1x128xi32, #tpu.memory_space<vmem>>
    %dma_start3A_447 = tpu.memref_squeeze %dma_start3A_446 : memref<1x128xi32, #tpu.memory_space<vmem>> -> memref<128xi32, #tpu.memory_space<vmem>>
    %dma_start3A_448 = arith.constant 0 : i32
    %dma_start3A_449 = arith.constant 0 : i32
    %dma_start3A_450 = tpu.memref_slice %arg2[%dma_start3A_448, %dma_start3A_449] : memref<250000x128xf32, #tpu.memory_space<hbm>> -> memref<250000x128xf32, #tpu.memory_space<hbm>>
    tpu.enqueue_indirect_dma source(%dma_start3A_450 : memref<250000x128xf32, #tpu.memory_space<hbm>>) target(%dma_start3A_444 : memref<128x128xf32, #tpu.memory_space<vmem>>) offsets(%dma_start3A_447 : memref<128xi32, #tpu.memory_space<vmem>>) semaphore(%arg9 : memref<!tpu.dma_semaphore, #tpu.memory_space<semaphore_mem>>)
    %dma_start3A_451 = arith.constant 23 : i32
    %dma_start3A_452 = arith.constant 128 : i32
    %dma_start3A_453 = arith.constant 0 : i32
    %dma_start3A_454 = tpu.memref_slice %arg7[%dma_start3A_452, %dma_start3A_453] : memref<256x128xf32, #tpu.memory_space<vmem>> -> memref<128x128xf32, #tpu.memory_space<vmem>>
    %dma_start3A_455 = arith.constant 0 : i32
    %dma_start3A_456 = tpu.memref_slice %arg5[%dma_start3A_451, %dma_start3A_455] : memref<50x128xi32, #tpu.memory_space<vmem>> -> memref<1x128xi32, #tpu.memory_space<vmem>>
    %dma_start3A_457 = tpu.memref_squeeze %dma_start3A_456 : memref<1x128xi32, #tpu.memory_space<vmem>> -> memref<128xi32, #tpu.memory_space<vmem>>
    %dma_start3A_458 = arith.constant 0 : i32
    %dma_start3A_459 = arith.constant 0 : i32
    %dma_start3A_460 = tpu.memref_slice %arg2[%dma_start3A_458, %dma_start3A_459] : memref<250000x128xf32, #tpu.memory_space<hbm>> -> memref<250000x128xf32, #tpu.memory_space<hbm>>
    tpu.enqueue_indirect_dma source(%dma_start3A_460 : memref<250000x128xf32, #tpu.memory_space<hbm>>) target(%dma_start3A_454 : memref<128x128xf32, #tpu.memory_space<vmem>>) offsets(%dma_start3A_457 : memref<128xi32, #tpu.memory_space<vmem>>) semaphore(%arg9 : memref<!tpu.dma_semaphore, #tpu.memory_space<semaphore_mem>>)
    %dma_wait3A_461 = arith.constant 20 : i32
    %dma_wait3A_462 = arith.constant 0 : i32
    %dma_wait3A_463 = arith.constant 0 : i32
    %dma_wait3A_464 = tpu.memref_slice %arg6[%dma_wait3A_462, %dma_wait3A_463] : memref<256x128xf32, #tpu.memory_space<vmem>> -> memref<128x128xf32, #tpu.memory_space<vmem>>
    %dma_wait3A_465 = arith.constant 0 : i32
    %dma_wait3A_466 = tpu.memref_slice %arg5[%dma_wait3A_461, %dma_wait3A_465] : memref<50x128xi32, #tpu.memory_space<vmem>> -> memref<1x128xi32, #tpu.memory_space<vmem>>
    %dma_wait3A_467 = tpu.memref_squeeze %dma_wait3A_466 : memref<1x128xi32, #tpu.memory_space<vmem>> -> memref<128xi32, #tpu.memory_space<vmem>>
    %dma_wait3A_468 = arith.constant 0 : i32
    %dma_wait3A_469 = arith.constant 0 : i32
    %dma_wait3A_470 = tpu.memref_slice %arg2[%dma_wait3A_468, %dma_wait3A_469] : memref<250000x128xf32, #tpu.memory_space<hbm>> -> memref<250000x128xf32, #tpu.memory_space<hbm>>
    tpu.wait_indirect_dma semaphore(%arg8 : memref<!tpu.dma_semaphore, #tpu.memory_space<semaphore_mem>>) src(%dma_wait3A_470 : memref<250000x128xf32, #tpu.memory_space<hbm>>) dst(%dma_wait3A_464 : memref<128x128xf32, #tpu.memory_space<vmem>>)
    %dma_wait3A_471 = arith.constant 21 : i32
    %dma_wait3A_472 = arith.constant 128 : i32
    %dma_wait3A_473 = arith.constant 0 : i32
    %dma_wait3A_474 = tpu.memref_slice %arg6[%dma_wait3A_472, %dma_wait3A_473] : memref<256x128xf32, #tpu.memory_space<vmem>> -> memref<128x128xf32, #tpu.memory_space<vmem>>
    %dma_wait3A_475 = arith.constant 0 : i32
    %dma_wait3A_476 = tpu.memref_slice %arg5[%dma_wait3A_471, %dma_wait3A_475] : memref<50x128xi32, #tpu.memory_space<vmem>> -> memref<1x128xi32, #tpu.memory_space<vmem>>
    %dma_wait3A_477 = tpu.memref_squeeze %dma_wait3A_476 : memref<1x128xi32, #tpu.memory_space<vmem>> -> memref<128xi32, #tpu.memory_space<vmem>>
    %dma_wait3A_478 = arith.constant 0 : i32
    %dma_wait3A_479 = arith.constant 0 : i32
    %dma_wait3A_480 = tpu.memref_slice %arg2[%dma_wait3A_478, %dma_wait3A_479] : memref<250000x128xf32, #tpu.memory_space<hbm>> -> memref<250000x128xf32, #tpu.memory_space<hbm>>
    tpu.wait_indirect_dma semaphore(%arg8 : memref<!tpu.dma_semaphore, #tpu.memory_space<semaphore_mem>>) src(%dma_wait3A_480 : memref<250000x128xf32, #tpu.memory_space<hbm>>) dst(%dma_wait3A_474 : memref<128x128xf32, #tpu.memory_space<vmem>>)
    %add3A_481 = arith.constant 2560 : i32
    %add3A_482 = arith.addi %mul3A_2, %add3A_481 : i32
    "tpu.region"() ({
      %run_scoped3A = tpu.sem_alloc : memref<!tpu.dma_semaphore, #tpu.memory_space<semaphore_mem>>
      %dma_start3A_1051 = arith.constant 0 : i32
      %dma_start3A_1052 = tpu.memref_slice %arg4[%add3A_482, %dma_start3A_1051] : memref<204800x128xf32, #tpu.memory_space<hbm>> -> memref<256x128xf32, #tpu.memory_space<hbm>>
      %dma_start3A_1053 = arith.constant 0 : i32
      %dma_start3A_1054 = tpu.memref_slice %arg4[%add3A_482, %dma_start3A_1053] : memref<204800x128xf32, #tpu.memory_space<hbm>> -> memref<256x128xf32, #tpu.memory_space<hbm>>
      tpu.enqueue_dma source(%arg6 : memref<256x128xf32, #tpu.memory_space<vmem>>) target(%dma_start3A_1054 : memref<256x128xf32, #tpu.memory_space<hbm>>) target_semaphore(%run_scoped3A : memref<!tpu.dma_semaphore, #tpu.memory_space<semaphore_mem>>)
      %dma_wait3A_1055 = arith.constant 0 : i32
      %dma_wait3A_1056 = tpu.memref_slice %arg4[%add3A_482, %dma_wait3A_1055] : memref<204800x128xf32, #tpu.memory_space<hbm>> -> memref<256x128xf32, #tpu.memory_space<hbm>>
      %dma_wait3A_1057 = arith.constant 0 : i32
      %dma_wait3A_1058 = tpu.memref_slice %arg4[%add3A_482, %dma_wait3A_1057] : memref<204800x128xf32, #tpu.memory_space<hbm>> -> memref<256x128xf32, #tpu.memory_space<hbm>>
      tpu.wait_dma2 semaphore(%run_scoped3A : memref<!tpu.dma_semaphore, #tpu.memory_space<semaphore_mem>>) src(%arg6 : memref<256x128xf32, #tpu.memory_space<vmem>>) dst(%dma_wait3A_1058 : memref<256x128xf32, #tpu.memory_space<hbm>>)
      tpu.yield
    }) : () -> ()
    %dma_start3A_483 = arith.constant 24 : i32
    %dma_start3A_484 = arith.constant 0 : i32
    %dma_start3A_485 = arith.constant 0 : i32
    %dma_start3A_486 = tpu.memref_slice %arg6[%dma_start3A_484, %dma_start3A_485] : memref<256x128xf32, #tpu.memory_space<vmem>> -> memref<128x128xf32, #tpu.memory_space<vmem>>
    %dma_start3A_487 = arith.constant 0 : i32
    %dma_start3A_488 = tpu.memref_slice %arg5[%dma_start3A_483, %dma_start3A_487] : memref<50x128xi32, #tpu.memory_space<vmem>> -> memref<1x128xi32, #tpu.memory_space<vmem>>
    %dma_start3A_489 = tpu.memref_squeeze %dma_start3A_488 : memref<1x128xi32, #tpu.memory_space<vmem>> -> memref<128xi32, #tpu.memory_space<vmem>>
    %dma_start3A_490 = arith.constant 0 : i32
    %dma_start3A_491 = arith.constant 0 : i32
    %dma_start3A_492 = tpu.memref_slice %arg2[%dma_start3A_490, %dma_start3A_491] : memref<250000x128xf32, #tpu.memory_space<hbm>> -> memref<250000x128xf32, #tpu.memory_space<hbm>>
    tpu.enqueue_indirect_dma source(%dma_start3A_492 : memref<250000x128xf32, #tpu.memory_space<hbm>>) target(%dma_start3A_486 : memref<128x128xf32, #tpu.memory_space<vmem>>) offsets(%dma_start3A_489 : memref<128xi32, #tpu.memory_space<vmem>>) semaphore(%arg8 : memref<!tpu.dma_semaphore, #tpu.memory_space<semaphore_mem>>)
    %dma_start3A_493 = arith.constant 25 : i32
    %dma_start3A_494 = arith.constant 128 : i32
    %dma_start3A_495 = arith.constant 0 : i32
    %dma_start3A_496 = tpu.memref_slice %arg6[%dma_start3A_494, %dma_start3A_495] : memref<256x128xf32, #tpu.memory_space<vmem>> -> memref<128x128xf32, #tpu.memory_space<vmem>>
    %dma_start3A_497 = arith.constant 0 : i32
    %dma_start3A_498 = tpu.memref_slice %arg5[%dma_start3A_493, %dma_start3A_497] : memref<50x128xi32, #tpu.memory_space<vmem>> -> memref<1x128xi32, #tpu.memory_space<vmem>>
    %dma_start3A_499 = tpu.memref_squeeze %dma_start3A_498 : memref<1x128xi32, #tpu.memory_space<vmem>> -> memref<128xi32, #tpu.memory_space<vmem>>
    %dma_start3A_500 = arith.constant 0 : i32
    %dma_start3A_501 = arith.constant 0 : i32
    %dma_start3A_502 = tpu.memref_slice %arg2[%dma_start3A_500, %dma_start3A_501] : memref<250000x128xf32, #tpu.memory_space<hbm>> -> memref<250000x128xf32, #tpu.memory_space<hbm>>
    tpu.enqueue_indirect_dma source(%dma_start3A_502 : memref<250000x128xf32, #tpu.memory_space<hbm>>) target(%dma_start3A_496 : memref<128x128xf32, #tpu.memory_space<vmem>>) offsets(%dma_start3A_499 : memref<128xi32, #tpu.memory_space<vmem>>) semaphore(%arg8 : memref<!tpu.dma_semaphore, #tpu.memory_space<semaphore_mem>>)
    %dma_wait3A_503 = arith.constant 22 : i32
    %dma_wait3A_504 = arith.constant 0 : i32
    %dma_wait3A_505 = arith.constant 0 : i32
    %dma_wait3A_506 = tpu.memref_slice %arg7[%dma_wait3A_504, %dma_wait3A_505] : memref<256x128xf32, #tpu.memory_space<vmem>> -> memref<128x128xf32, #tpu.memory_space<vmem>>
    %dma_wait3A_507 = arith.constant 0 : i32
    %dma_wait3A_508 = tpu.memref_slice %arg5[%dma_wait3A_503, %dma_wait3A_507] : memref<50x128xi32, #tpu.memory_space<vmem>> -> memref<1x128xi32, #tpu.memory_space<vmem>>
    %dma_wait3A_509 = tpu.memref_squeeze %dma_wait3A_508 : memref<1x128xi32, #tpu.memory_space<vmem>> -> memref<128xi32, #tpu.memory_space<vmem>>
    %dma_wait3A_510 = arith.constant 0 : i32
    %dma_wait3A_511 = arith.constant 0 : i32
    %dma_wait3A_512 = tpu.memref_slice %arg2[%dma_wait3A_510, %dma_wait3A_511] : memref<250000x128xf32, #tpu.memory_space<hbm>> -> memref<250000x128xf32, #tpu.memory_space<hbm>>
    tpu.wait_indirect_dma semaphore(%arg9 : memref<!tpu.dma_semaphore, #tpu.memory_space<semaphore_mem>>) src(%dma_wait3A_512 : memref<250000x128xf32, #tpu.memory_space<hbm>>) dst(%dma_wait3A_506 : memref<128x128xf32, #tpu.memory_space<vmem>>)
    %dma_wait3A_513 = arith.constant 23 : i32
    %dma_wait3A_514 = arith.constant 128 : i32
    %dma_wait3A_515 = arith.constant 0 : i32
    %dma_wait3A_516 = tpu.memref_slice %arg7[%dma_wait3A_514, %dma_wait3A_515] : memref<256x128xf32, #tpu.memory_space<vmem>> -> memref<128x128xf32, #tpu.memory_space<vmem>>
    %dma_wait3A_517 = arith.constant 0 : i32
    %dma_wait3A_518 = tpu.memref_slice %arg5[%dma_wait3A_513, %dma_wait3A_517] : memref<50x128xi32, #tpu.memory_space<vmem>> -> memref<1x128xi32, #tpu.memory_space<vmem>>
    %dma_wait3A_519 = tpu.memref_squeeze %dma_wait3A_518 : memref<1x128xi32, #tpu.memory_space<vmem>> -> memref<128xi32, #tpu.memory_space<vmem>>
    %dma_wait3A_520 = arith.constant 0 : i32
    %dma_wait3A_521 = arith.constant 0 : i32
    %dma_wait3A_522 = tpu.memref_slice %arg2[%dma_wait3A_520, %dma_wait3A_521] : memref<250000x128xf32, #tpu.memory_space<hbm>> -> memref<250000x128xf32, #tpu.memory_space<hbm>>
    tpu.wait_indirect_dma semaphore(%arg9 : memref<!tpu.dma_semaphore, #tpu.memory_space<semaphore_mem>>) src(%dma_wait3A_522 : memref<250000x128xf32, #tpu.memory_space<hbm>>) dst(%dma_wait3A_516 : memref<128x128xf32, #tpu.memory_space<vmem>>)
    %add3A_523 = arith.constant 2816 : i32
    %add3A_524 = arith.addi %mul3A_2, %add3A_523 : i32
    "tpu.region"() ({
      %run_scoped3A = tpu.sem_alloc : memref<!tpu.dma_semaphore, #tpu.memory_space<semaphore_mem>>
      %dma_start3A_1051 = arith.constant 0 : i32
      %dma_start3A_1052 = tpu.memref_slice %arg4[%add3A_524, %dma_start3A_1051] : memref<204800x128xf32, #tpu.memory_space<hbm>> -> memref<256x128xf32, #tpu.memory_space<hbm>>
      %dma_start3A_1053 = arith.constant 0 : i32
      %dma_start3A_1054 = tpu.memref_slice %arg4[%add3A_524, %dma_start3A_1053] : memref<204800x128xf32, #tpu.memory_space<hbm>> -> memref<256x128xf32, #tpu.memory_space<hbm>>
      tpu.enqueue_dma source(%arg7 : memref<256x128xf32, #tpu.memory_space<vmem>>) target(%dma_start3A_1054 : memref<256x128xf32, #tpu.memory_space<hbm>>) target_semaphore(%run_scoped3A : memref<!tpu.dma_semaphore, #tpu.memory_space<semaphore_mem>>)
      %dma_wait3A_1055 = arith.constant 0 : i32
      %dma_wait3A_1056 = tpu.memref_slice %arg4[%add3A_524, %dma_wait3A_1055] : memref<204800x128xf32, #tpu.memory_space<hbm>> -> memref<256x128xf32, #tpu.memory_space<hbm>>
      %dma_wait3A_1057 = arith.constant 0 : i32
      %dma_wait3A_1058 = tpu.memref_slice %arg4[%add3A_524, %dma_wait3A_1057] : memref<204800x128xf32, #tpu.memory_space<hbm>> -> memref<256x128xf32, #tpu.memory_space<hbm>>
      tpu.wait_dma2 semaphore(%run_scoped3A : memref<!tpu.dma_semaphore, #tpu.memory_space<semaphore_mem>>) src(%arg7 : memref<256x128xf32, #tpu.memory_space<vmem>>) dst(%dma_wait3A_1058 : memref<256x128xf32, #tpu.memory_space<hbm>>)
      tpu.yield
    }) : () -> ()
    %dma_start3A_525 = arith.constant 26 : i32
    %dma_start3A_526 = arith.constant 0 : i32
    %dma_start3A_527 = arith.constant 0 : i32
    %dma_start3A_528 = tpu.memref_slice %arg7[%dma_start3A_526, %dma_start3A_527] : memref<256x128xf32, #tpu.memory_space<vmem>> -> memref<128x128xf32, #tpu.memory_space<vmem>>
    %dma_start3A_529 = arith.constant 0 : i32
    %dma_start3A_530 = tpu.memref_slice %arg5[%dma_start3A_525, %dma_start3A_529] : memref<50x128xi32, #tpu.memory_space<vmem>> -> memref<1x128xi32, #tpu.memory_space<vmem>>
    %dma_start3A_531 = tpu.memref_squeeze %dma_start3A_530 : memref<1x128xi32, #tpu.memory_space<vmem>> -> memref<128xi32, #tpu.memory_space<vmem>>
    %dma_start3A_532 = arith.constant 0 : i32
    %dma_start3A_533 = arith.constant 0 : i32
    %dma_start3A_534 = tpu.memref_slice %arg2[%dma_start3A_532, %dma_start3A_533] : memref<250000x128xf32, #tpu.memory_space<hbm>> -> memref<250000x128xf32, #tpu.memory_space<hbm>>
    tpu.enqueue_indirect_dma source(%dma_start3A_534 : memref<250000x128xf32, #tpu.memory_space<hbm>>) target(%dma_start3A_528 : memref<128x128xf32, #tpu.memory_space<vmem>>) offsets(%dma_start3A_531 : memref<128xi32, #tpu.memory_space<vmem>>) semaphore(%arg9 : memref<!tpu.dma_semaphore, #tpu.memory_space<semaphore_mem>>)
    %dma_start3A_535 = arith.constant 27 : i32
    %dma_start3A_536 = arith.constant 128 : i32
    %dma_start3A_537 = arith.constant 0 : i32
    %dma_start3A_538 = tpu.memref_slice %arg7[%dma_start3A_536, %dma_start3A_537] : memref<256x128xf32, #tpu.memory_space<vmem>> -> memref<128x128xf32, #tpu.memory_space<vmem>>
    %dma_start3A_539 = arith.constant 0 : i32
    %dma_start3A_540 = tpu.memref_slice %arg5[%dma_start3A_535, %dma_start3A_539] : memref<50x128xi32, #tpu.memory_space<vmem>> -> memref<1x128xi32, #tpu.memory_space<vmem>>
    %dma_start3A_541 = tpu.memref_squeeze %dma_start3A_540 : memref<1x128xi32, #tpu.memory_space<vmem>> -> memref<128xi32, #tpu.memory_space<vmem>>
    %dma_start3A_542 = arith.constant 0 : i32
    %dma_start3A_543 = arith.constant 0 : i32
    %dma_start3A_544 = tpu.memref_slice %arg2[%dma_start3A_542, %dma_start3A_543] : memref<250000x128xf32, #tpu.memory_space<hbm>> -> memref<250000x128xf32, #tpu.memory_space<hbm>>
    tpu.enqueue_indirect_dma source(%dma_start3A_544 : memref<250000x128xf32, #tpu.memory_space<hbm>>) target(%dma_start3A_538 : memref<128x128xf32, #tpu.memory_space<vmem>>) offsets(%dma_start3A_541 : memref<128xi32, #tpu.memory_space<vmem>>) semaphore(%arg9 : memref<!tpu.dma_semaphore, #tpu.memory_space<semaphore_mem>>)
    %dma_wait3A_545 = arith.constant 24 : i32
    %dma_wait3A_546 = arith.constant 0 : i32
    %dma_wait3A_547 = arith.constant 0 : i32
    %dma_wait3A_548 = tpu.memref_slice %arg6[%dma_wait3A_546, %dma_wait3A_547] : memref<256x128xf32, #tpu.memory_space<vmem>> -> memref<128x128xf32, #tpu.memory_space<vmem>>
    %dma_wait3A_549 = arith.constant 0 : i32
    %dma_wait3A_550 = tpu.memref_slice %arg5[%dma_wait3A_545, %dma_wait3A_549] : memref<50x128xi32, #tpu.memory_space<vmem>> -> memref<1x128xi32, #tpu.memory_space<vmem>>
    %dma_wait3A_551 = tpu.memref_squeeze %dma_wait3A_550 : memref<1x128xi32, #tpu.memory_space<vmem>> -> memref<128xi32, #tpu.memory_space<vmem>>
    %dma_wait3A_552 = arith.constant 0 : i32
    %dma_wait3A_553 = arith.constant 0 : i32
    %dma_wait3A_554 = tpu.memref_slice %arg2[%dma_wait3A_552, %dma_wait3A_553] : memref<250000x128xf32, #tpu.memory_space<hbm>> -> memref<250000x128xf32, #tpu.memory_space<hbm>>
    tpu.wait_indirect_dma semaphore(%arg8 : memref<!tpu.dma_semaphore, #tpu.memory_space<semaphore_mem>>) src(%dma_wait3A_554 : memref<250000x128xf32, #tpu.memory_space<hbm>>) dst(%dma_wait3A_548 : memref<128x128xf32, #tpu.memory_space<vmem>>)
    %dma_wait3A_555 = arith.constant 25 : i32
    %dma_wait3A_556 = arith.constant 128 : i32
    %dma_wait3A_557 = arith.constant 0 : i32
    %dma_wait3A_558 = tpu.memref_slice %arg6[%dma_wait3A_556, %dma_wait3A_557] : memref<256x128xf32, #tpu.memory_space<vmem>> -> memref<128x128xf32, #tpu.memory_space<vmem>>
    %dma_wait3A_559 = arith.constant 0 : i32
    %dma_wait3A_560 = tpu.memref_slice %arg5[%dma_wait3A_555, %dma_wait3A_559] : memref<50x128xi32, #tpu.memory_space<vmem>> -> memref<1x128xi32, #tpu.memory_space<vmem>>
    %dma_wait3A_561 = tpu.memref_squeeze %dma_wait3A_560 : memref<1x128xi32, #tpu.memory_space<vmem>> -> memref<128xi32, #tpu.memory_space<vmem>>
    %dma_wait3A_562 = arith.constant 0 : i32
    %dma_wait3A_563 = arith.constant 0 : i32
    %dma_wait3A_564 = tpu.memref_slice %arg2[%dma_wait3A_562, %dma_wait3A_563] : memref<250000x128xf32, #tpu.memory_space<hbm>> -> memref<250000x128xf32, #tpu.memory_space<hbm>>
    tpu.wait_indirect_dma semaphore(%arg8 : memref<!tpu.dma_semaphore, #tpu.memory_space<semaphore_mem>>) src(%dma_wait3A_564 : memref<250000x128xf32, #tpu.memory_space<hbm>>) dst(%dma_wait3A_558 : memref<128x128xf32, #tpu.memory_space<vmem>>)
    %add3A_565 = arith.constant 3072 : i32
    %add3A_566 = arith.addi %mul3A_2, %add3A_565 : i32
    "tpu.region"() ({
      %run_scoped3A = tpu.sem_alloc : memref<!tpu.dma_semaphore, #tpu.memory_space<semaphore_mem>>
      %dma_start3A_1051 = arith.constant 0 : i32
      %dma_start3A_1052 = tpu.memref_slice %arg4[%add3A_566, %dma_start3A_1051] : memref<204800x128xf32, #tpu.memory_space<hbm>> -> memref<256x128xf32, #tpu.memory_space<hbm>>
      %dma_start3A_1053 = arith.constant 0 : i32
      %dma_start3A_1054 = tpu.memref_slice %arg4[%add3A_566, %dma_start3A_1053] : memref<204800x128xf32, #tpu.memory_space<hbm>> -> memref<256x128xf32, #tpu.memory_space<hbm>>
      tpu.enqueue_dma source(%arg6 : memref<256x128xf32, #tpu.memory_space<vmem>>) target(%dma_start3A_1054 : memref<256x128xf32, #tpu.memory_space<hbm>>) target_semaphore(%run_scoped3A : memref<!tpu.dma_semaphore, #tpu.memory_space<semaphore_mem>>)
      %dma_wait3A_1055 = arith.constant 0 : i32
      %dma_wait3A_1056 = tpu.memref_slice %arg4[%add3A_566, %dma_wait3A_1055] : memref<204800x128xf32, #tpu.memory_space<hbm>> -> memref<256x128xf32, #tpu.memory_space<hbm>>
      %dma_wait3A_1057 = arith.constant 0 : i32
      %dma_wait3A_1058 = tpu.memref_slice %arg4[%add3A_566, %dma_wait3A_1057] : memref<204800x128xf32, #tpu.memory_space<hbm>> -> memref<256x128xf32, #tpu.memory_space<hbm>>
      tpu.wait_dma2 semaphore(%run_scoped3A : memref<!tpu.dma_semaphore, #tpu.memory_space<semaphore_mem>>) src(%arg6 : memref<256x128xf32, #tpu.memory_space<vmem>>) dst(%dma_wait3A_1058 : memref<256x128xf32, #tpu.memory_space<hbm>>)
      tpu.yield
    }) : () -> ()
    %dma_start3A_567 = arith.constant 28 : i32
    %dma_start3A_568 = arith.constant 0 : i32
    %dma_start3A_569 = arith.constant 0 : i32
    %dma_start3A_570 = tpu.memref_slice %arg6[%dma_start3A_568, %dma_start3A_569] : memref<256x128xf32, #tpu.memory_space<vmem>> -> memref<128x128xf32, #tpu.memory_space<vmem>>
    %dma_start3A_571 = arith.constant 0 : i32
    %dma_start3A_572 = tpu.memref_slice %arg5[%dma_start3A_567, %dma_start3A_571] : memref<50x128xi32, #tpu.memory_space<vmem>> -> memref<1x128xi32, #tpu.memory_space<vmem>>
    %dma_start3A_573 = tpu.memref_squeeze %dma_start3A_572 : memref<1x128xi32, #tpu.memory_space<vmem>> -> memref<128xi32, #tpu.memory_space<vmem>>
    %dma_start3A_574 = arith.constant 0 : i32
    %dma_start3A_575 = arith.constant 0 : i32
    %dma_start3A_576 = tpu.memref_slice %arg2[%dma_start3A_574, %dma_start3A_575] : memref<250000x128xf32, #tpu.memory_space<hbm>> -> memref<250000x128xf32, #tpu.memory_space<hbm>>
    tpu.enqueue_indirect_dma source(%dma_start3A_576 : memref<250000x128xf32, #tpu.memory_space<hbm>>) target(%dma_start3A_570 : memref<128x128xf32, #tpu.memory_space<vmem>>) offsets(%dma_start3A_573 : memref<128xi32, #tpu.memory_space<vmem>>) semaphore(%arg8 : memref<!tpu.dma_semaphore, #tpu.memory_space<semaphore_mem>>)
    %dma_start3A_577 = arith.constant 29 : i32
    %dma_start3A_578 = arith.constant 128 : i32
    %dma_start3A_579 = arith.constant 0 : i32
    %dma_start3A_580 = tpu.memref_slice %arg6[%dma_start3A_578, %dma_start3A_579] : memref<256x128xf32, #tpu.memory_space<vmem>> -> memref<128x128xf32, #tpu.memory_space<vmem>>
    %dma_start3A_581 = arith.constant 0 : i32
    %dma_start3A_582 = tpu.memref_slice %arg5[%dma_start3A_577, %dma_start3A_581] : memref<50x128xi32, #tpu.memory_space<vmem>> -> memref<1x128xi32, #tpu.memory_space<vmem>>
    %dma_start3A_583 = tpu.memref_squeeze %dma_start3A_582 : memref<1x128xi32, #tpu.memory_space<vmem>> -> memref<128xi32, #tpu.memory_space<vmem>>
    %dma_start3A_584 = arith.constant 0 : i32
    %dma_start3A_585 = arith.constant 0 : i32
    %dma_start3A_586 = tpu.memref_slice %arg2[%dma_start3A_584, %dma_start3A_585] : memref<250000x128xf32, #tpu.memory_space<hbm>> -> memref<250000x128xf32, #tpu.memory_space<hbm>>
    tpu.enqueue_indirect_dma source(%dma_start3A_586 : memref<250000x128xf32, #tpu.memory_space<hbm>>) target(%dma_start3A_580 : memref<128x128xf32, #tpu.memory_space<vmem>>) offsets(%dma_start3A_583 : memref<128xi32, #tpu.memory_space<vmem>>) semaphore(%arg8 : memref<!tpu.dma_semaphore, #tpu.memory_space<semaphore_mem>>)
    %dma_wait3A_587 = arith.constant 26 : i32
    %dma_wait3A_588 = arith.constant 0 : i32
    %dma_wait3A_589 = arith.constant 0 : i32
    %dma_wait3A_590 = tpu.memref_slice %arg7[%dma_wait3A_588, %dma_wait3A_589] : memref<256x128xf32, #tpu.memory_space<vmem>> -> memref<128x128xf32, #tpu.memory_space<vmem>>
    %dma_wait3A_591 = arith.constant 0 : i32
    %dma_wait3A_592 = tpu.memref_slice %arg5[%dma_wait3A_587, %dma_wait3A_591] : memref<50x128xi32, #tpu.memory_space<vmem>> -> memref<1x128xi32, #tpu.memory_space<vmem>>
    %dma_wait3A_593 = tpu.memref_squeeze %dma_wait3A_592 : memref<1x128xi32, #tpu.memory_space<vmem>> -> memref<128xi32, #tpu.memory_space<vmem>>
    %dma_wait3A_594 = arith.constant 0 : i32
    %dma_wait3A_595 = arith.constant 0 : i32
    %dma_wait3A_596 = tpu.memref_slice %arg2[%dma_wait3A_594, %dma_wait3A_595] : memref<250000x128xf32, #tpu.memory_space<hbm>> -> memref<250000x128xf32, #tpu.memory_space<hbm>>
    tpu.wait_indirect_dma semaphore(%arg9 : memref<!tpu.dma_semaphore, #tpu.memory_space<semaphore_mem>>) src(%dma_wait3A_596 : memref<250000x128xf32, #tpu.memory_space<hbm>>) dst(%dma_wait3A_590 : memref<128x128xf32, #tpu.memory_space<vmem>>)
    %dma_wait3A_597 = arith.constant 27 : i32
    %dma_wait3A_598 = arith.constant 128 : i32
    %dma_wait3A_599 = arith.constant 0 : i32
    %dma_wait3A_600 = tpu.memref_slice %arg7[%dma_wait3A_598, %dma_wait3A_599] : memref<256x128xf32, #tpu.memory_space<vmem>> -> memref<128x128xf32, #tpu.memory_space<vmem>>
    %dma_wait3A_601 = arith.constant 0 : i32
    %dma_wait3A_602 = tpu.memref_slice %arg5[%dma_wait3A_597, %dma_wait3A_601] : memref<50x128xi32, #tpu.memory_space<vmem>> -> memref<1x128xi32, #tpu.memory_space<vmem>>
    %dma_wait3A_603 = tpu.memref_squeeze %dma_wait3A_602 : memref<1x128xi32, #tpu.memory_space<vmem>> -> memref<128xi32, #tpu.memory_space<vmem>>
    %dma_wait3A_604 = arith.constant 0 : i32
    %dma_wait3A_605 = arith.constant 0 : i32
    %dma_wait3A_606 = tpu.memref_slice %arg2[%dma_wait3A_604, %dma_wait3A_605] : memref<250000x128xf32, #tpu.memory_space<hbm>> -> memref<250000x128xf32, #tpu.memory_space<hbm>>
    tpu.wait_indirect_dma semaphore(%arg9 : memref<!tpu.dma_semaphore, #tpu.memory_space<semaphore_mem>>) src(%dma_wait3A_606 : memref<250000x128xf32, #tpu.memory_space<hbm>>) dst(%dma_wait3A_600 : memref<128x128xf32, #tpu.memory_space<vmem>>)
    %add3A_607 = arith.constant 3328 : i32
    %add3A_608 = arith.addi %mul3A_2, %add3A_607 : i32
    "tpu.region"() ({
      %run_scoped3A = tpu.sem_alloc : memref<!tpu.dma_semaphore, #tpu.memory_space<semaphore_mem>>
      %dma_start3A_1051 = arith.constant 0 : i32
      %dma_start3A_1052 = tpu.memref_slice %arg4[%add3A_608, %dma_start3A_1051] : memref<204800x128xf32, #tpu.memory_space<hbm>> -> memref<256x128xf32, #tpu.memory_space<hbm>>
      %dma_start3A_1053 = arith.constant 0 : i32
      %dma_start3A_1054 = tpu.memref_slice %arg4[%add3A_608, %dma_start3A_1053] : memref<204800x128xf32, #tpu.memory_space<hbm>> -> memref<256x128xf32, #tpu.memory_space<hbm>>
      tpu.enqueue_dma source(%arg7 : memref<256x128xf32, #tpu.memory_space<vmem>>) target(%dma_start3A_1054 : memref<256x128xf32, #tpu.memory_space<hbm>>) target_semaphore(%run_scoped3A : memref<!tpu.dma_semaphore, #tpu.memory_space<semaphore_mem>>)
      %dma_wait3A_1055 = arith.constant 0 : i32
      %dma_wait3A_1056 = tpu.memref_slice %arg4[%add3A_608, %dma_wait3A_1055] : memref<204800x128xf32, #tpu.memory_space<hbm>> -> memref<256x128xf32, #tpu.memory_space<hbm>>
      %dma_wait3A_1057 = arith.constant 0 : i32
      %dma_wait3A_1058 = tpu.memref_slice %arg4[%add3A_608, %dma_wait3A_1057] : memref<204800x128xf32, #tpu.memory_space<hbm>> -> memref<256x128xf32, #tpu.memory_space<hbm>>
      tpu.wait_dma2 semaphore(%run_scoped3A : memref<!tpu.dma_semaphore, #tpu.memory_space<semaphore_mem>>) src(%arg7 : memref<256x128xf32, #tpu.memory_space<vmem>>) dst(%dma_wait3A_1058 : memref<256x128xf32, #tpu.memory_space<hbm>>)
      tpu.yield
    }) : () -> ()
    %dma_start3A_609 = arith.constant 30 : i32
    %dma_start3A_610 = arith.constant 0 : i32
    %dma_start3A_611 = arith.constant 0 : i32
    %dma_start3A_612 = tpu.memref_slice %arg7[%dma_start3A_610, %dma_start3A_611] : memref<256x128xf32, #tpu.memory_space<vmem>> -> memref<128x128xf32, #tpu.memory_space<vmem>>
    %dma_start3A_613 = arith.constant 0 : i32
    %dma_start3A_614 = tpu.memref_slice %arg5[%dma_start3A_609, %dma_start3A_613] : memref<50x128xi32, #tpu.memory_space<vmem>> -> memref<1x128xi32, #tpu.memory_space<vmem>>
    %dma_start3A_615 = tpu.memref_squeeze %dma_start3A_614 : memref<1x128xi32, #tpu.memory_space<vmem>> -> memref<128xi32, #tpu.memory_space<vmem>>
    %dma_start3A_616 = arith.constant 0 : i32
    %dma_start3A_617 = arith.constant 0 : i32
    %dma_start3A_618 = tpu.memref_slice %arg2[%dma_start3A_616, %dma_start3A_617] : memref<250000x128xf32, #tpu.memory_space<hbm>> -> memref<250000x128xf32, #tpu.memory_space<hbm>>
    tpu.enqueue_indirect_dma source(%dma_start3A_618 : memref<250000x128xf32, #tpu.memory_space<hbm>>) target(%dma_start3A_612 : memref<128x128xf32, #tpu.memory_space<vmem>>) offsets(%dma_start3A_615 : memref<128xi32, #tpu.memory_space<vmem>>) semaphore(%arg9 : memref<!tpu.dma_semaphore, #tpu.memory_space<semaphore_mem>>)
    %dma_start3A_619 = arith.constant 31 : i32
    %dma_start3A_620 = arith.constant 128 : i32
    %dma_start3A_621 = arith.constant 0 : i32
    %dma_start3A_622 = tpu.memref_slice %arg7[%dma_start3A_620, %dma_start3A_621] : memref<256x128xf32, #tpu.memory_space<vmem>> -> memref<128x128xf32, #tpu.memory_space<vmem>>
    %dma_start3A_623 = arith.constant 0 : i32
    %dma_start3A_624 = tpu.memref_slice %arg5[%dma_start3A_619, %dma_start3A_623] : memref<50x128xi32, #tpu.memory_space<vmem>> -> memref<1x128xi32, #tpu.memory_space<vmem>>
    %dma_start3A_625 = tpu.memref_squeeze %dma_start3A_624 : memref<1x128xi32, #tpu.memory_space<vmem>> -> memref<128xi32, #tpu.memory_space<vmem>>
    %dma_start3A_626 = arith.constant 0 : i32
    %dma_start3A_627 = arith.constant 0 : i32
    %dma_start3A_628 = tpu.memref_slice %arg2[%dma_start3A_626, %dma_start3A_627] : memref<250000x128xf32, #tpu.memory_space<hbm>> -> memref<250000x128xf32, #tpu.memory_space<hbm>>
    tpu.enqueue_indirect_dma source(%dma_start3A_628 : memref<250000x128xf32, #tpu.memory_space<hbm>>) target(%dma_start3A_622 : memref<128x128xf32, #tpu.memory_space<vmem>>) offsets(%dma_start3A_625 : memref<128xi32, #tpu.memory_space<vmem>>) semaphore(%arg9 : memref<!tpu.dma_semaphore, #tpu.memory_space<semaphore_mem>>)
    %dma_wait3A_629 = arith.constant 28 : i32
    %dma_wait3A_630 = arith.constant 0 : i32
    %dma_wait3A_631 = arith.constant 0 : i32
    %dma_wait3A_632 = tpu.memref_slice %arg6[%dma_wait3A_630, %dma_wait3A_631] : memref<256x128xf32, #tpu.memory_space<vmem>> -> memref<128x128xf32, #tpu.memory_space<vmem>>
    %dma_wait3A_633 = arith.constant 0 : i32
    %dma_wait3A_634 = tpu.memref_slice %arg5[%dma_wait3A_629, %dma_wait3A_633] : memref<50x128xi32, #tpu.memory_space<vmem>> -> memref<1x128xi32, #tpu.memory_space<vmem>>
    %dma_wait3A_635 = tpu.memref_squeeze %dma_wait3A_634 : memref<1x128xi32, #tpu.memory_space<vmem>> -> memref<128xi32, #tpu.memory_space<vmem>>
    %dma_wait3A_636 = arith.constant 0 : i32
    %dma_wait3A_637 = arith.constant 0 : i32
    %dma_wait3A_638 = tpu.memref_slice %arg2[%dma_wait3A_636, %dma_wait3A_637] : memref<250000x128xf32, #tpu.memory_space<hbm>> -> memref<250000x128xf32, #tpu.memory_space<hbm>>
    tpu.wait_indirect_dma semaphore(%arg8 : memref<!tpu.dma_semaphore, #tpu.memory_space<semaphore_mem>>) src(%dma_wait3A_638 : memref<250000x128xf32, #tpu.memory_space<hbm>>) dst(%dma_wait3A_632 : memref<128x128xf32, #tpu.memory_space<vmem>>)
    %dma_wait3A_639 = arith.constant 29 : i32
    %dma_wait3A_640 = arith.constant 128 : i32
    %dma_wait3A_641 = arith.constant 0 : i32
    %dma_wait3A_642 = tpu.memref_slice %arg6[%dma_wait3A_640, %dma_wait3A_641] : memref<256x128xf32, #tpu.memory_space<vmem>> -> memref<128x128xf32, #tpu.memory_space<vmem>>
    %dma_wait3A_643 = arith.constant 0 : i32
    %dma_wait3A_644 = tpu.memref_slice %arg5[%dma_wait3A_639, %dma_wait3A_643] : memref<50x128xi32, #tpu.memory_space<vmem>> -> memref<1x128xi32, #tpu.memory_space<vmem>>
    %dma_wait3A_645 = tpu.memref_squeeze %dma_wait3A_644 : memref<1x128xi32, #tpu.memory_space<vmem>> -> memref<128xi32, #tpu.memory_space<vmem>>
    %dma_wait3A_646 = arith.constant 0 : i32
    %dma_wait3A_647 = arith.constant 0 : i32
    %dma_wait3A_648 = tpu.memref_slice %arg2[%dma_wait3A_646, %dma_wait3A_647] : memref<250000x128xf32, #tpu.memory_space<hbm>> -> memref<250000x128xf32, #tpu.memory_space<hbm>>
    tpu.wait_indirect_dma semaphore(%arg8 : memref<!tpu.dma_semaphore, #tpu.memory_space<semaphore_mem>>) src(%dma_wait3A_648 : memref<250000x128xf32, #tpu.memory_space<hbm>>) dst(%dma_wait3A_642 : memref<128x128xf32, #tpu.memory_space<vmem>>)
    %add3A_649 = arith.constant 3584 : i32
    %add3A_650 = arith.addi %mul3A_2, %add3A_649 : i32
    "tpu.region"() ({
      %run_scoped3A = tpu.sem_alloc : memref<!tpu.dma_semaphore, #tpu.memory_space<semaphore_mem>>
      %dma_start3A_1051 = arith.constant 0 : i32
      %dma_start3A_1052 = tpu.memref_slice %arg4[%add3A_650, %dma_start3A_1051] : memref<204800x128xf32, #tpu.memory_space<hbm>> -> memref<256x128xf32, #tpu.memory_space<hbm>>
      %dma_start3A_1053 = arith.constant 0 : i32
      %dma_start3A_1054 = tpu.memref_slice %arg4[%add3A_650, %dma_start3A_1053] : memref<204800x128xf32, #tpu.memory_space<hbm>> -> memref<256x128xf32, #tpu.memory_space<hbm>>
      tpu.enqueue_dma source(%arg6 : memref<256x128xf32, #tpu.memory_space<vmem>>) target(%dma_start3A_1054 : memref<256x128xf32, #tpu.memory_space<hbm>>) target_semaphore(%run_scoped3A : memref<!tpu.dma_semaphore, #tpu.memory_space<semaphore_mem>>)
      %dma_wait3A_1055 = arith.constant 0 : i32
      %dma_wait3A_1056 = tpu.memref_slice %arg4[%add3A_650, %dma_wait3A_1055] : memref<204800x128xf32, #tpu.memory_space<hbm>> -> memref<256x128xf32, #tpu.memory_space<hbm>>
      %dma_wait3A_1057 = arith.constant 0 : i32
      %dma_wait3A_1058 = tpu.memref_slice %arg4[%add3A_650, %dma_wait3A_1057] : memref<204800x128xf32, #tpu.memory_space<hbm>> -> memref<256x128xf32, #tpu.memory_space<hbm>>
      tpu.wait_dma2 semaphore(%run_scoped3A : memref<!tpu.dma_semaphore, #tpu.memory_space<semaphore_mem>>) src(%arg6 : memref<256x128xf32, #tpu.memory_space<vmem>>) dst(%dma_wait3A_1058 : memref<256x128xf32, #tpu.memory_space<hbm>>)
      tpu.yield
    }) : () -> ()
    %dma_start3A_651 = arith.constant 32 : i32
    %dma_start3A_652 = arith.constant 0 : i32
    %dma_start3A_653 = arith.constant 0 : i32
    %dma_start3A_654 = tpu.memref_slice %arg6[%dma_start3A_652, %dma_start3A_653] : memref<256x128xf32, #tpu.memory_space<vmem>> -> memref<128x128xf32, #tpu.memory_space<vmem>>
    %dma_start3A_655 = arith.constant 0 : i32
    %dma_start3A_656 = tpu.memref_slice %arg5[%dma_start3A_651, %dma_start3A_655] : memref<50x128xi32, #tpu.memory_space<vmem>> -> memref<1x128xi32, #tpu.memory_space<vmem>>
    %dma_start3A_657 = tpu.memref_squeeze %dma_start3A_656 : memref<1x128xi32, #tpu.memory_space<vmem>> -> memref<128xi32, #tpu.memory_space<vmem>>
    %dma_start3A_658 = arith.constant 0 : i32
    %dma_start3A_659 = arith.constant 0 : i32
    %dma_start3A_660 = tpu.memref_slice %arg2[%dma_start3A_658, %dma_start3A_659] : memref<250000x128xf32, #tpu.memory_space<hbm>> -> memref<250000x128xf32, #tpu.memory_space<hbm>>
    tpu.enqueue_indirect_dma source(%dma_start3A_660 : memref<250000x128xf32, #tpu.memory_space<hbm>>) target(%dma_start3A_654 : memref<128x128xf32, #tpu.memory_space<vmem>>) offsets(%dma_start3A_657 : memref<128xi32, #tpu.memory_space<vmem>>) semaphore(%arg8 : memref<!tpu.dma_semaphore, #tpu.memory_space<semaphore_mem>>)
    %dma_start3A_661 = arith.constant 33 : i32
    %dma_start3A_662 = arith.constant 128 : i32
    %dma_start3A_663 = arith.constant 0 : i32
    %dma_start3A_664 = tpu.memref_slice %arg6[%dma_start3A_662, %dma_start3A_663] : memref<256x128xf32, #tpu.memory_space<vmem>> -> memref<128x128xf32, #tpu.memory_space<vmem>>
    %dma_start3A_665 = arith.constant 0 : i32
    %dma_start3A_666 = tpu.memref_slice %arg5[%dma_start3A_661, %dma_start3A_665] : memref<50x128xi32, #tpu.memory_space<vmem>> -> memref<1x128xi32, #tpu.memory_space<vmem>>
    %dma_start3A_667 = tpu.memref_squeeze %dma_start3A_666 : memref<1x128xi32, #tpu.memory_space<vmem>> -> memref<128xi32, #tpu.memory_space<vmem>>
    %dma_start3A_668 = arith.constant 0 : i32
    %dma_start3A_669 = arith.constant 0 : i32
    %dma_start3A_670 = tpu.memref_slice %arg2[%dma_start3A_668, %dma_start3A_669] : memref<250000x128xf32, #tpu.memory_space<hbm>> -> memref<250000x128xf32, #tpu.memory_space<hbm>>
    tpu.enqueue_indirect_dma source(%dma_start3A_670 : memref<250000x128xf32, #tpu.memory_space<hbm>>) target(%dma_start3A_664 : memref<128x128xf32, #tpu.memory_space<vmem>>) offsets(%dma_start3A_667 : memref<128xi32, #tpu.memory_space<vmem>>) semaphore(%arg8 : memref<!tpu.dma_semaphore, #tpu.memory_space<semaphore_mem>>)
    %dma_wait3A_671 = arith.constant 30 : i32
    %dma_wait3A_672 = arith.constant 0 : i32
    %dma_wait3A_673 = arith.constant 0 : i32
    %dma_wait3A_674 = tpu.memref_slice %arg7[%dma_wait3A_672, %dma_wait3A_673] : memref<256x128xf32, #tpu.memory_space<vmem>> -> memref<128x128xf32, #tpu.memory_space<vmem>>
    %dma_wait3A_675 = arith.constant 0 : i32
    %dma_wait3A_676 = tpu.memref_slice %arg5[%dma_wait3A_671, %dma_wait3A_675] : memref<50x128xi32, #tpu.memory_space<vmem>> -> memref<1x128xi32, #tpu.memory_space<vmem>>
    %dma_wait3A_677 = tpu.memref_squeeze %dma_wait3A_676 : memref<1x128xi32, #tpu.memory_space<vmem>> -> memref<128xi32, #tpu.memory_space<vmem>>
    %dma_wait3A_678 = arith.constant 0 : i32
    %dma_wait3A_679 = arith.constant 0 : i32
    %dma_wait3A_680 = tpu.memref_slice %arg2[%dma_wait3A_678, %dma_wait3A_679] : memref<250000x128xf32, #tpu.memory_space<hbm>> -> memref<250000x128xf32, #tpu.memory_space<hbm>>
    tpu.wait_indirect_dma semaphore(%arg9 : memref<!tpu.dma_semaphore, #tpu.memory_space<semaphore_mem>>) src(%dma_wait3A_680 : memref<250000x128xf32, #tpu.memory_space<hbm>>) dst(%dma_wait3A_674 : memref<128x128xf32, #tpu.memory_space<vmem>>)
    %dma_wait3A_681 = arith.constant 31 : i32
    %dma_wait3A_682 = arith.constant 128 : i32
    %dma_wait3A_683 = arith.constant 0 : i32
    %dma_wait3A_684 = tpu.memref_slice %arg7[%dma_wait3A_682, %dma_wait3A_683] : memref<256x128xf32, #tpu.memory_space<vmem>> -> memref<128x128xf32, #tpu.memory_space<vmem>>
    %dma_wait3A_685 = arith.constant 0 : i32
    %dma_wait3A_686 = tpu.memref_slice %arg5[%dma_wait3A_681, %dma_wait3A_685] : memref<50x128xi32, #tpu.memory_space<vmem>> -> memref<1x128xi32, #tpu.memory_space<vmem>>
    %dma_wait3A_687 = tpu.memref_squeeze %dma_wait3A_686 : memref<1x128xi32, #tpu.memory_space<vmem>> -> memref<128xi32, #tpu.memory_space<vmem>>
    %dma_wait3A_688 = arith.constant 0 : i32
    %dma_wait3A_689 = arith.constant 0 : i32
    %dma_wait3A_690 = tpu.memref_slice %arg2[%dma_wait3A_688, %dma_wait3A_689] : memref<250000x128xf32, #tpu.memory_space<hbm>> -> memref<250000x128xf32, #tpu.memory_space<hbm>>
    tpu.wait_indirect_dma semaphore(%arg9 : memref<!tpu.dma_semaphore, #tpu.memory_space<semaphore_mem>>) src(%dma_wait3A_690 : memref<250000x128xf32, #tpu.memory_space<hbm>>) dst(%dma_wait3A_684 : memref<128x128xf32, #tpu.memory_space<vmem>>)
    %add3A_691 = arith.constant 3840 : i32
    %add3A_692 = arith.addi %mul3A_2, %add3A_691 : i32
    "tpu.region"() ({
      %run_scoped3A = tpu.sem_alloc : memref<!tpu.dma_semaphore, #tpu.memory_space<semaphore_mem>>
      %dma_start3A_1051 = arith.constant 0 : i32
      %dma_start3A_1052 = tpu.memref_slice %arg4[%add3A_692, %dma_start3A_1051] : memref<204800x128xf32, #tpu.memory_space<hbm>> -> memref<256x128xf32, #tpu.memory_space<hbm>>
      %dma_start3A_1053 = arith.constant 0 : i32
      %dma_start3A_1054 = tpu.memref_slice %arg4[%add3A_692, %dma_start3A_1053] : memref<204800x128xf32, #tpu.memory_space<hbm>> -> memref<256x128xf32, #tpu.memory_space<hbm>>
      tpu.enqueue_dma source(%arg7 : memref<256x128xf32, #tpu.memory_space<vmem>>) target(%dma_start3A_1054 : memref<256x128xf32, #tpu.memory_space<hbm>>) target_semaphore(%run_scoped3A : memref<!tpu.dma_semaphore, #tpu.memory_space<semaphore_mem>>)
      %dma_wait3A_1055 = arith.constant 0 : i32
      %dma_wait3A_1056 = tpu.memref_slice %arg4[%add3A_692, %dma_wait3A_1055] : memref<204800x128xf32, #tpu.memory_space<hbm>> -> memref<256x128xf32, #tpu.memory_space<hbm>>
      %dma_wait3A_1057 = arith.constant 0 : i32
      %dma_wait3A_1058 = tpu.memref_slice %arg4[%add3A_692, %dma_wait3A_1057] : memref<204800x128xf32, #tpu.memory_space<hbm>> -> memref<256x128xf32, #tpu.memory_space<hbm>>
      tpu.wait_dma2 semaphore(%run_scoped3A : memref<!tpu.dma_semaphore, #tpu.memory_space<semaphore_mem>>) src(%arg7 : memref<256x128xf32, #tpu.memory_space<vmem>>) dst(%dma_wait3A_1058 : memref<256x128xf32, #tpu.memory_space<hbm>>)
      tpu.yield
    }) : () -> ()
    %dma_start3A_693 = arith.constant 34 : i32
    %dma_start3A_694 = arith.constant 0 : i32
    %dma_start3A_695 = arith.constant 0 : i32
    %dma_start3A_696 = tpu.memref_slice %arg7[%dma_start3A_694, %dma_start3A_695] : memref<256x128xf32, #tpu.memory_space<vmem>> -> memref<128x128xf32, #tpu.memory_space<vmem>>
    %dma_start3A_697 = arith.constant 0 : i32
    %dma_start3A_698 = tpu.memref_slice %arg5[%dma_start3A_693, %dma_start3A_697] : memref<50x128xi32, #tpu.memory_space<vmem>> -> memref<1x128xi32, #tpu.memory_space<vmem>>
    %dma_start3A_699 = tpu.memref_squeeze %dma_start3A_698 : memref<1x128xi32, #tpu.memory_space<vmem>> -> memref<128xi32, #tpu.memory_space<vmem>>
    %dma_start3A_700 = arith.constant 0 : i32
    %dma_start3A_701 = arith.constant 0 : i32
    %dma_start3A_702 = tpu.memref_slice %arg2[%dma_start3A_700, %dma_start3A_701] : memref<250000x128xf32, #tpu.memory_space<hbm>> -> memref<250000x128xf32, #tpu.memory_space<hbm>>
    tpu.enqueue_indirect_dma source(%dma_start3A_702 : memref<250000x128xf32, #tpu.memory_space<hbm>>) target(%dma_start3A_696 : memref<128x128xf32, #tpu.memory_space<vmem>>) offsets(%dma_start3A_699 : memref<128xi32, #tpu.memory_space<vmem>>) semaphore(%arg9 : memref<!tpu.dma_semaphore, #tpu.memory_space<semaphore_mem>>)
    %dma_start3A_703 = arith.constant 35 : i32
    %dma_start3A_704 = arith.constant 128 : i32
    %dma_start3A_705 = arith.constant 0 : i32
    %dma_start3A_706 = tpu.memref_slice %arg7[%dma_start3A_704, %dma_start3A_705] : memref<256x128xf32, #tpu.memory_space<vmem>> -> memref<128x128xf32, #tpu.memory_space<vmem>>
    %dma_start3A_707 = arith.constant 0 : i32
    %dma_start3A_708 = tpu.memref_slice %arg5[%dma_start3A_703, %dma_start3A_707] : memref<50x128xi32, #tpu.memory_space<vmem>> -> memref<1x128xi32, #tpu.memory_space<vmem>>
    %dma_start3A_709 = tpu.memref_squeeze %dma_start3A_708 : memref<1x128xi32, #tpu.memory_space<vmem>> -> memref<128xi32, #tpu.memory_space<vmem>>
    %dma_start3A_710 = arith.constant 0 : i32
    %dma_start3A_711 = arith.constant 0 : i32
    %dma_start3A_712 = tpu.memref_slice %arg2[%dma_start3A_710, %dma_start3A_711] : memref<250000x128xf32, #tpu.memory_space<hbm>> -> memref<250000x128xf32, #tpu.memory_space<hbm>>
    tpu.enqueue_indirect_dma source(%dma_start3A_712 : memref<250000x128xf32, #tpu.memory_space<hbm>>) target(%dma_start3A_706 : memref<128x128xf32, #tpu.memory_space<vmem>>) offsets(%dma_start3A_709 : memref<128xi32, #tpu.memory_space<vmem>>) semaphore(%arg9 : memref<!tpu.dma_semaphore, #tpu.memory_space<semaphore_mem>>)
    %dma_wait3A_713 = arith.constant 32 : i32
    %dma_wait3A_714 = arith.constant 0 : i32
    %dma_wait3A_715 = arith.constant 0 : i32
    %dma_wait3A_716 = tpu.memref_slice %arg6[%dma_wait3A_714, %dma_wait3A_715] : memref<256x128xf32, #tpu.memory_space<vmem>> -> memref<128x128xf32, #tpu.memory_space<vmem>>
    %dma_wait3A_717 = arith.constant 0 : i32
    %dma_wait3A_718 = tpu.memref_slice %arg5[%dma_wait3A_713, %dma_wait3A_717] : memref<50x128xi32, #tpu.memory_space<vmem>> -> memref<1x128xi32, #tpu.memory_space<vmem>>
    %dma_wait3A_719 = tpu.memref_squeeze %dma_wait3A_718 : memref<1x128xi32, #tpu.memory_space<vmem>> -> memref<128xi32, #tpu.memory_space<vmem>>
    %dma_wait3A_720 = arith.constant 0 : i32
    %dma_wait3A_721 = arith.constant 0 : i32
    %dma_wait3A_722 = tpu.memref_slice %arg2[%dma_wait3A_720, %dma_wait3A_721] : memref<250000x128xf32, #tpu.memory_space<hbm>> -> memref<250000x128xf32, #tpu.memory_space<hbm>>
    tpu.wait_indirect_dma semaphore(%arg8 : memref<!tpu.dma_semaphore, #tpu.memory_space<semaphore_mem>>) src(%dma_wait3A_722 : memref<250000x128xf32, #tpu.memory_space<hbm>>) dst(%dma_wait3A_716 : memref<128x128xf32, #tpu.memory_space<vmem>>)
    %dma_wait3A_723 = arith.constant 33 : i32
    %dma_wait3A_724 = arith.constant 128 : i32
    %dma_wait3A_725 = arith.constant 0 : i32
    %dma_wait3A_726 = tpu.memref_slice %arg6[%dma_wait3A_724, %dma_wait3A_725] : memref<256x128xf32, #tpu.memory_space<vmem>> -> memref<128x128xf32, #tpu.memory_space<vmem>>
    %dma_wait3A_727 = arith.constant 0 : i32
    %dma_wait3A_728 = tpu.memref_slice %arg5[%dma_wait3A_723, %dma_wait3A_727] : memref<50x128xi32, #tpu.memory_space<vmem>> -> memref<1x128xi32, #tpu.memory_space<vmem>>
    %dma_wait3A_729 = tpu.memref_squeeze %dma_wait3A_728 : memref<1x128xi32, #tpu.memory_space<vmem>> -> memref<128xi32, #tpu.memory_space<vmem>>
    %dma_wait3A_730 = arith.constant 0 : i32
    %dma_wait3A_731 = arith.constant 0 : i32
    %dma_wait3A_732 = tpu.memref_slice %arg2[%dma_wait3A_730, %dma_wait3A_731] : memref<250000x128xf32, #tpu.memory_space<hbm>> -> memref<250000x128xf32, #tpu.memory_space<hbm>>
    tpu.wait_indirect_dma semaphore(%arg8 : memref<!tpu.dma_semaphore, #tpu.memory_space<semaphore_mem>>) src(%dma_wait3A_732 : memref<250000x128xf32, #tpu.memory_space<hbm>>) dst(%dma_wait3A_726 : memref<128x128xf32, #tpu.memory_space<vmem>>)
    %add3A_733 = arith.constant 4096 : i32
    %add3A_734 = arith.addi %mul3A_2, %add3A_733 : i32
    "tpu.region"() ({
      %run_scoped3A = tpu.sem_alloc : memref<!tpu.dma_semaphore, #tpu.memory_space<semaphore_mem>>
      %dma_start3A_1051 = arith.constant 0 : i32
      %dma_start3A_1052 = tpu.memref_slice %arg4[%add3A_734, %dma_start3A_1051] : memref<204800x128xf32, #tpu.memory_space<hbm>> -> memref<256x128xf32, #tpu.memory_space<hbm>>
      %dma_start3A_1053 = arith.constant 0 : i32
      %dma_start3A_1054 = tpu.memref_slice %arg4[%add3A_734, %dma_start3A_1053] : memref<204800x128xf32, #tpu.memory_space<hbm>> -> memref<256x128xf32, #tpu.memory_space<hbm>>
      tpu.enqueue_dma source(%arg6 : memref<256x128xf32, #tpu.memory_space<vmem>>) target(%dma_start3A_1054 : memref<256x128xf32, #tpu.memory_space<hbm>>) target_semaphore(%run_scoped3A : memref<!tpu.dma_semaphore, #tpu.memory_space<semaphore_mem>>)
      %dma_wait3A_1055 = arith.constant 0 : i32
      %dma_wait3A_1056 = tpu.memref_slice %arg4[%add3A_734, %dma_wait3A_1055] : memref<204800x128xf32, #tpu.memory_space<hbm>> -> memref<256x128xf32, #tpu.memory_space<hbm>>
      %dma_wait3A_1057 = arith.constant 0 : i32
      %dma_wait3A_1058 = tpu.memref_slice %arg4[%add3A_734, %dma_wait3A_1057] : memref<204800x128xf32, #tpu.memory_space<hbm>> -> memref<256x128xf32, #tpu.memory_space<hbm>>
      tpu.wait_dma2 semaphore(%run_scoped3A : memref<!tpu.dma_semaphore, #tpu.memory_space<semaphore_mem>>) src(%arg6 : memref<256x128xf32, #tpu.memory_space<vmem>>) dst(%dma_wait3A_1058 : memref<256x128xf32, #tpu.memory_space<hbm>>)
      tpu.yield
    }) : () -> ()
    %dma_start3A_735 = arith.constant 36 : i32
    %dma_start3A_736 = arith.constant 0 : i32
    %dma_start3A_737 = arith.constant 0 : i32
    %dma_start3A_738 = tpu.memref_slice %arg6[%dma_start3A_736, %dma_start3A_737] : memref<256x128xf32, #tpu.memory_space<vmem>> -> memref<128x128xf32, #tpu.memory_space<vmem>>
    %dma_start3A_739 = arith.constant 0 : i32
    %dma_start3A_740 = tpu.memref_slice %arg5[%dma_start3A_735, %dma_start3A_739] : memref<50x128xi32, #tpu.memory_space<vmem>> -> memref<1x128xi32, #tpu.memory_space<vmem>>
    %dma_start3A_741 = tpu.memref_squeeze %dma_start3A_740 : memref<1x128xi32, #tpu.memory_space<vmem>> -> memref<128xi32, #tpu.memory_space<vmem>>
    %dma_start3A_742 = arith.constant 0 : i32
    %dma_start3A_743 = arith.constant 0 : i32
    %dma_start3A_744 = tpu.memref_slice %arg2[%dma_start3A_742, %dma_start3A_743] : memref<250000x128xf32, #tpu.memory_space<hbm>> -> memref<250000x128xf32, #tpu.memory_space<hbm>>
    tpu.enqueue_indirect_dma source(%dma_start3A_744 : memref<250000x128xf32, #tpu.memory_space<hbm>>) target(%dma_start3A_738 : memref<128x128xf32, #tpu.memory_space<vmem>>) offsets(%dma_start3A_741 : memref<128xi32, #tpu.memory_space<vmem>>) semaphore(%arg8 : memref<!tpu.dma_semaphore, #tpu.memory_space<semaphore_mem>>)
    %dma_start3A_745 = arith.constant 37 : i32
    %dma_start3A_746 = arith.constant 128 : i32
    %dma_start3A_747 = arith.constant 0 : i32
    %dma_start3A_748 = tpu.memref_slice %arg6[%dma_start3A_746, %dma_start3A_747] : memref<256x128xf32, #tpu.memory_space<vmem>> -> memref<128x128xf32, #tpu.memory_space<vmem>>
    %dma_start3A_749 = arith.constant 0 : i32
    %dma_start3A_750 = tpu.memref_slice %arg5[%dma_start3A_745, %dma_start3A_749] : memref<50x128xi32, #tpu.memory_space<vmem>> -> memref<1x128xi32, #tpu.memory_space<vmem>>
    %dma_start3A_751 = tpu.memref_squeeze %dma_start3A_750 : memref<1x128xi32, #tpu.memory_space<vmem>> -> memref<128xi32, #tpu.memory_space<vmem>>
    %dma_start3A_752 = arith.constant 0 : i32
    %dma_start3A_753 = arith.constant 0 : i32
    %dma_start3A_754 = tpu.memref_slice %arg2[%dma_start3A_752, %dma_start3A_753] : memref<250000x128xf32, #tpu.memory_space<hbm>> -> memref<250000x128xf32, #tpu.memory_space<hbm>>
    tpu.enqueue_indirect_dma source(%dma_start3A_754 : memref<250000x128xf32, #tpu.memory_space<hbm>>) target(%dma_start3A_748 : memref<128x128xf32, #tpu.memory_space<vmem>>) offsets(%dma_start3A_751 : memref<128xi32, #tpu.memory_space<vmem>>) semaphore(%arg8 : memref<!tpu.dma_semaphore, #tpu.memory_space<semaphore_mem>>)
    %dma_wait3A_755 = arith.constant 34 : i32
    %dma_wait3A_756 = arith.constant 0 : i32
    %dma_wait3A_757 = arith.constant 0 : i32
    %dma_wait3A_758 = tpu.memref_slice %arg7[%dma_wait3A_756, %dma_wait3A_757] : memref<256x128xf32, #tpu.memory_space<vmem>> -> memref<128x128xf32, #tpu.memory_space<vmem>>
    %dma_wait3A_759 = arith.constant 0 : i32
    %dma_wait3A_760 = tpu.memref_slice %arg5[%dma_wait3A_755, %dma_wait3A_759] : memref<50x128xi32, #tpu.memory_space<vmem>> -> memref<1x128xi32, #tpu.memory_space<vmem>>
    %dma_wait3A_761 = tpu.memref_squeeze %dma_wait3A_760 : memref<1x128xi32, #tpu.memory_space<vmem>> -> memref<128xi32, #tpu.memory_space<vmem>>
    %dma_wait3A_762 = arith.constant 0 : i32
    %dma_wait3A_763 = arith.constant 0 : i32
    %dma_wait3A_764 = tpu.memref_slice %arg2[%dma_wait3A_762, %dma_wait3A_763] : memref<250000x128xf32, #tpu.memory_space<hbm>> -> memref<250000x128xf32, #tpu.memory_space<hbm>>
    tpu.wait_indirect_dma semaphore(%arg9 : memref<!tpu.dma_semaphore, #tpu.memory_space<semaphore_mem>>) src(%dma_wait3A_764 : memref<250000x128xf32, #tpu.memory_space<hbm>>) dst(%dma_wait3A_758 : memref<128x128xf32, #tpu.memory_space<vmem>>)
    %dma_wait3A_765 = arith.constant 35 : i32
    %dma_wait3A_766 = arith.constant 128 : i32
    %dma_wait3A_767 = arith.constant 0 : i32
    %dma_wait3A_768 = tpu.memref_slice %arg7[%dma_wait3A_766, %dma_wait3A_767] : memref<256x128xf32, #tpu.memory_space<vmem>> -> memref<128x128xf32, #tpu.memory_space<vmem>>
    %dma_wait3A_769 = arith.constant 0 : i32
    %dma_wait3A_770 = tpu.memref_slice %arg5[%dma_wait3A_765, %dma_wait3A_769] : memref<50x128xi32, #tpu.memory_space<vmem>> -> memref<1x128xi32, #tpu.memory_space<vmem>>
    %dma_wait3A_771 = tpu.memref_squeeze %dma_wait3A_770 : memref<1x128xi32, #tpu.memory_space<vmem>> -> memref<128xi32, #tpu.memory_space<vmem>>
    %dma_wait3A_772 = arith.constant 0 : i32
    %dma_wait3A_773 = arith.constant 0 : i32
    %dma_wait3A_774 = tpu.memref_slice %arg2[%dma_wait3A_772, %dma_wait3A_773] : memref<250000x128xf32, #tpu.memory_space<hbm>> -> memref<250000x128xf32, #tpu.memory_space<hbm>>
    tpu.wait_indirect_dma semaphore(%arg9 : memref<!tpu.dma_semaphore, #tpu.memory_space<semaphore_mem>>) src(%dma_wait3A_774 : memref<250000x128xf32, #tpu.memory_space<hbm>>) dst(%dma_wait3A_768 : memref<128x128xf32, #tpu.memory_space<vmem>>)
    %add3A_775 = arith.constant 4352 : i32
    %add3A_776 = arith.addi %mul3A_2, %add3A_775 : i32
    "tpu.region"() ({
      %run_scoped3A = tpu.sem_alloc : memref<!tpu.dma_semaphore, #tpu.memory_space<semaphore_mem>>
      %dma_start3A_1051 = arith.constant 0 : i32
      %dma_start3A_1052 = tpu.memref_slice %arg4[%add3A_776, %dma_start3A_1051] : memref<204800x128xf32, #tpu.memory_space<hbm>> -> memref<256x128xf32, #tpu.memory_space<hbm>>
      %dma_start3A_1053 = arith.constant 0 : i32
      %dma_start3A_1054 = tpu.memref_slice %arg4[%add3A_776, %dma_start3A_1053] : memref<204800x128xf32, #tpu.memory_space<hbm>> -> memref<256x128xf32, #tpu.memory_space<hbm>>
      tpu.enqueue_dma source(%arg7 : memref<256x128xf32, #tpu.memory_space<vmem>>) target(%dma_start3A_1054 : memref<256x128xf32, #tpu.memory_space<hbm>>) target_semaphore(%run_scoped3A : memref<!tpu.dma_semaphore, #tpu.memory_space<semaphore_mem>>)
      %dma_wait3A_1055 = arith.constant 0 : i32
      %dma_wait3A_1056 = tpu.memref_slice %arg4[%add3A_776, %dma_wait3A_1055] : memref<204800x128xf32, #tpu.memory_space<hbm>> -> memref<256x128xf32, #tpu.memory_space<hbm>>
      %dma_wait3A_1057 = arith.constant 0 : i32
      %dma_wait3A_1058 = tpu.memref_slice %arg4[%add3A_776, %dma_wait3A_1057] : memref<204800x128xf32, #tpu.memory_space<hbm>> -> memref<256x128xf32, #tpu.memory_space<hbm>>
      tpu.wait_dma2 semaphore(%run_scoped3A : memref<!tpu.dma_semaphore, #tpu.memory_space<semaphore_mem>>) src(%arg7 : memref<256x128xf32, #tpu.memory_space<vmem>>) dst(%dma_wait3A_1058 : memref<256x128xf32, #tpu.memory_space<hbm>>)
      tpu.yield
    }) : () -> ()
    %dma_start3A_777 = arith.constant 38 : i32
    %dma_start3A_778 = arith.constant 0 : i32
    %dma_start3A_779 = arith.constant 0 : i32
    %dma_start3A_780 = tpu.memref_slice %arg7[%dma_start3A_778, %dma_start3A_779] : memref<256x128xf32, #tpu.memory_space<vmem>> -> memref<128x128xf32, #tpu.memory_space<vmem>>
    %dma_start3A_781 = arith.constant 0 : i32
    %dma_start3A_782 = tpu.memref_slice %arg5[%dma_start3A_777, %dma_start3A_781] : memref<50x128xi32, #tpu.memory_space<vmem>> -> memref<1x128xi32, #tpu.memory_space<vmem>>
    %dma_start3A_783 = tpu.memref_squeeze %dma_start3A_782 : memref<1x128xi32, #tpu.memory_space<vmem>> -> memref<128xi32, #tpu.memory_space<vmem>>
    %dma_start3A_784 = arith.constant 0 : i32
    %dma_start3A_785 = arith.constant 0 : i32
    %dma_start3A_786 = tpu.memref_slice %arg2[%dma_start3A_784, %dma_start3A_785] : memref<250000x128xf32, #tpu.memory_space<hbm>> -> memref<250000x128xf32, #tpu.memory_space<hbm>>
    tpu.enqueue_indirect_dma source(%dma_start3A_786 : memref<250000x128xf32, #tpu.memory_space<hbm>>) target(%dma_start3A_780 : memref<128x128xf32, #tpu.memory_space<vmem>>) offsets(%dma_start3A_783 : memref<128xi32, #tpu.memory_space<vmem>>) semaphore(%arg9 : memref<!tpu.dma_semaphore, #tpu.memory_space<semaphore_mem>>)
    %dma_start3A_787 = arith.constant 39 : i32
    %dma_start3A_788 = arith.constant 128 : i32
    %dma_start3A_789 = arith.constant 0 : i32
    %dma_start3A_790 = tpu.memref_slice %arg7[%dma_start3A_788, %dma_start3A_789] : memref<256x128xf32, #tpu.memory_space<vmem>> -> memref<128x128xf32, #tpu.memory_space<vmem>>
    %dma_start3A_791 = arith.constant 0 : i32
    %dma_start3A_792 = tpu.memref_slice %arg5[%dma_start3A_787, %dma_start3A_791] : memref<50x128xi32, #tpu.memory_space<vmem>> -> memref<1x128xi32, #tpu.memory_space<vmem>>
    %dma_start3A_793 = tpu.memref_squeeze %dma_start3A_792 : memref<1x128xi32, #tpu.memory_space<vmem>> -> memref<128xi32, #tpu.memory_space<vmem>>
    %dma_start3A_794 = arith.constant 0 : i32
    %dma_start3A_795 = arith.constant 0 : i32
    %dma_start3A_796 = tpu.memref_slice %arg2[%dma_start3A_794, %dma_start3A_795] : memref<250000x128xf32, #tpu.memory_space<hbm>> -> memref<250000x128xf32, #tpu.memory_space<hbm>>
    tpu.enqueue_indirect_dma source(%dma_start3A_796 : memref<250000x128xf32, #tpu.memory_space<hbm>>) target(%dma_start3A_790 : memref<128x128xf32, #tpu.memory_space<vmem>>) offsets(%dma_start3A_793 : memref<128xi32, #tpu.memory_space<vmem>>) semaphore(%arg9 : memref<!tpu.dma_semaphore, #tpu.memory_space<semaphore_mem>>)
    %dma_wait3A_797 = arith.constant 36 : i32
    %dma_wait3A_798 = arith.constant 0 : i32
    %dma_wait3A_799 = arith.constant 0 : i32
    %dma_wait3A_800 = tpu.memref_slice %arg6[%dma_wait3A_798, %dma_wait3A_799] : memref<256x128xf32, #tpu.memory_space<vmem>> -> memref<128x128xf32, #tpu.memory_space<vmem>>
    %dma_wait3A_801 = arith.constant 0 : i32
    %dma_wait3A_802 = tpu.memref_slice %arg5[%dma_wait3A_797, %dma_wait3A_801] : memref<50x128xi32, #tpu.memory_space<vmem>> -> memref<1x128xi32, #tpu.memory_space<vmem>>
    %dma_wait3A_803 = tpu.memref_squeeze %dma_wait3A_802 : memref<1x128xi32, #tpu.memory_space<vmem>> -> memref<128xi32, #tpu.memory_space<vmem>>
    %dma_wait3A_804 = arith.constant 0 : i32
    %dma_wait3A_805 = arith.constant 0 : i32
    %dma_wait3A_806 = tpu.memref_slice %arg2[%dma_wait3A_804, %dma_wait3A_805] : memref<250000x128xf32, #tpu.memory_space<hbm>> -> memref<250000x128xf32, #tpu.memory_space<hbm>>
    tpu.wait_indirect_dma semaphore(%arg8 : memref<!tpu.dma_semaphore, #tpu.memory_space<semaphore_mem>>) src(%dma_wait3A_806 : memref<250000x128xf32, #tpu.memory_space<hbm>>) dst(%dma_wait3A_800 : memref<128x128xf32, #tpu.memory_space<vmem>>)
    %dma_wait3A_807 = arith.constant 37 : i32
    %dma_wait3A_808 = arith.constant 128 : i32
    %dma_wait3A_809 = arith.constant 0 : i32
    %dma_wait3A_810 = tpu.memref_slice %arg6[%dma_wait3A_808, %dma_wait3A_809] : memref<256x128xf32, #tpu.memory_space<vmem>> -> memref<128x128xf32, #tpu.memory_space<vmem>>
    %dma_wait3A_811 = arith.constant 0 : i32
    %dma_wait3A_812 = tpu.memref_slice %arg5[%dma_wait3A_807, %dma_wait3A_811] : memref<50x128xi32, #tpu.memory_space<vmem>> -> memref<1x128xi32, #tpu.memory_space<vmem>>
    %dma_wait3A_813 = tpu.memref_squeeze %dma_wait3A_812 : memref<1x128xi32, #tpu.memory_space<vmem>> -> memref<128xi32, #tpu.memory_space<vmem>>
    %dma_wait3A_814 = arith.constant 0 : i32
    %dma_wait3A_815 = arith.constant 0 : i32
    %dma_wait3A_816 = tpu.memref_slice %arg2[%dma_wait3A_814, %dma_wait3A_815] : memref<250000x128xf32, #tpu.memory_space<hbm>> -> memref<250000x128xf32, #tpu.memory_space<hbm>>
    tpu.wait_indirect_dma semaphore(%arg8 : memref<!tpu.dma_semaphore, #tpu.memory_space<semaphore_mem>>) src(%dma_wait3A_816 : memref<250000x128xf32, #tpu.memory_space<hbm>>) dst(%dma_wait3A_810 : memref<128x128xf32, #tpu.memory_space<vmem>>)
    %add3A_817 = arith.constant 4608 : i32
    %add3A_818 = arith.addi %mul3A_2, %add3A_817 : i32
    "tpu.region"() ({
      %run_scoped3A = tpu.sem_alloc : memref<!tpu.dma_semaphore, #tpu.memory_space<semaphore_mem>>
      %dma_start3A_1051 = arith.constant 0 : i32
      %dma_start3A_1052 = tpu.memref_slice %arg4[%add3A_818, %dma_start3A_1051] : memref<204800x128xf32, #tpu.memory_space<hbm>> -> memref<256x128xf32, #tpu.memory_space<hbm>>
      %dma_start3A_1053 = arith.constant 0 : i32
      %dma_start3A_1054 = tpu.memref_slice %arg4[%add3A_818, %dma_start3A_1053] : memref<204800x128xf32, #tpu.memory_space<hbm>> -> memref<256x128xf32, #tpu.memory_space<hbm>>
      tpu.enqueue_dma source(%arg6 : memref<256x128xf32, #tpu.memory_space<vmem>>) target(%dma_start3A_1054 : memref<256x128xf32, #tpu.memory_space<hbm>>) target_semaphore(%run_scoped3A : memref<!tpu.dma_semaphore, #tpu.memory_space<semaphore_mem>>)
      %dma_wait3A_1055 = arith.constant 0 : i32
      %dma_wait3A_1056 = tpu.memref_slice %arg4[%add3A_818, %dma_wait3A_1055] : memref<204800x128xf32, #tpu.memory_space<hbm>> -> memref<256x128xf32, #tpu.memory_space<hbm>>
      %dma_wait3A_1057 = arith.constant 0 : i32
      %dma_wait3A_1058 = tpu.memref_slice %arg4[%add3A_818, %dma_wait3A_1057] : memref<204800x128xf32, #tpu.memory_space<hbm>> -> memref<256x128xf32, #tpu.memory_space<hbm>>
      tpu.wait_dma2 semaphore(%run_scoped3A : memref<!tpu.dma_semaphore, #tpu.memory_space<semaphore_mem>>) src(%arg6 : memref<256x128xf32, #tpu.memory_space<vmem>>) dst(%dma_wait3A_1058 : memref<256x128xf32, #tpu.memory_space<hbm>>)
      tpu.yield
    }) : () -> ()
    %dma_start3A_819 = arith.constant 40 : i32
    %dma_start3A_820 = arith.constant 0 : i32
    %dma_start3A_821 = arith.constant 0 : i32
    %dma_start3A_822 = tpu.memref_slice %arg6[%dma_start3A_820, %dma_start3A_821] : memref<256x128xf32, #tpu.memory_space<vmem>> -> memref<128x128xf32, #tpu.memory_space<vmem>>
    %dma_start3A_823 = arith.constant 0 : i32
    %dma_start3A_824 = tpu.memref_slice %arg5[%dma_start3A_819, %dma_start3A_823] : memref<50x128xi32, #tpu.memory_space<vmem>> -> memref<1x128xi32, #tpu.memory_space<vmem>>
    %dma_start3A_825 = tpu.memref_squeeze %dma_start3A_824 : memref<1x128xi32, #tpu.memory_space<vmem>> -> memref<128xi32, #tpu.memory_space<vmem>>
    %dma_start3A_826 = arith.constant 0 : i32
    %dma_start3A_827 = arith.constant 0 : i32
    %dma_start3A_828 = tpu.memref_slice %arg2[%dma_start3A_826, %dma_start3A_827] : memref<250000x128xf32, #tpu.memory_space<hbm>> -> memref<250000x128xf32, #tpu.memory_space<hbm>>
    tpu.enqueue_indirect_dma source(%dma_start3A_828 : memref<250000x128xf32, #tpu.memory_space<hbm>>) target(%dma_start3A_822 : memref<128x128xf32, #tpu.memory_space<vmem>>) offsets(%dma_start3A_825 : memref<128xi32, #tpu.memory_space<vmem>>) semaphore(%arg8 : memref<!tpu.dma_semaphore, #tpu.memory_space<semaphore_mem>>)
    %dma_start3A_829 = arith.constant 41 : i32
    %dma_start3A_830 = arith.constant 128 : i32
    %dma_start3A_831 = arith.constant 0 : i32
    %dma_start3A_832 = tpu.memref_slice %arg6[%dma_start3A_830, %dma_start3A_831] : memref<256x128xf32, #tpu.memory_space<vmem>> -> memref<128x128xf32, #tpu.memory_space<vmem>>
    %dma_start3A_833 = arith.constant 0 : i32
    %dma_start3A_834 = tpu.memref_slice %arg5[%dma_start3A_829, %dma_start3A_833] : memref<50x128xi32, #tpu.memory_space<vmem>> -> memref<1x128xi32, #tpu.memory_space<vmem>>
    %dma_start3A_835 = tpu.memref_squeeze %dma_start3A_834 : memref<1x128xi32, #tpu.memory_space<vmem>> -> memref<128xi32, #tpu.memory_space<vmem>>
    %dma_start3A_836 = arith.constant 0 : i32
    %dma_start3A_837 = arith.constant 0 : i32
    %dma_start3A_838 = tpu.memref_slice %arg2[%dma_start3A_836, %dma_start3A_837] : memref<250000x128xf32, #tpu.memory_space<hbm>> -> memref<250000x128xf32, #tpu.memory_space<hbm>>
    tpu.enqueue_indirect_dma source(%dma_start3A_838 : memref<250000x128xf32, #tpu.memory_space<hbm>>) target(%dma_start3A_832 : memref<128x128xf32, #tpu.memory_space<vmem>>) offsets(%dma_start3A_835 : memref<128xi32, #tpu.memory_space<vmem>>) semaphore(%arg8 : memref<!tpu.dma_semaphore, #tpu.memory_space<semaphore_mem>>)
    %dma_wait3A_839 = arith.constant 38 : i32
    %dma_wait3A_840 = arith.constant 0 : i32
    %dma_wait3A_841 = arith.constant 0 : i32
    %dma_wait3A_842 = tpu.memref_slice %arg7[%dma_wait3A_840, %dma_wait3A_841] : memref<256x128xf32, #tpu.memory_space<vmem>> -> memref<128x128xf32, #tpu.memory_space<vmem>>
    %dma_wait3A_843 = arith.constant 0 : i32
    %dma_wait3A_844 = tpu.memref_slice %arg5[%dma_wait3A_839, %dma_wait3A_843] : memref<50x128xi32, #tpu.memory_space<vmem>> -> memref<1x128xi32, #tpu.memory_space<vmem>>
    %dma_wait3A_845 = tpu.memref_squeeze %dma_wait3A_844 : memref<1x128xi32, #tpu.memory_space<vmem>> -> memref<128xi32, #tpu.memory_space<vmem>>
    %dma_wait3A_846 = arith.constant 0 : i32
    %dma_wait3A_847 = arith.constant 0 : i32
    %dma_wait3A_848 = tpu.memref_slice %arg2[%dma_wait3A_846, %dma_wait3A_847] : memref<250000x128xf32, #tpu.memory_space<hbm>> -> memref<250000x128xf32, #tpu.memory_space<hbm>>
    tpu.wait_indirect_dma semaphore(%arg9 : memref<!tpu.dma_semaphore, #tpu.memory_space<semaphore_mem>>) src(%dma_wait3A_848 : memref<250000x128xf32, #tpu.memory_space<hbm>>) dst(%dma_wait3A_842 : memref<128x128xf32, #tpu.memory_space<vmem>>)
    %dma_wait3A_849 = arith.constant 39 : i32
    %dma_wait3A_850 = arith.constant 128 : i32
    %dma_wait3A_851 = arith.constant 0 : i32
    %dma_wait3A_852 = tpu.memref_slice %arg7[%dma_wait3A_850, %dma_wait3A_851] : memref<256x128xf32, #tpu.memory_space<vmem>> -> memref<128x128xf32, #tpu.memory_space<vmem>>
    %dma_wait3A_853 = arith.constant 0 : i32
    %dma_wait3A_854 = tpu.memref_slice %arg5[%dma_wait3A_849, %dma_wait3A_853] : memref<50x128xi32, #tpu.memory_space<vmem>> -> memref<1x128xi32, #tpu.memory_space<vmem>>
    %dma_wait3A_855 = tpu.memref_squeeze %dma_wait3A_854 : memref<1x128xi32, #tpu.memory_space<vmem>> -> memref<128xi32, #tpu.memory_space<vmem>>
    %dma_wait3A_856 = arith.constant 0 : i32
    %dma_wait3A_857 = arith.constant 0 : i32
    %dma_wait3A_858 = tpu.memref_slice %arg2[%dma_wait3A_856, %dma_wait3A_857] : memref<250000x128xf32, #tpu.memory_space<hbm>> -> memref<250000x128xf32, #tpu.memory_space<hbm>>
    tpu.wait_indirect_dma semaphore(%arg9 : memref<!tpu.dma_semaphore, #tpu.memory_space<semaphore_mem>>) src(%dma_wait3A_858 : memref<250000x128xf32, #tpu.memory_space<hbm>>) dst(%dma_wait3A_852 : memref<128x128xf32, #tpu.memory_space<vmem>>)
    %add3A_859 = arith.constant 4864 : i32
    %add3A_860 = arith.addi %mul3A_2, %add3A_859 : i32
    "tpu.region"() ({
      %run_scoped3A = tpu.sem_alloc : memref<!tpu.dma_semaphore, #tpu.memory_space<semaphore_mem>>
      %dma_start3A_1051 = arith.constant 0 : i32
      %dma_start3A_1052 = tpu.memref_slice %arg4[%add3A_860, %dma_start3A_1051] : memref<204800x128xf32, #tpu.memory_space<hbm>> -> memref<256x128xf32, #tpu.memory_space<hbm>>
      %dma_start3A_1053 = arith.constant 0 : i32
      %dma_start3A_1054 = tpu.memref_slice %arg4[%add3A_860, %dma_start3A_1053] : memref<204800x128xf32, #tpu.memory_space<hbm>> -> memref<256x128xf32, #tpu.memory_space<hbm>>
      tpu.enqueue_dma source(%arg7 : memref<256x128xf32, #tpu.memory_space<vmem>>) target(%dma_start3A_1054 : memref<256x128xf32, #tpu.memory_space<hbm>>) target_semaphore(%run_scoped3A : memref<!tpu.dma_semaphore, #tpu.memory_space<semaphore_mem>>)
      %dma_wait3A_1055 = arith.constant 0 : i32
      %dma_wait3A_1056 = tpu.memref_slice %arg4[%add3A_860, %dma_wait3A_1055] : memref<204800x128xf32, #tpu.memory_space<hbm>> -> memref<256x128xf32, #tpu.memory_space<hbm>>
      %dma_wait3A_1057 = arith.constant 0 : i32
      %dma_wait3A_1058 = tpu.memref_slice %arg4[%add3A_860, %dma_wait3A_1057] : memref<204800x128xf32, #tpu.memory_space<hbm>> -> memref<256x128xf32, #tpu.memory_space<hbm>>
      tpu.wait_dma2 semaphore(%run_scoped3A : memref<!tpu.dma_semaphore, #tpu.memory_space<semaphore_mem>>) src(%arg7 : memref<256x128xf32, #tpu.memory_space<vmem>>) dst(%dma_wait3A_1058 : memref<256x128xf32, #tpu.memory_space<hbm>>)
      tpu.yield
    }) : () -> ()
    %dma_start3A_861 = arith.constant 42 : i32
    %dma_start3A_862 = arith.constant 0 : i32
    %dma_start3A_863 = arith.constant 0 : i32
    %dma_start3A_864 = tpu.memref_slice %arg7[%dma_start3A_862, %dma_start3A_863] : memref<256x128xf32, #tpu.memory_space<vmem>> -> memref<128x128xf32, #tpu.memory_space<vmem>>
    %dma_start3A_865 = arith.constant 0 : i32
    %dma_start3A_866 = tpu.memref_slice %arg5[%dma_start3A_861, %dma_start3A_865] : memref<50x128xi32, #tpu.memory_space<vmem>> -> memref<1x128xi32, #tpu.memory_space<vmem>>
    %dma_start3A_867 = tpu.memref_squeeze %dma_start3A_866 : memref<1x128xi32, #tpu.memory_space<vmem>> -> memref<128xi32, #tpu.memory_space<vmem>>
    %dma_start3A_868 = arith.constant 0 : i32
    %dma_start3A_869 = arith.constant 0 : i32
    %dma_start3A_870 = tpu.memref_slice %arg2[%dma_start3A_868, %dma_start3A_869] : memref<250000x128xf32, #tpu.memory_space<hbm>> -> memref<250000x128xf32, #tpu.memory_space<hbm>>
    tpu.enqueue_indirect_dma source(%dma_start3A_870 : memref<250000x128xf32, #tpu.memory_space<hbm>>) target(%dma_start3A_864 : memref<128x128xf32, #tpu.memory_space<vmem>>) offsets(%dma_start3A_867 : memref<128xi32, #tpu.memory_space<vmem>>) semaphore(%arg9 : memref<!tpu.dma_semaphore, #tpu.memory_space<semaphore_mem>>)
    %dma_start3A_871 = arith.constant 43 : i32
    %dma_start3A_872 = arith.constant 128 : i32
    %dma_start3A_873 = arith.constant 0 : i32
    %dma_start3A_874 = tpu.memref_slice %arg7[%dma_start3A_872, %dma_start3A_873] : memref<256x128xf32, #tpu.memory_space<vmem>> -> memref<128x128xf32, #tpu.memory_space<vmem>>
    %dma_start3A_875 = arith.constant 0 : i32
    %dma_start3A_876 = tpu.memref_slice %arg5[%dma_start3A_871, %dma_start3A_875] : memref<50x128xi32, #tpu.memory_space<vmem>> -> memref<1x128xi32, #tpu.memory_space<vmem>>
    %dma_start3A_877 = tpu.memref_squeeze %dma_start3A_876 : memref<1x128xi32, #tpu.memory_space<vmem>> -> memref<128xi32, #tpu.memory_space<vmem>>
    %dma_start3A_878 = arith.constant 0 : i32
    %dma_start3A_879 = arith.constant 0 : i32
    %dma_start3A_880 = tpu.memref_slice %arg2[%dma_start3A_878, %dma_start3A_879] : memref<250000x128xf32, #tpu.memory_space<hbm>> -> memref<250000x128xf32, #tpu.memory_space<hbm>>
    tpu.enqueue_indirect_dma source(%dma_start3A_880 : memref<250000x128xf32, #tpu.memory_space<hbm>>) target(%dma_start3A_874 : memref<128x128xf32, #tpu.memory_space<vmem>>) offsets(%dma_start3A_877 : memref<128xi32, #tpu.memory_space<vmem>>) semaphore(%arg9 : memref<!tpu.dma_semaphore, #tpu.memory_space<semaphore_mem>>)
    %dma_wait3A_881 = arith.constant 40 : i32
    %dma_wait3A_882 = arith.constant 0 : i32
    %dma_wait3A_883 = arith.constant 0 : i32
    %dma_wait3A_884 = tpu.memref_slice %arg6[%dma_wait3A_882, %dma_wait3A_883] : memref<256x128xf32, #tpu.memory_space<vmem>> -> memref<128x128xf32, #tpu.memory_space<vmem>>
    %dma_wait3A_885 = arith.constant 0 : i32
    %dma_wait3A_886 = tpu.memref_slice %arg5[%dma_wait3A_881, %dma_wait3A_885] : memref<50x128xi32, #tpu.memory_space<vmem>> -> memref<1x128xi32, #tpu.memory_space<vmem>>
    %dma_wait3A_887 = tpu.memref_squeeze %dma_wait3A_886 : memref<1x128xi32, #tpu.memory_space<vmem>> -> memref<128xi32, #tpu.memory_space<vmem>>
    %dma_wait3A_888 = arith.constant 0 : i32
    %dma_wait3A_889 = arith.constant 0 : i32
    %dma_wait3A_890 = tpu.memref_slice %arg2[%dma_wait3A_888, %dma_wait3A_889] : memref<250000x128xf32, #tpu.memory_space<hbm>> -> memref<250000x128xf32, #tpu.memory_space<hbm>>
    tpu.wait_indirect_dma semaphore(%arg8 : memref<!tpu.dma_semaphore, #tpu.memory_space<semaphore_mem>>) src(%dma_wait3A_890 : memref<250000x128xf32, #tpu.memory_space<hbm>>) dst(%dma_wait3A_884 : memref<128x128xf32, #tpu.memory_space<vmem>>)
    %dma_wait3A_891 = arith.constant 41 : i32
    %dma_wait3A_892 = arith.constant 128 : i32
    %dma_wait3A_893 = arith.constant 0 : i32
    %dma_wait3A_894 = tpu.memref_slice %arg6[%dma_wait3A_892, %dma_wait3A_893] : memref<256x128xf32, #tpu.memory_space<vmem>> -> memref<128x128xf32, #tpu.memory_space<vmem>>
    %dma_wait3A_895 = arith.constant 0 : i32
    %dma_wait3A_896 = tpu.memref_slice %arg5[%dma_wait3A_891, %dma_wait3A_895] : memref<50x128xi32, #tpu.memory_space<vmem>> -> memref<1x128xi32, #tpu.memory_space<vmem>>
    %dma_wait3A_897 = tpu.memref_squeeze %dma_wait3A_896 : memref<1x128xi32, #tpu.memory_space<vmem>> -> memref<128xi32, #tpu.memory_space<vmem>>
    %dma_wait3A_898 = arith.constant 0 : i32
    %dma_wait3A_899 = arith.constant 0 : i32
    %dma_wait3A_900 = tpu.memref_slice %arg2[%dma_wait3A_898, %dma_wait3A_899] : memref<250000x128xf32, #tpu.memory_space<hbm>> -> memref<250000x128xf32, #tpu.memory_space<hbm>>
    tpu.wait_indirect_dma semaphore(%arg8 : memref<!tpu.dma_semaphore, #tpu.memory_space<semaphore_mem>>) src(%dma_wait3A_900 : memref<250000x128xf32, #tpu.memory_space<hbm>>) dst(%dma_wait3A_894 : memref<128x128xf32, #tpu.memory_space<vmem>>)
    %add3A_901 = arith.constant 5120 : i32
    %add3A_902 = arith.addi %mul3A_2, %add3A_901 : i32
    "tpu.region"() ({
      %run_scoped3A = tpu.sem_alloc : memref<!tpu.dma_semaphore, #tpu.memory_space<semaphore_mem>>
      %dma_start3A_1051 = arith.constant 0 : i32
      %dma_start3A_1052 = tpu.memref_slice %arg4[%add3A_902, %dma_start3A_1051] : memref<204800x128xf32, #tpu.memory_space<hbm>> -> memref<256x128xf32, #tpu.memory_space<hbm>>
      %dma_start3A_1053 = arith.constant 0 : i32
      %dma_start3A_1054 = tpu.memref_slice %arg4[%add3A_902, %dma_start3A_1053] : memref<204800x128xf32, #tpu.memory_space<hbm>> -> memref<256x128xf32, #tpu.memory_space<hbm>>
      tpu.enqueue_dma source(%arg6 : memref<256x128xf32, #tpu.memory_space<vmem>>) target(%dma_start3A_1054 : memref<256x128xf32, #tpu.memory_space<hbm>>) target_semaphore(%run_scoped3A : memref<!tpu.dma_semaphore, #tpu.memory_space<semaphore_mem>>)
      %dma_wait3A_1055 = arith.constant 0 : i32
      %dma_wait3A_1056 = tpu.memref_slice %arg4[%add3A_902, %dma_wait3A_1055] : memref<204800x128xf32, #tpu.memory_space<hbm>> -> memref<256x128xf32, #tpu.memory_space<hbm>>
      %dma_wait3A_1057 = arith.constant 0 : i32
      %dma_wait3A_1058 = tpu.memref_slice %arg4[%add3A_902, %dma_wait3A_1057] : memref<204800x128xf32, #tpu.memory_space<hbm>> -> memref<256x128xf32, #tpu.memory_space<hbm>>
      tpu.wait_dma2 semaphore(%run_scoped3A : memref<!tpu.dma_semaphore, #tpu.memory_space<semaphore_mem>>) src(%arg6 : memref<256x128xf32, #tpu.memory_space<vmem>>) dst(%dma_wait3A_1058 : memref<256x128xf32, #tpu.memory_space<hbm>>)
      tpu.yield
    }) : () -> ()
    %dma_start3A_903 = arith.constant 44 : i32
    %dma_start3A_904 = arith.constant 0 : i32
    %dma_start3A_905 = arith.constant 0 : i32
    %dma_start3A_906 = tpu.memref_slice %arg6[%dma_start3A_904, %dma_start3A_905] : memref<256x128xf32, #tpu.memory_space<vmem>> -> memref<128x128xf32, #tpu.memory_space<vmem>>
    %dma_start3A_907 = arith.constant 0 : i32
    %dma_start3A_908 = tpu.memref_slice %arg5[%dma_start3A_903, %dma_start3A_907] : memref<50x128xi32, #tpu.memory_space<vmem>> -> memref<1x128xi32, #tpu.memory_space<vmem>>
    %dma_start3A_909 = tpu.memref_squeeze %dma_start3A_908 : memref<1x128xi32, #tpu.memory_space<vmem>> -> memref<128xi32, #tpu.memory_space<vmem>>
    %dma_start3A_910 = arith.constant 0 : i32
    %dma_start3A_911 = arith.constant 0 : i32
    %dma_start3A_912 = tpu.memref_slice %arg2[%dma_start3A_910, %dma_start3A_911] : memref<250000x128xf32, #tpu.memory_space<hbm>> -> memref<250000x128xf32, #tpu.memory_space<hbm>>
    tpu.enqueue_indirect_dma source(%dma_start3A_912 : memref<250000x128xf32, #tpu.memory_space<hbm>>) target(%dma_start3A_906 : memref<128x128xf32, #tpu.memory_space<vmem>>) offsets(%dma_start3A_909 : memref<128xi32, #tpu.memory_space<vmem>>) semaphore(%arg8 : memref<!tpu.dma_semaphore, #tpu.memory_space<semaphore_mem>>)
    %dma_start3A_913 = arith.constant 45 : i32
    %dma_start3A_914 = arith.constant 128 : i32
    %dma_start3A_915 = arith.constant 0 : i32
    %dma_start3A_916 = tpu.memref_slice %arg6[%dma_start3A_914, %dma_start3A_915] : memref<256x128xf32, #tpu.memory_space<vmem>> -> memref<128x128xf32, #tpu.memory_space<vmem>>
    %dma_start3A_917 = arith.constant 0 : i32
    %dma_start3A_918 = tpu.memref_slice %arg5[%dma_start3A_913, %dma_start3A_917] : memref<50x128xi32, #tpu.memory_space<vmem>> -> memref<1x128xi32, #tpu.memory_space<vmem>>
    %dma_start3A_919 = tpu.memref_squeeze %dma_start3A_918 : memref<1x128xi32, #tpu.memory_space<vmem>> -> memref<128xi32, #tpu.memory_space<vmem>>
    %dma_start3A_920 = arith.constant 0 : i32
    %dma_start3A_921 = arith.constant 0 : i32
    %dma_start3A_922 = tpu.memref_slice %arg2[%dma_start3A_920, %dma_start3A_921] : memref<250000x128xf32, #tpu.memory_space<hbm>> -> memref<250000x128xf32, #tpu.memory_space<hbm>>
    tpu.enqueue_indirect_dma source(%dma_start3A_922 : memref<250000x128xf32, #tpu.memory_space<hbm>>) target(%dma_start3A_916 : memref<128x128xf32, #tpu.memory_space<vmem>>) offsets(%dma_start3A_919 : memref<128xi32, #tpu.memory_space<vmem>>) semaphore(%arg8 : memref<!tpu.dma_semaphore, #tpu.memory_space<semaphore_mem>>)
    %dma_wait3A_923 = arith.constant 42 : i32
    %dma_wait3A_924 = arith.constant 0 : i32
    %dma_wait3A_925 = arith.constant 0 : i32
    %dma_wait3A_926 = tpu.memref_slice %arg7[%dma_wait3A_924, %dma_wait3A_925] : memref<256x128xf32, #tpu.memory_space<vmem>> -> memref<128x128xf32, #tpu.memory_space<vmem>>
    %dma_wait3A_927 = arith.constant 0 : i32
    %dma_wait3A_928 = tpu.memref_slice %arg5[%dma_wait3A_923, %dma_wait3A_927] : memref<50x128xi32, #tpu.memory_space<vmem>> -> memref<1x128xi32, #tpu.memory_space<vmem>>
    %dma_wait3A_929 = tpu.memref_squeeze %dma_wait3A_928 : memref<1x128xi32, #tpu.memory_space<vmem>> -> memref<128xi32, #tpu.memory_space<vmem>>
    %dma_wait3A_930 = arith.constant 0 : i32
    %dma_wait3A_931 = arith.constant 0 : i32
    %dma_wait3A_932 = tpu.memref_slice %arg2[%dma_wait3A_930, %dma_wait3A_931] : memref<250000x128xf32, #tpu.memory_space<hbm>> -> memref<250000x128xf32, #tpu.memory_space<hbm>>
    tpu.wait_indirect_dma semaphore(%arg9 : memref<!tpu.dma_semaphore, #tpu.memory_space<semaphore_mem>>) src(%dma_wait3A_932 : memref<250000x128xf32, #tpu.memory_space<hbm>>) dst(%dma_wait3A_926 : memref<128x128xf32, #tpu.memory_space<vmem>>)
    %dma_wait3A_933 = arith.constant 43 : i32
    %dma_wait3A_934 = arith.constant 128 : i32
    %dma_wait3A_935 = arith.constant 0 : i32
    %dma_wait3A_936 = tpu.memref_slice %arg7[%dma_wait3A_934, %dma_wait3A_935] : memref<256x128xf32, #tpu.memory_space<vmem>> -> memref<128x128xf32, #tpu.memory_space<vmem>>
    %dma_wait3A_937 = arith.constant 0 : i32
    %dma_wait3A_938 = tpu.memref_slice %arg5[%dma_wait3A_933, %dma_wait3A_937] : memref<50x128xi32, #tpu.memory_space<vmem>> -> memref<1x128xi32, #tpu.memory_space<vmem>>
    %dma_wait3A_939 = tpu.memref_squeeze %dma_wait3A_938 : memref<1x128xi32, #tpu.memory_space<vmem>> -> memref<128xi32, #tpu.memory_space<vmem>>
    %dma_wait3A_940 = arith.constant 0 : i32
    %dma_wait3A_941 = arith.constant 0 : i32
    %dma_wait3A_942 = tpu.memref_slice %arg2[%dma_wait3A_940, %dma_wait3A_941] : memref<250000x128xf32, #tpu.memory_space<hbm>> -> memref<250000x128xf32, #tpu.memory_space<hbm>>
    tpu.wait_indirect_dma semaphore(%arg9 : memref<!tpu.dma_semaphore, #tpu.memory_space<semaphore_mem>>) src(%dma_wait3A_942 : memref<250000x128xf32, #tpu.memory_space<hbm>>) dst(%dma_wait3A_936 : memref<128x128xf32, #tpu.memory_space<vmem>>)
    %add3A_943 = arith.constant 5376 : i32
    %add3A_944 = arith.addi %mul3A_2, %add3A_943 : i32
    "tpu.region"() ({
      %run_scoped3A = tpu.sem_alloc : memref<!tpu.dma_semaphore, #tpu.memory_space<semaphore_mem>>
      %dma_start3A_1051 = arith.constant 0 : i32
      %dma_start3A_1052 = tpu.memref_slice %arg4[%add3A_944, %dma_start3A_1051] : memref<204800x128xf32, #tpu.memory_space<hbm>> -> memref<256x128xf32, #tpu.memory_space<hbm>>
      %dma_start3A_1053 = arith.constant 0 : i32
      %dma_start3A_1054 = tpu.memref_slice %arg4[%add3A_944, %dma_start3A_1053] : memref<204800x128xf32, #tpu.memory_space<hbm>> -> memref<256x128xf32, #tpu.memory_space<hbm>>
      tpu.enqueue_dma source(%arg7 : memref<256x128xf32, #tpu.memory_space<vmem>>) target(%dma_start3A_1054 : memref<256x128xf32, #tpu.memory_space<hbm>>) target_semaphore(%run_scoped3A : memref<!tpu.dma_semaphore, #tpu.memory_space<semaphore_mem>>)
      %dma_wait3A_1055 = arith.constant 0 : i32
      %dma_wait3A_1056 = tpu.memref_slice %arg4[%add3A_944, %dma_wait3A_1055] : memref<204800x128xf32, #tpu.memory_space<hbm>> -> memref<256x128xf32, #tpu.memory_space<hbm>>
      %dma_wait3A_1057 = arith.constant 0 : i32
      %dma_wait3A_1058 = tpu.memref_slice %arg4[%add3A_944, %dma_wait3A_1057] : memref<204800x128xf32, #tpu.memory_space<hbm>> -> memref<256x128xf32, #tpu.memory_space<hbm>>
      tpu.wait_dma2 semaphore(%run_scoped3A : memref<!tpu.dma_semaphore, #tpu.memory_space<semaphore_mem>>) src(%arg7 : memref<256x128xf32, #tpu.memory_space<vmem>>) dst(%dma_wait3A_1058 : memref<256x128xf32, #tpu.memory_space<hbm>>)
      tpu.yield
    }) : () -> ()
    %dma_start3A_945 = arith.constant 46 : i32
    %dma_start3A_946 = arith.constant 0 : i32
    %dma_start3A_947 = arith.constant 0 : i32
    %dma_start3A_948 = tpu.memref_slice %arg7[%dma_start3A_946, %dma_start3A_947] : memref<256x128xf32, #tpu.memory_space<vmem>> -> memref<128x128xf32, #tpu.memory_space<vmem>>
    %dma_start3A_949 = arith.constant 0 : i32
    %dma_start3A_950 = tpu.memref_slice %arg5[%dma_start3A_945, %dma_start3A_949] : memref<50x128xi32, #tpu.memory_space<vmem>> -> memref<1x128xi32, #tpu.memory_space<vmem>>
    %dma_start3A_951 = tpu.memref_squeeze %dma_start3A_950 : memref<1x128xi32, #tpu.memory_space<vmem>> -> memref<128xi32, #tpu.memory_space<vmem>>
    %dma_start3A_952 = arith.constant 0 : i32
    %dma_start3A_953 = arith.constant 0 : i32
    %dma_start3A_954 = tpu.memref_slice %arg2[%dma_start3A_952, %dma_start3A_953] : memref<250000x128xf32, #tpu.memory_space<hbm>> -> memref<250000x128xf32, #tpu.memory_space<hbm>>
    tpu.enqueue_indirect_dma source(%dma_start3A_954 : memref<250000x128xf32, #tpu.memory_space<hbm>>) target(%dma_start3A_948 : memref<128x128xf32, #tpu.memory_space<vmem>>) offsets(%dma_start3A_951 : memref<128xi32, #tpu.memory_space<vmem>>) semaphore(%arg9 : memref<!tpu.dma_semaphore, #tpu.memory_space<semaphore_mem>>)
    %dma_start3A_955 = arith.constant 47 : i32
    %dma_start3A_956 = arith.constant 128 : i32
    %dma_start3A_957 = arith.constant 0 : i32
    %dma_start3A_958 = tpu.memref_slice %arg7[%dma_start3A_956, %dma_start3A_957] : memref<256x128xf32, #tpu.memory_space<vmem>> -> memref<128x128xf32, #tpu.memory_space<vmem>>
    %dma_start3A_959 = arith.constant 0 : i32
    %dma_start3A_960 = tpu.memref_slice %arg5[%dma_start3A_955, %dma_start3A_959] : memref<50x128xi32, #tpu.memory_space<vmem>> -> memref<1x128xi32, #tpu.memory_space<vmem>>
    %dma_start3A_961 = tpu.memref_squeeze %dma_start3A_960 : memref<1x128xi32, #tpu.memory_space<vmem>> -> memref<128xi32, #tpu.memory_space<vmem>>
    %dma_start3A_962 = arith.constant 0 : i32
    %dma_start3A_963 = arith.constant 0 : i32
    %dma_start3A_964 = tpu.memref_slice %arg2[%dma_start3A_962, %dma_start3A_963] : memref<250000x128xf32, #tpu.memory_space<hbm>> -> memref<250000x128xf32, #tpu.memory_space<hbm>>
    tpu.enqueue_indirect_dma source(%dma_start3A_964 : memref<250000x128xf32, #tpu.memory_space<hbm>>) target(%dma_start3A_958 : memref<128x128xf32, #tpu.memory_space<vmem>>) offsets(%dma_start3A_961 : memref<128xi32, #tpu.memory_space<vmem>>) semaphore(%arg9 : memref<!tpu.dma_semaphore, #tpu.memory_space<semaphore_mem>>)
    %dma_wait3A_965 = arith.constant 44 : i32
    %dma_wait3A_966 = arith.constant 0 : i32
    %dma_wait3A_967 = arith.constant 0 : i32
    %dma_wait3A_968 = tpu.memref_slice %arg6[%dma_wait3A_966, %dma_wait3A_967] : memref<256x128xf32, #tpu.memory_space<vmem>> -> memref<128x128xf32, #tpu.memory_space<vmem>>
    %dma_wait3A_969 = arith.constant 0 : i32
    %dma_wait3A_970 = tpu.memref_slice %arg5[%dma_wait3A_965, %dma_wait3A_969] : memref<50x128xi32, #tpu.memory_space<vmem>> -> memref<1x128xi32, #tpu.memory_space<vmem>>
    %dma_wait3A_971 = tpu.memref_squeeze %dma_wait3A_970 : memref<1x128xi32, #tpu.memory_space<vmem>> -> memref<128xi32, #tpu.memory_space<vmem>>
    %dma_wait3A_972 = arith.constant 0 : i32
    %dma_wait3A_973 = arith.constant 0 : i32
    %dma_wait3A_974 = tpu.memref_slice %arg2[%dma_wait3A_972, %dma_wait3A_973] : memref<250000x128xf32, #tpu.memory_space<hbm>> -> memref<250000x128xf32, #tpu.memory_space<hbm>>
    tpu.wait_indirect_dma semaphore(%arg8 : memref<!tpu.dma_semaphore, #tpu.memory_space<semaphore_mem>>) src(%dma_wait3A_974 : memref<250000x128xf32, #tpu.memory_space<hbm>>) dst(%dma_wait3A_968 : memref<128x128xf32, #tpu.memory_space<vmem>>)
    %dma_wait3A_975 = arith.constant 45 : i32
    %dma_wait3A_976 = arith.constant 128 : i32
    %dma_wait3A_977 = arith.constant 0 : i32
    %dma_wait3A_978 = tpu.memref_slice %arg6[%dma_wait3A_976, %dma_wait3A_977] : memref<256x128xf32, #tpu.memory_space<vmem>> -> memref<128x128xf32, #tpu.memory_space<vmem>>
    %dma_wait3A_979 = arith.constant 0 : i32
    %dma_wait3A_980 = tpu.memref_slice %arg5[%dma_wait3A_975, %dma_wait3A_979] : memref<50x128xi32, #tpu.memory_space<vmem>> -> memref<1x128xi32, #tpu.memory_space<vmem>>
    %dma_wait3A_981 = tpu.memref_squeeze %dma_wait3A_980 : memref<1x128xi32, #tpu.memory_space<vmem>> -> memref<128xi32, #tpu.memory_space<vmem>>
    %dma_wait3A_982 = arith.constant 0 : i32
    %dma_wait3A_983 = arith.constant 0 : i32
    %dma_wait3A_984 = tpu.memref_slice %arg2[%dma_wait3A_982, %dma_wait3A_983] : memref<250000x128xf32, #tpu.memory_space<hbm>> -> memref<250000x128xf32, #tpu.memory_space<hbm>>
    tpu.wait_indirect_dma semaphore(%arg8 : memref<!tpu.dma_semaphore, #tpu.memory_space<semaphore_mem>>) src(%dma_wait3A_984 : memref<250000x128xf32, #tpu.memory_space<hbm>>) dst(%dma_wait3A_978 : memref<128x128xf32, #tpu.memory_space<vmem>>)
    %add3A_985 = arith.constant 5632 : i32
    %add3A_986 = arith.addi %mul3A_2, %add3A_985 : i32
    "tpu.region"() ({
      %run_scoped3A = tpu.sem_alloc : memref<!tpu.dma_semaphore, #tpu.memory_space<semaphore_mem>>
      %dma_start3A_1051 = arith.constant 0 : i32
      %dma_start3A_1052 = tpu.memref_slice %arg4[%add3A_986, %dma_start3A_1051] : memref<204800x128xf32, #tpu.memory_space<hbm>> -> memref<256x128xf32, #tpu.memory_space<hbm>>
      %dma_start3A_1053 = arith.constant 0 : i32
      %dma_start3A_1054 = tpu.memref_slice %arg4[%add3A_986, %dma_start3A_1053] : memref<204800x128xf32, #tpu.memory_space<hbm>> -> memref<256x128xf32, #tpu.memory_space<hbm>>
      tpu.enqueue_dma source(%arg6 : memref<256x128xf32, #tpu.memory_space<vmem>>) target(%dma_start3A_1054 : memref<256x128xf32, #tpu.memory_space<hbm>>) target_semaphore(%run_scoped3A : memref<!tpu.dma_semaphore, #tpu.memory_space<semaphore_mem>>)
      %dma_wait3A_1055 = arith.constant 0 : i32
      %dma_wait3A_1056 = tpu.memref_slice %arg4[%add3A_986, %dma_wait3A_1055] : memref<204800x128xf32, #tpu.memory_space<hbm>> -> memref<256x128xf32, #tpu.memory_space<hbm>>
      %dma_wait3A_1057 = arith.constant 0 : i32
      %dma_wait3A_1058 = tpu.memref_slice %arg4[%add3A_986, %dma_wait3A_1057] : memref<204800x128xf32, #tpu.memory_space<hbm>> -> memref<256x128xf32, #tpu.memory_space<hbm>>
      tpu.wait_dma2 semaphore(%run_scoped3A : memref<!tpu.dma_semaphore, #tpu.memory_space<semaphore_mem>>) src(%arg6 : memref<256x128xf32, #tpu.memory_space<vmem>>) dst(%dma_wait3A_1058 : memref<256x128xf32, #tpu.memory_space<hbm>>)
      tpu.yield
    }) : () -> ()
    %dma_start3A_987 = arith.constant 48 : i32
    %dma_start3A_988 = arith.constant 0 : i32
    %dma_start3A_989 = arith.constant 0 : i32
    %dma_start3A_990 = tpu.memref_slice %arg6[%dma_start3A_988, %dma_start3A_989] : memref<256x128xf32, #tpu.memory_space<vmem>> -> memref<128x128xf32, #tpu.memory_space<vmem>>
    %dma_start3A_991 = arith.constant 0 : i32
    %dma_start3A_992 = tpu.memref_slice %arg5[%dma_start3A_987, %dma_start3A_991] : memref<50x128xi32, #tpu.memory_space<vmem>> -> memref<1x128xi32, #tpu.memory_space<vmem>>
    %dma_start3A_993 = tpu.memref_squeeze %dma_start3A_992 : memref<1x128xi32, #tpu.memory_space<vmem>> -> memref<128xi32, #tpu.memory_space<vmem>>
    %dma_start3A_994 = arith.constant 0 : i32
    %dma_start3A_995 = arith.constant 0 : i32
    %dma_start3A_996 = tpu.memref_slice %arg2[%dma_start3A_994, %dma_start3A_995] : memref<250000x128xf32, #tpu.memory_space<hbm>> -> memref<250000x128xf32, #tpu.memory_space<hbm>>
    tpu.enqueue_indirect_dma source(%dma_start3A_996 : memref<250000x128xf32, #tpu.memory_space<hbm>>) target(%dma_start3A_990 : memref<128x128xf32, #tpu.memory_space<vmem>>) offsets(%dma_start3A_993 : memref<128xi32, #tpu.memory_space<vmem>>) semaphore(%arg8 : memref<!tpu.dma_semaphore, #tpu.memory_space<semaphore_mem>>)
    %dma_start3A_997 = arith.constant 49 : i32
    %dma_start3A_998 = arith.constant 128 : i32
    %dma_start3A_999 = arith.constant 0 : i32
    %dma_start3A_1000 = tpu.memref_slice %arg6[%dma_start3A_998, %dma_start3A_999] : memref<256x128xf32, #tpu.memory_space<vmem>> -> memref<128x128xf32, #tpu.memory_space<vmem>>
    %dma_start3A_1001 = arith.constant 0 : i32
    %dma_start3A_1002 = tpu.memref_slice %arg5[%dma_start3A_997, %dma_start3A_1001] : memref<50x128xi32, #tpu.memory_space<vmem>> -> memref<1x128xi32, #tpu.memory_space<vmem>>
    %dma_start3A_1003 = tpu.memref_squeeze %dma_start3A_1002 : memref<1x128xi32, #tpu.memory_space<vmem>> -> memref<128xi32, #tpu.memory_space<vmem>>
    %dma_start3A_1004 = arith.constant 0 : i32
    %dma_start3A_1005 = arith.constant 0 : i32
    %dma_start3A_1006 = tpu.memref_slice %arg2[%dma_start3A_1004, %dma_start3A_1005] : memref<250000x128xf32, #tpu.memory_space<hbm>> -> memref<250000x128xf32, #tpu.memory_space<hbm>>
    tpu.enqueue_indirect_dma source(%dma_start3A_1006 : memref<250000x128xf32, #tpu.memory_space<hbm>>) target(%dma_start3A_1000 : memref<128x128xf32, #tpu.memory_space<vmem>>) offsets(%dma_start3A_1003 : memref<128xi32, #tpu.memory_space<vmem>>) semaphore(%arg8 : memref<!tpu.dma_semaphore, #tpu.memory_space<semaphore_mem>>)
    %dma_wait3A_1007 = arith.constant 46 : i32
    %dma_wait3A_1008 = arith.constant 0 : i32
    %dma_wait3A_1009 = arith.constant 0 : i32
    %dma_wait3A_1010 = tpu.memref_slice %arg7[%dma_wait3A_1008, %dma_wait3A_1009] : memref<256x128xf32, #tpu.memory_space<vmem>> -> memref<128x128xf32, #tpu.memory_space<vmem>>
    %dma_wait3A_1011 = arith.constant 0 : i32
    %dma_wait3A_1012 = tpu.memref_slice %arg5[%dma_wait3A_1007, %dma_wait3A_1011] : memref<50x128xi32, #tpu.memory_space<vmem>> -> memref<1x128xi32, #tpu.memory_space<vmem>>
    %dma_wait3A_1013 = tpu.memref_squeeze %dma_wait3A_1012 : memref<1x128xi32, #tpu.memory_space<vmem>> -> memref<128xi32, #tpu.memory_space<vmem>>
    %dma_wait3A_1014 = arith.constant 0 : i32
    %dma_wait3A_1015 = arith.constant 0 : i32
    %dma_wait3A_1016 = tpu.memref_slice %arg2[%dma_wait3A_1014, %dma_wait3A_1015] : memref<250000x128xf32, #tpu.memory_space<hbm>> -> memref<250000x128xf32, #tpu.memory_space<hbm>>
    tpu.wait_indirect_dma semaphore(%arg9 : memref<!tpu.dma_semaphore, #tpu.memory_space<semaphore_mem>>) src(%dma_wait3A_1016 : memref<250000x128xf32, #tpu.memory_space<hbm>>) dst(%dma_wait3A_1010 : memref<128x128xf32, #tpu.memory_space<vmem>>)
    %dma_wait3A_1017 = arith.constant 47 : i32
    %dma_wait3A_1018 = arith.constant 128 : i32
    %dma_wait3A_1019 = arith.constant 0 : i32
    %dma_wait3A_1020 = tpu.memref_slice %arg7[%dma_wait3A_1018, %dma_wait3A_1019] : memref<256x128xf32, #tpu.memory_space<vmem>> -> memref<128x128xf32, #tpu.memory_space<vmem>>
    %dma_wait3A_1021 = arith.constant 0 : i32
    %dma_wait3A_1022 = tpu.memref_slice %arg5[%dma_wait3A_1017, %dma_wait3A_1021] : memref<50x128xi32, #tpu.memory_space<vmem>> -> memref<1x128xi32, #tpu.memory_space<vmem>>
    %dma_wait3A_1023 = tpu.memref_squeeze %dma_wait3A_1022 : memref<1x128xi32, #tpu.memory_space<vmem>> -> memref<128xi32, #tpu.memory_space<vmem>>
    %dma_wait3A_1024 = arith.constant 0 : i32
    %dma_wait3A_1025 = arith.constant 0 : i32
    %dma_wait3A_1026 = tpu.memref_slice %arg2[%dma_wait3A_1024, %dma_wait3A_1025] : memref<250000x128xf32, #tpu.memory_space<hbm>> -> memref<250000x128xf32, #tpu.memory_space<hbm>>
    tpu.wait_indirect_dma semaphore(%arg9 : memref<!tpu.dma_semaphore, #tpu.memory_space<semaphore_mem>>) src(%dma_wait3A_1026 : memref<250000x128xf32, #tpu.memory_space<hbm>>) dst(%dma_wait3A_1020 : memref<128x128xf32, #tpu.memory_space<vmem>>)
    %add3A_1027 = arith.constant 5888 : i32
    %add3A_1028 = arith.addi %mul3A_2, %add3A_1027 : i32
    "tpu.region"() ({
      %run_scoped3A = tpu.sem_alloc : memref<!tpu.dma_semaphore, #tpu.memory_space<semaphore_mem>>
      %dma_start3A_1051 = arith.constant 0 : i32
      %dma_start3A_1052 = tpu.memref_slice %arg4[%add3A_1028, %dma_start3A_1051] : memref<204800x128xf32, #tpu.memory_space<hbm>> -> memref<256x128xf32, #tpu.memory_space<hbm>>
      %dma_start3A_1053 = arith.constant 0 : i32
      %dma_start3A_1054 = tpu.memref_slice %arg4[%add3A_1028, %dma_start3A_1053] : memref<204800x128xf32, #tpu.memory_space<hbm>> -> memref<256x128xf32, #tpu.memory_space<hbm>>
      tpu.enqueue_dma source(%arg7 : memref<256x128xf32, #tpu.memory_space<vmem>>) target(%dma_start3A_1054 : memref<256x128xf32, #tpu.memory_space<hbm>>) target_semaphore(%run_scoped3A : memref<!tpu.dma_semaphore, #tpu.memory_space<semaphore_mem>>)
      %dma_wait3A_1055 = arith.constant 0 : i32
      %dma_wait3A_1056 = tpu.memref_slice %arg4[%add3A_1028, %dma_wait3A_1055] : memref<204800x128xf32, #tpu.memory_space<hbm>> -> memref<256x128xf32, #tpu.memory_space<hbm>>
      %dma_wait3A_1057 = arith.constant 0 : i32
      %dma_wait3A_1058 = tpu.memref_slice %arg4[%add3A_1028, %dma_wait3A_1057] : memref<204800x128xf32, #tpu.memory_space<hbm>> -> memref<256x128xf32, #tpu.memory_space<hbm>>
      tpu.wait_dma2 semaphore(%run_scoped3A : memref<!tpu.dma_semaphore, #tpu.memory_space<semaphore_mem>>) src(%arg7 : memref<256x128xf32, #tpu.memory_space<vmem>>) dst(%dma_wait3A_1058 : memref<256x128xf32, #tpu.memory_space<hbm>>)
      tpu.yield
    }) : () -> ()
    %dma_wait3A_1029 = arith.constant 48 : i32
    %dma_wait3A_1030 = arith.constant 0 : i32
    %dma_wait3A_1031 = arith.constant 0 : i32
    %dma_wait3A_1032 = tpu.memref_slice %arg6[%dma_wait3A_1030, %dma_wait3A_1031] : memref<256x128xf32, #tpu.memory_space<vmem>> -> memref<128x128xf32, #tpu.memory_space<vmem>>
    %dma_wait3A_1033 = arith.constant 0 : i32
    %dma_wait3A_1034 = tpu.memref_slice %arg5[%dma_wait3A_1029, %dma_wait3A_1033] : memref<50x128xi32, #tpu.memory_space<vmem>> -> memref<1x128xi32, #tpu.memory_space<vmem>>
    %dma_wait3A_1035 = tpu.memref_squeeze %dma_wait3A_1034 : memref<1x128xi32, #tpu.memory_space<vmem>> -> memref<128xi32, #tpu.memory_space<vmem>>
    %dma_wait3A_1036 = arith.constant 0 : i32
    %dma_wait3A_1037 = arith.constant 0 : i32
    %dma_wait3A_1038 = tpu.memref_slice %arg2[%dma_wait3A_1036, %dma_wait3A_1037] : memref<250000x128xf32, #tpu.memory_space<hbm>> -> memref<250000x128xf32, #tpu.memory_space<hbm>>
    tpu.wait_indirect_dma semaphore(%arg8 : memref<!tpu.dma_semaphore, #tpu.memory_space<semaphore_mem>>) src(%dma_wait3A_1038 : memref<250000x128xf32, #tpu.memory_space<hbm>>) dst(%dma_wait3A_1032 : memref<128x128xf32, #tpu.memory_space<vmem>>)
    %dma_wait3A_1039 = arith.constant 49 : i32
    %dma_wait3A_1040 = arith.constant 128 : i32
    %dma_wait3A_1041 = arith.constant 0 : i32
    %dma_wait3A_1042 = tpu.memref_slice %arg6[%dma_wait3A_1040, %dma_wait3A_1041] : memref<256x128xf32, #tpu.memory_space<vmem>> -> memref<128x128xf32, #tpu.memory_space<vmem>>
    %dma_wait3A_1043 = arith.constant 0 : i32
    %dma_wait3A_1044 = tpu.memref_slice %arg5[%dma_wait3A_1039, %dma_wait3A_1043] : memref<50x128xi32, #tpu.memory_space<vmem>> -> memref<1x128xi32, #tpu.memory_space<vmem>>
    %dma_wait3A_1045 = tpu.memref_squeeze %dma_wait3A_1044 : memref<1x128xi32, #tpu.memory_space<vmem>> -> memref<128xi32, #tpu.memory_space<vmem>>
    %dma_wait3A_1046 = arith.constant 0 : i32
    %dma_wait3A_1047 = arith.constant 0 : i32
    %dma_wait3A_1048 = tpu.memref_slice %arg2[%dma_wait3A_1046, %dma_wait3A_1047] : memref<250000x128xf32, #tpu.memory_space<hbm>> -> memref<250000x128xf32, #tpu.memory_space<hbm>>
    tpu.wait_indirect_dma semaphore(%arg8 : memref<!tpu.dma_semaphore, #tpu.memory_space<semaphore_mem>>) src(%dma_wait3A_1048 : memref<250000x128xf32, #tpu.memory_space<hbm>>) dst(%dma_wait3A_1042 : memref<128x128xf32, #tpu.memory_space<vmem>>)
    %add3A_1049 = arith.constant 6144 : i32
    %add3A_1050 = arith.addi %mul3A_2, %add3A_1049 : i32
    "tpu.region"() ({
      %run_scoped3A = tpu.sem_alloc : memref<!tpu.dma_semaphore, #tpu.memory_space<semaphore_mem>>
      %dma_start3A_1051 = arith.constant 0 : i32
      %dma_start3A_1052 = tpu.memref_slice %arg4[%add3A_1050, %dma_start3A_1051] : memref<204800x128xf32, #tpu.memory_space<hbm>> -> memref<256x128xf32, #tpu.memory_space<hbm>>
      %dma_start3A_1053 = arith.constant 0 : i32
      %dma_start3A_1054 = tpu.memref_slice %arg4[%add3A_1050, %dma_start3A_1053] : memref<204800x128xf32, #tpu.memory_space<hbm>> -> memref<256x128xf32, #tpu.memory_space<hbm>>
      tpu.enqueue_dma source(%arg6 : memref<256x128xf32, #tpu.memory_space<vmem>>) target(%dma_start3A_1054 : memref<256x128xf32, #tpu.memory_space<hbm>>) target_semaphore(%run_scoped3A : memref<!tpu.dma_semaphore, #tpu.memory_space<semaphore_mem>>)
      %dma_wait3A_1055 = arith.constant 0 : i32
      %dma_wait3A_1056 = tpu.memref_slice %arg4[%add3A_1050, %dma_wait3A_1055] : memref<204800x128xf32, #tpu.memory_space<hbm>> -> memref<256x128xf32, #tpu.memory_space<hbm>>
      %dma_wait3A_1057 = arith.constant 0 : i32
      %dma_wait3A_1058 = tpu.memref_slice %arg4[%add3A_1050, %dma_wait3A_1057] : memref<204800x128xf32, #tpu.memory_space<hbm>> -> memref<256x128xf32, #tpu.memory_space<hbm>>
      tpu.wait_dma2 semaphore(%run_scoped3A : memref<!tpu.dma_semaphore, #tpu.memory_space<semaphore_mem>>) src(%arg6 : memref<256x128xf32, #tpu.memory_space<vmem>>) dst(%dma_wait3A_1058 : memref<256x128xf32, #tpu.memory_space<hbm>>)
      tpu.yield
    }) : () -> ()
    return
  }
}

module attributes {stable_mosaic.version = 14 : i64} {
  func.func @_select_matmul_body(%arg0: i32, %arg1: memref<1x4096x128xf32, #tpu.memory_space<vmem>>, %arg2: memref<1x1x4096xi32, #tpu.memory_space<vmem>>, %arg3: memref<128x64xf32, #tpu.memory_space<vmem>>, %arg4: memref<1x64xf32, #tpu.memory_space<vmem>>, %arg5: memref<1x64x4096xf32, #tpu.memory_space<vmem>>) attributes {dimension_semantics = [#tpu.dimension_semantics<arbitrary>], iteration_bounds = array<i64: 50>, scalar_prefetch = 0 : i64, scratch_operands = 0 : i64, tpu.core_type = #tpu.core_type<tc>, window_params = [{transform_indices = @transform_0, window_bounds = array<i64: 1, 4096, 128>}, {transform_indices = @transform_1, window_bounds = array<i64: 1, 1, 4096>}, {pipeline_mode = #tpu.pipeline_mode<synchronous>, transform_indices = @transform_2, window_bounds = array<i64: 128, 64>}, {pipeline_mode = #tpu.pipeline_mode<synchronous>, transform_indices = @transform_3, window_bounds = array<i64: 1, 64>}, {transform_indices = @transform_4, window_bounds = array<i64: 1, 64, 4096>}]} {
    %get3A = arith.constant 0 : index
    %get3A_0 = arith.constant 0 : index
    %get3A_1 = arith.constant 0 : index
    %get3A_2 = vector.load %arg1[%get3A, %get3A_0, %get3A_1] : memref<1x4096x128xf32, #tpu.memory_space<vmem>>, vector<1x4096x128xf32>
    %get3A_3 = vector.shape_cast %get3A_2 : vector<1x4096x128xf32> to vector<4096x128xf32>
    %get3A_4 = arith.constant 0 : index
    %get3A_5 = arith.constant 0 : index
    %get3A_6 = arith.constant 0 : index
    %get3A_7 = vector.load %arg2[%get3A_4, %get3A_5, %get3A_6] : memref<1x1x4096xi32, #tpu.memory_space<vmem>>, vector<1x1x4096xi32>
    %get3A_8 = vector.shape_cast %get3A_7 : vector<1x1x4096xi32> to vector<1x4096xi32>
    %and3A = arith.constant 3 : i32
    %and3A_9 = vector.broadcast %and3A : i32 to vector<1x4096xi32>
    %and3A_10 = arith.andi %get3A_8, %and3A_9 : vector<1x4096xi32>
    %reshape3A = vector.shape_cast %and3A_10 : vector<1x4096xi32> to vector<4096x1xi32>
    %iota3A = tpu.iota {dimensions = array<i32: 1>} : vector<4096x128xi32>
    %shift_right_arithmetic3A = arith.constant 5 : i32
    %shift_right_arithmetic3A_11 = vector.broadcast %shift_right_arithmetic3A : i32 to vector<4096x128xi32>
    %shift_right_arithmetic3A_12 = arith.shrsi %iota3A, %shift_right_arithmetic3A_11 : vector<4096x128xi32>
    %eq3A = vector.broadcast %reshape3A : vector<4096x1xi32> to vector<4096x128xi32>
    %eq3A_13 = arith.cmpi eq, %shift_right_arithmetic3A_12, %eq3A : vector<4096x128xi32>
    %jit3A = arith.constant 0.000000e+00 : f32
    %broadcast_in_dim3A = vector.broadcast %jit3A : f32 to vector<4096x128xf32>
    %select_n3A = arith.select %eq3A_13, %get3A_3, %broadcast_in_dim3A : vector<4096x128xi1>, vector<4096x128xf32>
    %get3A_14 = arith.constant 0 : index
    %get3A_15 = arith.constant 0 : index
    %get3A_16 = vector.load %arg3[%get3A_14, %get3A_15] : memref<128x64xf32, #tpu.memory_space<vmem>>, vector<128x64xf32>
    %dot_general3A = arith.constant dense<0.000000e+00> : vector<4096x64xf32>
    %dot_general3A_17 = tpu.matmul %select_n3A, %get3A_16, %dot_general3A {dimension_numbers = #tpu.dot_dimension_numbers<[1], [0], [0], [1], [0, 0, 1, 1], [], []>, transpose_lhs_hint = false} : vector<4096x128xf32>, vector<128x64xf32>, vector<4096x64xf32> -> vector<4096x64xf32>
    %get3A_18 = arith.constant 0 : index
    %get3A_19 = arith.constant 0 : index
    %get3A_20 = vector.load %arg4[%get3A_18, %get3A_19] : memref<1x64xf32, #tpu.memory_space<vmem>>, vector<1x64xf32>
    %add3A = vector.broadcast %get3A_20 : vector<1x64xf32> to vector<4096x64xf32>
    %add3A_21 = arith.addf %dot_general3A_17, %add3A : vector<4096x64xf32>
    %transpose3A = tpu.transpose %add3A_21, [1, 0] : vector<4096x64xf32> -> vector<64x4096xf32>
    %swap3A = arith.constant 0 : index
    %swap3A_22 = arith.constant 0 : index
    %swap3A_23 = arith.constant 0 : index
    %swap3A_24 = vector.load %arg5[%swap3A, %swap3A_22, %swap3A_23] : memref<1x64x4096xf32, #tpu.memory_space<vmem>>, vector<1x64x4096xf32>
    %swap3A_25 = vector.shape_cast %swap3A_24 : vector<1x64x4096xf32> to vector<64x4096xf32>
    %swap3A_26 = vector.shape_cast %transpose3A : vector<64x4096xf32> to vector<1x64x4096xf32>
    tpu.vector_store %arg5[%swap3A, %swap3A_22, %swap3A_23], %swap3A_26 {strides = array<i32>} : memref<1x64x4096xf32, #tpu.memory_space<vmem>>, vector<1x64x4096xf32>,
    return
  }
  func.func @transform_0(%arg0: i32) -> (i32, i32, i32) {
    %c0_i32 = arith.constant 0 : i32
    %c0_i32_0 = arith.constant 0 : i32
    %c0_i32_1 = arith.constant 0 : i32
    return %arg0, %c0_i32, %c0_i32_0 : i32, i32, i32
  }
  func.func @transform_1(%arg0: i32) -> (i32, i32, i32) {
    %c0_i32 = arith.constant 0 : i32
    %c0_i32_0 = arith.constant 0 : i32
    %c0_i32_1 = arith.constant 0 : i32
    return %arg0, %c0_i32, %c0_i32_0 : i32, i32, i32
  }
  func.func @transform_2(%arg0: i32) -> (i32, i32) {
    %c0_i32 = arith.constant 0 : i32
    %c0_i32_0 = arith.constant 0 : i32
    %c0_i32_1 = arith.constant 0 : i32
    return %c0_i32, %c0_i32_0 : i32, i32
  }
  func.func @transform_3(%arg0: i32) -> (i32, i32) {
    %c0_i32 = arith.constant 0 : i32
    %c0_i32_0 = arith.constant 0 : i32
    %c0_i32_1 = arith.constant 0 : i32
    return %c0_i32, %c0_i32_0 : i32, i32
  }
  func.func @transform_4(%arg0: i32) -> (i32, i32, i32) {
    %c0_i32 = arith.constant 0 : i32
    %c0_i32_0 = arith.constant 0 : i32
    %c0_i32_1 = arith.constant 0 : i32
    return %arg0, %c0_i32, %c0_i32_0 : i32, i32, i32
  }
}

</mosaic_0001>

<sc_bundles>
// kernel: kernel.4.cloned.1.call-start
scs
__scs_entry_jumppad:
0x0: {  	(pc) =	sbr.rel $0x88, $3  }
0x1: {  	(tag) =	ssettag $0x0;
	lr =	simm.s32 $0x1  }
0x2: {  	[smem:$0x3F9D] =	sst lr;
	_ =	strace $0xD0000000  }
0x3: {  	_ = 	snop  }
0x4: {  	_ = 	snop  }
0x5: {  	_ = 	snop  }
0x6: {  	_ = 	snop  }
0x7: {  	_ = 	snop  }
__scs_overlays_trampoline_lowered:
0x8: {  	[smem:$0x3FAC] =	sst s0  }
0x9: {  	[smem:$0x3FAD] =	sst s1  }
0xa: {  	[smem:$0x3FAE] =	sst s2  }
0xb: {  	[smem:$0x3FAF] =	sst s3  }
0xc: {  	[smem:$0x3FB0] =	sst s4  }
0xd: {  	[smem:$0x3FB1] =	sst s5  }
0xe: {  	[smem:$0x3FB2] =	sst s6  }
0xf: {  	[smem:$0x3FB3] =	sst s7  }
0x10: {  	[smem:$0x3FB4] =	sst s8  }
0x11: {  	[smem:$0x3FB5] =	sst s9;
	s0 =	simm.s32 @!p0 $0x0  }
0x12: {  	s1 =	sld [smem:$0x3F9B];
	s0 =	simm.s32 @p0 $0x1  }
0x13: {  	[smem:$0x3FB6] =	sst s0;
	s0 =	simm.s32 @!p1 $0x0  }
0x14: {  	s2 =	sld [smem:$0x3F9A];
	s0 =	simm.s32 @p1 $0x1  }
0x15: {  	[smem:$0x3FB7] =	sst s0;
	s0 =	simm.s32 @!p2 $0x0  }
0x16: {  	s3 =	sld [smem:$0x3FDB];
	s0 =	simm.s32 @p2 $0x1  }
0x17: {  	s4 =	simm.s32 $0x1BF5;
	[smem:$0x3FB9] =	sst s0  }
0x18: {  	s0 =	sld [smem:$0x3F9C];
	_ =	swait.ge [sflag:s4], $0x0  }
0x19: {  	s7 =	sld [smem:$0x3F9D]  }
0x1a: {  	s8 =	sadd.s32 $0xFFFFE003, lr  }
0x1b: {  	s9 =	sadd.s32 $0xFFFFFEF7, lr;
	s5 =	simm.s32 $0xFFFFFFFF;
	p2 =	slt.u32 s8, $0xFFFFF086  }
0x1c: {  	p1 =	slt.u32 s9, $0xF7A;
	s5 =	simm.s32 @!p2 $0x0  }
0x1d: {  	s5 =	simm.s32 @p1 $0x1;
	p0 =	seq.s32 s7, s2  }
0x1e: {  	s7 =	smul.u32 @!p0 $0xF7A, s2;
	p2 =	seq.s32 @!p0 s5, $0x0  }
0x1f: {  	s9 =	smul.u32 $0xF7A, s1;
	s8 =	simm.s32 @!p0 $0x1BF5;
	p2 =	por !p2, p0  }
0x20: {  	[sflag:s8] =	ssyncset.s32 @!p0 $0xFFFFF086;
	s6 =	sadd.s32 @!p0 s3, s7;
	s7 =	simm.s32 @!p0 $0x108  }
0x21: {  	s3 =	sadd.s32 s3, s9;
	s6 =	sadd.s32 @!p0 $0x88, s6;
	s7 =	simm.s32 @p2 $0x1082  }
0x22: {  	[simem:s7], [sflag:s8] =	dma.local @!p0 [hbm:s6], $0xF7A  }
0x23: {  	s9 =	sor.u32 $0xD0000000, s2;
	s6 =	simm.s32 $0x108;
	_ =	swait.ge @!p0 [sflag:s8], $0x0  }
0x24: {  	s3 =	sadd.s32 $0x88, s3;
	s6 =	simm.s32 @!p1 $0x1082;
	[sflag:s4] =	ssyncset.s32 $0xFFFFF086  }
0x25: {  	[simem:s6], [sflag:s4] =	dma.local [hbm:s3], $0xF7A  }
0x26: {  	[smem:$0x3F9D] =	sst s1;
	(tag) =	ssettag s2;
	_ =	strace s9  }
0x27: {  	s1 =	sld [smem:$0x3FAD]  }
0x28: {  	s2 =	sld [smem:$0x3FAE]  }
0x29: {  	s4 =	sld [smem:$0x3FB0]  }
0x2a: {  	p0 =	seq.s32 s5, $0x0;
	s5 =	sld [smem:$0x3FB1]  }
0x2b: {  	s6 =	sld [smem:$0x3FB2]  }
0x2c: {  	s7 =	sld [smem:$0x3FB3]  }
0x2d: {  	s3 =	simm.s32 $0x108;
	s8 =	sld [smem:$0x3FB4]  }
0x2e: {  	s3 =	simm.s32 @!p0 $0x1082;
	s9 =	sld [smem:$0x3FB5]  }
0x2f: {  	lr =	sadd.s32 s0, s3;
	s0 =	sld [smem:$0x3FAC]  }
0x30: {  	s3 =	sld [smem:$0x3FAF]  }
0x31: {  	[smem:$0x3FB8] =	sst s10  }
0x32: {  	s10 =	sld [smem:$0x3FB6];
	_ =	sdelay $0x3  }
0x33: {  	p0 =	seq.s32 s10, $0x1;
	s10 =	sld [smem:$0x3FB8];
	_ =	sdelay $0x3  }
0x34: {  	[smem:$0x3FB8] =	sst s10  }
0x35: {  	s10 =	sld [smem:$0x3FB7];
	_ =	sdelay $0x3  }
0x36: {  	p1 =	seq.s32 s10, $0x1;
	s10 =	sld [smem:$0x3FB8];
	_ =	sdelay $0x3  }
0x37: {  	[smem:$0x3FB8] =	sst s10  }
0x38: {  	s10 =	sld [smem:$0x3FB9]  }
0x39: {  	_ = 	snop;
	(pc) =	sbr.ind lr, $3  }
0x3a: {  	_ = 	snop  }
0x3b: {  	_ = 	snop  }
0x3c: {  	p2 =	seq.s32 s10, $0x1;
	s10 =	sld [smem:$0x3FB8]  }
0x3d: {  	_ =	shalt  }
0x3e: {  	_ =	shalt  }
0x3f: {  	_ =	shalt  }
0x40: {  	_ =	shalt  }
0x41: {  	_ =	shalt  }
0x42: {  	_ =	shalt  }
0x43: {  	_ =	shalt  }
0x44: {  	_ =	shalt  }
0x45: {  	_ =	shalt  }
0x46: {  	_ =	shalt  }
0x47: {  	_ =	shalt  }
0x48: {  	_ =	shalt  }
0x49: {  	_ =	shalt  }
0x4a: {  	_ =	shalt  }
0x4b: {  	_ =	shalt  }
0x4c: {  	_ =	shalt  }
0x4d: {  	_ =	shalt  }
0x4e: {  	_ =	shalt  }
0x4f: {  	_ =	shalt  }
0x50: {  	_ =	shalt  }
0x51: {  	_ =	shalt  }
0x52: {  	_ =	shalt  }
0x53: {  	_ =	shalt  }
0x54: {  	_ =	shalt  }
0x55: {  	_ =	shalt  }
0x56: {  	_ =	shalt  }
0x57: {  	_ =	shalt  }
0x58: {  	_ =	shalt  }
0x59: {  	_ =	shalt  }
0x5a: {  	_ =	shalt  }
0x5b: {  	_ =	shalt  }
0x5c: {  	_ =	shalt  }
0x5d: {  	_ =	shalt  }
0x5e: {  	_ =	shalt  }
0x5f: {  	_ =	shalt  }
0x60: {  	_ =	shalt  }
0x61: {  	_ =	shalt  }
0x62: {  	_ =	shalt  }
0x63: {  	_ =	shalt  }
0x64: {  	_ =	shalt  }
0x65: {  	_ =	shalt  }
0x66: {  	_ =	shalt  }
0x67: {  	_ =	shalt  }
0x68: {  	_ =	shalt  }
0x69: {  	_ =	shalt  }
0x6a: {  	_ =	shalt  }
0x6b: {  	_ =	shalt  }
0x6c: {  	_ =	shalt  }
0x6d: {  	_ =	shalt  }
0x6e: {  	_ =	shalt  }
0x6f: {  	_ =	shalt  }
0x70: {  	_ =	shalt  }
0x71: {  	_ =	shalt  }
0x72: {  	_ =	shalt  }
0x73: {  	_ =	shalt  }
0x74: {  	_ =	shalt  }
0x75: {  	_ =	shalt  }
0x76: {  	_ =	shalt  }
0x77: {  	_ =	shalt  }
0x78: {  	_ =	shalt  }
0x79: {  	_ =	shalt  }
0x7a: {  	_ =	shalt  }
0x7b: {  	_ =	shalt  }
0x7c: {  	_ =	shalt  }
0x7d: {  	_ =	shalt  }
0x7e: {  	_ =	shalt  }
0x7f: {  	_ =	shalt  }
0x80: {  	_ =	shalt  }
0x81: {  	_ =	shalt  }
0x82: {  	_ =	shalt  }
0x83: {  	_ =	shalt  }
0x84: {  	_ =	shalt  }
0x85: {  	_ =	shalt  }
0x86: {  	_ =	shalt  }
0x87: {  	_ =	shalt  }
.Lfunc_end0:
.L_simem_size_0:
called_computation_lowered:
.L_overlay_start_0:
0x88: {  	s2 =	sld [smem:$0x3FD9]  }
0x89: {  	s3 =	sld [smem:$0x3FFE];
	_ =	sdelay $0x1  }
0x8a: {  	s1 =	srdreg.scid  }
0x8b: {  	s0 =	sand.u32 $0x1, s1  }
0x8c: {  	s17 =	sshll.u32 s0, $0xA;
	s2 =	sadd.s32 s3, s2  }
0x8d: {  	s2 =	sadd.s32 s2, s17  }
0x8e: {  	[smem:$0x3FC4] =	sst s2  }
0x8f: {  	_ = 	snop  }
0x90: {  	s2 =	sld [smem:$0x3FD0];
	(tm) =	ssettm $0x1  }
0x91: {  	s18 =	sld [smem:$0x3FFB];
	_ =	sdelay $0x3  }
0x92: {  	_ =	strace s18  }
0x93: {  	s3 =	sld [smem:$0x3FFC];
	_ =	sdelay $0x3  }
0x94: {  	_ =	strace s3  }
0x95: {  	s3 =	sld [smem:$0x3FFD];
	_ =	sdelay $0x3  }
0x96: {  	_ =	strace s3  }
0x97: {  	_ =	strace $0x8FFFFFFF  }
0x98: {  	s19 =	sld [smem:$0x3FDB];
	_ =	sdelay $0x1  }
0x99: {  	s4 =	simm.s32 $_scs_section_size  }
0x9a: {  	s5 =	simm.s32 $_size__tile_overlayer_lowered;
	s6 =	simm.s32 $_tile_overlayer_lowered  }
0x9b: {  	s22 =	simm.s32 $0x1BFF;
	s21 =	sshll.u32 s6, $0x1;
	s3 =	sadd.s32 s4, s19  }
0x9c: {  	s7 =	simm.s32 $0x0;
	s20 =	sshll.u32 s5, $0x1;
	s5 =	sadd.s32 s21, s3  }
0x9d: {  	[timem:s7], [sflag:s22] =	dma.local [hbm:s5], s20  }
0x9e: {  	_ =	swait.ge [sflag:s22], s20  }
0x9f: {  	s4 =	ssub.s32 $0x0, s20;
	[sflag:s22] =	ssyncset.done $0x0  }
0xa0: {  	[sflag:s22] =	ssyncadd.s32 s4;
	_ =	sdelay $0x1  }
0xa1: {  	s23 =	simm.s32 $0x1B8B  }
0xa2: {  	_ =	swait.ge [sflag:s23], $0x1  }
0xa3: {  	[sflag:s23] =	ssyncset.done $0x0  }
0xa4: {  	s25 =	simm.s32 $0x1B8E;
	s24 =	sld [smem:$0x3FFE];
	[sflag:s23] =	ssyncadd.s32 $0xFFFFFFFF  }
0xa5: {  	s26 =	simm.s32 $execute0_lowered;
	[smem:$0x3FD2] =	sst s25  }
0xa6: {  	s5 =	sshll.u32 s26, $0x1;
	_ =	strace $0x80000046;
	[dreg:$0x1] =	wrdreg $0xFFFFFFFF  }
0xa7: {  	s28 =	simm.s32 $_size_execute0_lowered;
	s3 =	sadd.s32 s3, s5;
	[dreg:$0x0] =	wrdreg $0x0  }
0xa8: {  	s5 =	sshll.u32 s28, $0x1;
	[dreg:$0x2] =	wrdreg s3  }
0xa9: {  	[dreg:$0x3] =	wrdreg s5  }
0xaa: {  	[dreg:$0x4] =	wrdreg $0xC0  }
0xab: {  	_ =	task [dreg:s7], $0x5FFFF  }
0xac: {  	[dreg:$0x1] =	wrdreg $0xFFFFFFFF  }
0xad: {  	[dreg:$0x0] =	wrdreg $0x60  }
0xae: {  	[dreg:$0x2] =	wrdreg s24  }
0xaf: {  	[dreg:$0x3] =	wrdreg s2  }
0xb0: {  	[dreg:$0x4] =	wrdreg $0x9  }
0xb1: {  	_ =	task.clear_ibuf [dreg:s7], $0x5FFFF;
	_ =	strace $0x90000046  }
0xb2: {  	s29 =	simm.s32 $0x9;
	_ =	strace $0x80000048  }
0xb3: {  	_ =	swait.ge [sflag:s29], $0x1  }
0xb4: {  	[sflag:s29] =	ssyncadd.s32 $0xFFFFFFFF  }
0xb5: {  	_ =	strace $0x90000048  }
0xb6: {  	_ =	sfence  }
0xb7: {  	s30 =	sld [smem:$0x0];
	_ =	sdelay $0x2  }
0xb8: {  	s31 =	sshll.u32 s1, $0xD;
	s1 =	sshrl.u32 s1, $0x2  }
0xb9: {  	s3 =	sand.u32 $0x4000, s31;
	s1 =	sadd.s32 s1, s30  }
0xba: {  	s0 =	sor.u32 s3, s0;
	s1 =	sshll.u32 s1, $0x11  }
0xbb: {  	s0 =	sor.u32 s1, s0  }
0xbc: {  	s0 =	sadd.s32 $0x8F2B, s0  }
0xbd: {  	[sflag:s0] =	ssyncadd.remote.s32 $0x1  }
0xbe: {  	_ =	sfence.sel $0xFFFF  }
0xbf: {  	[dreg:$0x0] =	wrdreg $0xFFFFFFFF;
	(pc) =	sbr.abs _section_cstart, $3  }
0xc0: {  	[dreg:$0x1] =	wrdreg $0xFFFFFFFF  }
0xc1: {  	_ =	task.clear_ibuf [dreg:s7], $0x2FFFF;
	_ =	strace $0x9FFFFFFF  }
0xc2: {  	(tm) =	ssettm $0x7FFFFFFF  }
0xc3: {  	_ =	shalt  }
tec
execute0_lowered:
.L_overlay_start_1:
0x0: {  	(tag) =	ssettag $0x1  }
0x1: {  	s0 =	srdreg.scid;
	s12 =	stileid.u32  }
0x2: {  	s1 =	sand.u32 $0x1, s0;
	s14 =	sshll.u32 s12, $0x1  }
0x3: {  	s0 =	sor.u32 s1, s14  }
0x4: {  	s3 =	rddreg [dreg:$0x0];
	s5 =	smul.u32 $0x380, s0  }
0x5: {  	s4 =	rddreg [dreg:$0x1];
	s2 =	simm.s32 $0x0;
	s6 =	smul.u32 $0xC8000, s0  }
0x6: {  	[smem:$0x7FF] =	sst s2;
	s0 =	smul.u32 $0x19000, s0  }
0x7: {  	s7 =	sadd.s32 $0xC00, s3;
	_ =	strace $0x80000047;
	s4 =	sadd.s32 s4, s5  }
0x8: {  	s15 =	sshrl.u32 s6, $0x3;
	s0 =	sadd.s32 s7, s0;
	[dreg:$0x3] =	wrdreg s4  }
0x9: {  	s4 =	sadd.s32 s7, s15;
	[dreg:$0x4] =	wrdreg s0  }
0xa: {  	s16 =	sadd.s32 $0x1000, s4;
	s0 =	rddreg [dreg:$0x3]  }
0xb: {  	s17 =	sadd.s32 $0x2000, s4;
	[dreg:$0x5] =	wrdreg s16  }
0xc: {  	s18 =	sadd.s32 $0x3000, s4;
	[dreg:$0x6] =	wrdreg s17  }
0xd: {  	s19 =	sadd.s32 $0x4000, s4;
	[dreg:$0x7] =	wrdreg s18  }
0xe: {  	s20 =	sadd.s32 $0x5000, s4;
	[dreg:$0x8] =	wrdreg s19  }
0xf: {  	s21 =	sadd.s32 $0x6000, s4;
	[dreg:$0x9] =	wrdreg s20  }
0x10: {  	s22 =	sadd.s32 $0x7000, s4;
	[dreg:$0xa] =	wrdreg s21  }
0x11: {  	s23 =	sadd.s32 $0x8000, s4;
	[dreg:$0xb] =	wrdreg s22  }
0x12: {  	s24 =	sadd.s32 $0x9000, s4;
	[dreg:$0xc] =	wrdreg s23  }
0x13: {  	s25 =	sadd.s32 $0xA000, s4;
	[dreg:$0xd] =	wrdreg s24  }
0x14: {  	s26 =	sadd.s32 $0xB000, s4;
	[dreg:$0xe] =	wrdreg s25  }
0x15: {  	s5 =	sadd.s32 $0xC000, s4;
	[dreg:$0xf] =	wrdreg s26  }
0x16: {  	s6 =	sadd.s32 $0xD000, s4;
	[dreg:$0x10] =	wrdreg s5  }
0x17: {  	s7 =	sadd.s32 $0xE000, s4;
	[dreg:$0x11] =	wrdreg s6  }
0x18: {  	s8 =	sadd.s32 $0xF000, s4;
	[dreg:$0x12] =	wrdreg s7  }
0x19: {  	s9 =	sadd.s32 $0x10000, s4;
	[dreg:$0x13] =	wrdreg s8  }
0x1a: {  	s10 =	sadd.s32 $0x11000, s4;
	[dreg:$0x14] =	wrdreg s9  }
0x1b: {  	s11 =	sadd.s32 $0x12000, s4;
	[dreg:$0x15] =	wrdreg s10  }
0x1c: {  	s13 =	sadd.s32 $0x13000, s4;
	[dreg:$0x16] =	wrdreg s11  }
0x1d: {  	s14 =	sadd.s32 $0x14000, s4;
	[dreg:$0x17] =	wrdreg s13  }
0x1e: {  	s15 =	sadd.s32 $0x15000, s4;
	[dreg:$0x18] =	wrdreg s14  }
0x1f: {  	[dreg:$0x19] =	wrdreg s15;
	s16 =	sadd.s32 $0x16000, s4  }
0x20: {  	s17 =	sadd.s32 $0x17000, s4;
	[dreg:$0x1a] =	wrdreg s16  }
0x21: {  	s18 =	sadd.s32 $0x18000, s4;
	[dreg:$0x1b] =	wrdreg s17  }
0x22: {  	s19 =	simm.s32 $0x100;
	[dreg:$0x1c] =	wrdreg s18  }
0x23: {  	s20 =	simm.s32 $0x180;
	[dreg:$0x1d] =	wrdreg s19  }
0x24: {  	s21 =	simm.s32 $0x200;
	[dreg:$0x1e] =	wrdreg s20  }
0x25: {  	s22 =	simm.s32 $0x280;
	[dreg:$0x1f] =	wrdreg s21  }
0x26: {  	s23 =	simm.s32 $0x300;
	[smem:$0x7E4] =	sst s22  }
0x27: {  	s24 =	simm.s32 $0x380;
	[smem:$0x7E5] =	sst s23  }
0x28: {  	s25 =	simm.s32 $0x400;
	[smem:$0x7E6] =	sst s24  }
0x29: {  	s26 =	simm.s32 $0x480;
	[smem:$0x7E7] =	sst s25  }
0x2a: {  	s4 =	simm.s32 $0x500;
	[smem:$0x7E8] =	sst s26  }
0x2b: {  	s5 =	simm.s32 $0x580;
	[smem:$0x7E9] =	sst s4  }
0x2c: {  	s6 =	simm.s32 $0x600;
	[smem:$0x7EA] =	sst s5  }
0x2d: {  	s30 =	simm.s32 $0x1000;
	s7 =	simm.s32 $0x680;
	[smem:$0x7EB] =	sst s6  }
0x2e: {  	s31 =	simm.s32 $0x1080;
	s8 =	simm.s32 $0x700;
	[smem:$0x7EC] =	sst s7  }
0x2f: {  	s28 =	simm.s32 $0x1100;
	s9 =	simm.s32 $0x780;
	[smem:$0x7ED] =	sst s8  }
0x30: {  	s29 =	simm.s32 $0x1180;
	s10 =	simm.s32 $0x800;
	[smem:$0x7EE] =	sst s9  }
0x31: {  	p0 =	por $0x0, $0x0;
	s11 =	simm.s32 $0x880;
	[smem:$0x7EF] =	sst s10  }
0x32: {  	s1 =	ssub.s32 $0x2, s1;
	s13 =	simm.s32 $0x900;
	[smem:$0x7F0] =	sst s11  }
0x33: {  	s14 =	simm.s32 $0x980;
	s15 =	sshrl.u32 s1, $0x1;
	[smem:$0x7F1] =	sst s13  }
0x34: {  	s4 =	sadd.s32 $0xF43000, s3;
	[smem:$0x7F2] =	sst s14;
	s16 =	simm.s32 $0xA00  }
0x35: {  	s1 =	ssub.s32 s1, s15;
	s17 =	simm.s32 $0xA80;
	s18 =	simm.s32 $0xB00  }
0x36: {  	s3 =	simm.s32 $0x3;
	s19 =	simm.s32 $0xB80;
	[smem:$0x7F3] =	sst s16  }
0x37: {  	s7 =	simm.s32 $0x80;
	s20 =	simm.s32 $0xC00;
	[smem:$0x7F4] =	sst s17  }
0x38: {  	s5 =	simm.s32 $0x1C00;
	s21 =	simm.s32 $0xC80;
	[smem:$0x7F5] =	sst s18  }
0x39: {  	s9 =	simm.s32 $0x5C00;
	s22 =	simm.s32 $0xD00;
	[smem:$0x7F6] =	sst s19  }
0x3a: {  	s8 =	simm.s32 $0x9C00;
	s23 =	simm.s32 $0xD80;
	[smem:$0x7F7] =	sst s20  }
0x3b: {  	s11 =	simm.s32 $0xDC00;
	s24 =	simm.s32 $0xE00;
	[smem:$0x7F8] =	sst s21  }
0x3c: {  	s6 =	simm.s32 $0x1;
	s25 =	simm.s32 $0xE80;
	[smem:$0x7F9] =	sst s22  }
0x3d: {  	s10 =	simm.s32 $0x2;
	s26 =	simm.s32 $0xF00;
	[smem:$0x7FA] =	sst s23  }
0x3e: {  	s15 =	simm.s32 $0x1700;
	s1 =	smax.u32 s1, $0x1;
	[smem:$0x7FB] =	sst s24  }
0x3f: {  	s13 =	simm.s32 $0x1800;
	[smem:$0x7FC] =	sst s25;
	p1 =	sne.s32 s1, $0x1  }
.Ltmp0:
0x40: {  	s14 =	simm.s32 $0x1880;
	[smem:$0x7FD] =	sst s26;
	(pc) =	sbr.rel @!p1 .LBB2_1-.Ltmp0, $4  }
0x41: {  	s19 =	simm.s32 $0xF80;
	s25 =	simm.s32 $0x1200;
	s26 =	simm.s32 $0x1280  }
0x42: {  	s23 =	simm.s32 $0x1300;
	s24 =	simm.s32 $0x1380;
	s21 =	simm.s32 $0x1400  }
0x43: {  	s22 =	simm.s32 $0x1480;
	s20 =	simm.s32 $0x1580;
	s17 =	simm.s32 $0x1600  }
0x44: {  	s18 =	simm.s32 $0x1680;
	s16 =	simm.s32 $0x1780;
	s1 =	sadd.s32 $0xFFFFFFFF, s1  }
0x45: {  	[tilespmem:s2], [sflag:$0x3] =	stream.linear.gather [hbm4b:s0+s2], $0x1900, $0x38;
	[tilespmem:$0x11C00] =	vst v63  }
0x46: {  	_ =	swait.ge [sflag:s3], $0x1900  }
0x47: {  	[sflag:s3] =	ssyncset.done $0x0  }
0x48: {  	[sflag:s3] =	ssyncadd.s32 $0xFFFFE700  }
0x49: {  	[tilespmem:s5], [sflag:$0x1] =	stream.indirect.gather [hbm4b:s4+s7], $0x80, s2, s7, $0xb8;
	[tilespmem:$0x11C00] =	vst v63  }
0x4a: {  	_ = 	snop  }
0x4b: {  	[tilespmem:s9], [sflag:$0x1] =	stream.indirect.gather [hbm4b:s4+s7], $0x80, s7, s7, $0xb8;
	[tilespmem:$0x11C00] =	vst v63  }
0x4c: {  	s0 =	rddreg [dreg:$0x1d]  }
0x4d: {  	[tilespmem:s8], [sflag:$0x2] =	stream.indirect.gather [hbm4b:s4+s7], $0x80, s0, s7, $0xb8;
	[tilespmem:$0x11C00] =	vst v63  }
0x4e: {  	s12 =	smov.u32 s1;
	s1 =	rddreg [dreg:$0x1e]  }
0x4f: {  	[tilespmem:s11], [sflag:$0x2] =	stream.indirect.gather [hbm4b:s4+s7], $0x80, s1, s7, $0xb8;
	[tilespmem:$0x11C00] =	vst v63  }
0x50: {  	_ =	swait.ge [sflag:s6], $0x4000  }
0x51: {  	[sflag:s6] =	ssyncset.done $0x0  }
0x52: {  	[sflag:s6] =	ssyncadd.s32 $0xFFFFC000  }
0x53: {  	_ =	swait.ge [sflag:s6], $0x4000  }
0x54: {  	[sflag:s6] =	ssyncset.done $0x0  }
0x55: {  	s1 =	rddreg [dreg:$0x4];
	[sflag:s6] =	ssyncadd.s32 $0xFFFFC000  }
0x56: {  	[hbm4b:s1+s2] =	stream.linear.scatter [tilespmem:s5], [sflag:$0x3], $0x8000, $0x38;
	[tilespmem:$0x11C00] =	vst v63  }
0x57: {  	_ =	swait.ge [sflag:s3], $0x8000  }
0x58: {  	s0 =	rddreg [dreg:$0x1f];
	[sflag:s3] =	ssyncset.done $0x0  }
0x59: {  	s1 =	sld [smem:$0x7E4];
	[sflag:s3] =	ssyncadd.s32 $0xFFFF8000  }
0x5a: {  	[tilespmem:s5], [sflag:$0x1] =	stream.indirect.gather [hbm4b:s4+s7], $0x80, s0, s7, $0xb8;
	[tilespmem:$0x11C00] =	vst v63  }
0x5b: {  	_ = 	snop  }
0x5c: {  	[tilespmem:s9], [sflag:$0x1] =	stream.indirect.gather [hbm4b:s4+s7], $0x80, s1, s7, $0xb8;
	[tilespmem:$0x11C00] =	vst v63  }
0x5d: {  	_ =	swait.ge [sflag:s10], $0x4000  }
0x5e: {  	[sflag:s10] =	ssyncset.done $0x0  }
0x5f: {  	[sflag:s10] =	ssyncadd.s32 $0xFFFFC000  }
0x60: {  	_ =	swait.ge [sflag:s10], $0x4000  }
0x61: {  	[sflag:s10] =	ssyncset.done $0x0  }
0x62: {  	s1 =	rddreg [dreg:$0x5];
	[sflag:s10] =	ssyncadd.s32 $0xFFFFC000  }
0x63: {  	[hbm4b:s1+s2] =	stream.linear.scatter [tilespmem:s8], [sflag:$0x3], $0x8000, $0x38;
	[tilespmem:$0x11C00] =	vst v63  }
0x64: {  	_ =	swait.ge [sflag:s3], $0x8000  }
0x65: {  	s0 =	sld [smem:$0x7E5]  }
0x66: {  	[sflag:s3] =	ssyncset.done $0x0  }
0x67: {  	s1 =	sld [smem:$0x7E6];
	[sflag:s3] =	ssyncadd.s32 $0xFFFF8000  }
0x68: {  	[tilespmem:s8], [sflag:$0x2] =	stream.indirect.gather [hbm4b:s4+s7], $0x80, s0, s7, $0xb8;
	[tilespmem:$0x11C00] =	vst v63  }
0x69: {  	_ = 	snop  }
0x6a: {  	[tilespmem:s11], [sflag:$0x2] =	stream.indirect.gather [hbm4b:s4+s7], $0x80, s1, s7, $0xb8;
	[tilespmem:$0x11C00] =	vst v63  }
0x6b: {  	_ =	swait.ge [sflag:s6], $0x4000  }
0x6c: {  	[sflag:s6] =	ssyncset.done $0x0  }
0x6d: {  	[sflag:s6] =	ssyncadd.s32 $0xFFFFC000  }
0x6e: {  	_ =	swait.ge [sflag:s6], $0x4000  }
0x6f: {  	[sflag:s6] =	ssyncset.done $0x0  }
0x70: {  	s1 =	rddreg [dreg:$0x6];
	[sflag:s6] =	ssyncadd.s32 $0xFFFFC000  }
0x71: {  	[hbm4b:s1+s2] =	stream.linear.scatter [tilespmem:s5], [sflag:$0x3], $0x8000, $0x38;
	[tilespmem:$0x11C00] =	vst v63  }
0x72: {  	_ =	swait.ge [sflag:s3], $0x8000  }
0x73: {  	s0 =	sld [smem:$0x7E7]  }
0x74: {  	[sflag:s3] =	ssyncset.done $0x0  }
0x75: {  	s1 =	sld [smem:$0x7E8];
	[sflag:s3] =	ssyncadd.s32 $0xFFFF8000  }
0x76: {  	[tilespmem:s5], [sflag:$0x1] =	stream.indirect.gather [hbm4b:s4+s7], $0x80, s0, s7, $0xb8;
	[tilespmem:$0x11C00] =	vst v63  }
0x77: {  	_ = 	snop  }
0x78: {  	[tilespmem:s9], [sflag:$0x1] =	stream.indirect.gather [hbm4b:s4+s7], $0x80, s1, s7, $0xb8;
	[tilespmem:$0x11C00] =	vst v63  }
0x79: {  	_ =	swait.ge [sflag:s10], $0x4000  }
0x7a: {  	[sflag:s10] =	ssyncset.done $0x0  }
0x7b: {  	[sflag:s10] =	ssyncadd.s32 $0xFFFFC000  }
0x7c: {  	_ =	swait.ge [sflag:s10], $0x4000  }
0x7d: {  	[sflag:s10] =	ssyncset.done $0x0  }
0x7e: {  	s1 =	rddreg [dreg:$0x7];
	[sflag:s10] =	ssyncadd.s32 $0xFFFFC000  }
0x7f: {  	[hbm4b:s1+s2] =	stream.linear.scatter [tilespmem:s8], [sflag:$0x3], $0x8000, $0x38;
	[tilespmem:$0x11C00] =	vst v63  }
0x80: {  	_ =	swait.ge [sflag:s3], $0x8000  }
0x81: {  	s0 =	sld [smem:$0x7E9]  }
0x82: {  	[sflag:s3] =	ssyncset.done $0x0  }
0x83: {  	s1 =	sld [smem:$0x7EA];
	[sflag:s3] =	ssyncadd.s32 $0xFFFF8000  }
0x84: {  	[tilespmem:s8], [sflag:$0x2] =	stream.indirect.gather [hbm4b:s4+s7], $0x80, s0, s7, $0xb8;
	[tilespmem:$0x11C00] =	vst v63  }
0x85: {  	_ = 	snop  }
0x86: {  	[tilespmem:s11], [sflag:$0x2] =	stream.indirect.gather [hbm4b:s4+s7], $0x80, s1, s7, $0xb8;
	[tilespmem:$0x11C00] =	vst v63  }
0x87: {  	_ =	swait.ge [sflag:s6], $0x4000  }
0x88: {  	[sflag:s6] =	ssyncset.done $0x0  }
0x89: {  	[sflag:s6] =	ssyncadd.s32 $0xFFFFC000  }
0x8a: {  	_ =	swait.ge [sflag:s6], $0x4000  }
0x8b: {  	[sflag:s6] =	ssyncset.done $0x0  }
0x8c: {  	s1 =	rddreg [dreg:$0x8];
	[sflag:s6] =	ssyncadd.s32 $0xFFFFC000  }
0x8d: {  	[hbm4b:s1+s2] =	stream.linear.scatter [tilespmem:s5], [sflag:$0x3], $0x8000, $0x38;
	[tilespmem:$0x11C00] =	vst v63  }
0x8e: {  	_ =	swait.ge [sflag:s3], $0x8000  }
0x8f: {  	s0 =	sld [smem:$0x7EB]  }
0x90: {  	[sflag:s3] =	ssyncset.done $0x0  }
0x91: {  	s1 =	sld [smem:$0x7EC];
	[sflag:s3] =	ssyncadd.s32 $0xFFFF8000  }
0x92: {  	[tilespmem:s5], [sflag:$0x1] =	stream.indirect.gather [hbm4b:s4+s7], $0x80, s0, s7, $0xb8;
	[tilespmem:$0x11C00] =	vst v63  }
0x93: {  	_ = 	snop  }
0x94: {  	[tilespmem:s9], [sflag:$0x1] =	stream.indirect.gather [hbm4b:s4+s7], $0x80, s1, s7, $0xb8;
	[tilespmem:$0x11C00] =	vst v63  }
0x95: {  	_ =	swait.ge [sflag:s10], $0x4000  }
0x96: {  	[sflag:s10] =	ssyncset.done $0x0  }
0x97: {  	[sflag:s10] =	ssyncadd.s32 $0xFFFFC000  }
0x98: {  	_ =	swait.ge [sflag:s10], $0x4000  }
0x99: {  	[sflag:s10] =	ssyncset.done $0x0  }
0x9a: {  	s1 =	rddreg [dreg:$0x9];
	[sflag:s10] =	ssyncadd.s32 $0xFFFFC000  }
0x9b: {  	[hbm4b:s1+s2] =	stream.linear.scatter [tilespmem:s8], [sflag:$0x3], $0x8000, $0x38;
	[tilespmem:$0x11C00] =	vst v63  }
0x9c: {  	_ =	swait.ge [sflag:s3], $0x8000  }
0x9d: {  	s0 =	sld [smem:$0x7ED]  }
0x9e: {  	[sflag:s3] =	ssyncset.done $0x0  }
0x9f: {  	s1 =	sld [smem:$0x7EE];
	[sflag:s3] =	ssyncadd.s32 $0xFFFF8000  }
0xa0: {  	[tilespmem:s8], [sflag:$0x2] =	stream.indirect.gather [hbm4b:s4+s7], $0x80, s0, s7, $0xb8;
	[tilespmem:$0x11C00] =	vst v63  }
0xa1: {  	_ = 	snop  }
0xa2: {  	[tilespmem:s11], [sflag:$0x2] =	stream.indirect.gather [hbm4b:s4+s7], $0x80, s1, s7, $0xb8;
	[tilespmem:$0x11C00] =	vst v63  }
0xa3: {  	_ =	swait.ge [sflag:s6], $0x4000  }
0xa4: {  	[sflag:s6] =	ssyncset.done $0x0  }
0xa5: {  	[sflag:s6] =	ssyncadd.s32 $0xFFFFC000  }
0xa6: {  	_ =	swait.ge [sflag:s6], $0x4000  }
0xa7: {  	[sflag:s6] =	ssyncset.done $0x0  }
0xa8: {  	s1 =	rddreg [dreg:$0xa];
	[sflag:s6] =	ssyncadd.s32 $0xFFFFC000  }
0xa9: {  	[hbm4b:s1+s2] =	stream.linear.scatter [tilespmem:s5], [sflag:$0x3], $0x8000, $0x38;
	[tilespmem:$0x11C00] =	vst v63  }
0xaa: {  	_ =	swait.ge [sflag:s3], $0x8000  }
0xab: {  	s0 =	sld [smem:$0x7EF]  }
0xac: {  	[sflag:s3] =	ssyncset.done $0x0  }
0xad: {  	s1 =	sld [smem:$0x7F0];
	[sflag:s3] =	ssyncadd.s32 $0xFFFF8000  }
0xae: {  	[tilespmem:s5], [sflag:$0x1] =	stream.indirect.gather [hbm4b:s4+s7], $0x80, s0, s7, $0xb8;
	[tilespmem:$0x11C00] =	vst v63  }
0xaf: {  	_ = 	snop  }
0xb0: {  	[tilespmem:s9], [sflag:$0x1] =	stream.indirect.gather [hbm4b:s4+s7], $0x80, s1, s7, $0xb8;
	[tilespmem:$0x11C00] =	vst v63  }
0xb1: {  	_ =	swait.ge [sflag:s10], $0x4000  }
0xb2: {  	[sflag:s10] =	ssyncset.done $0x0  }
0xb3: {  	[sflag:s10] =	ssyncadd.s32 $0xFFFFC000  }
0xb4: {  	_ =	swait.ge [sflag:s10], $0x4000  }
0xb5: {  	[sflag:s10] =	ssyncset.done $0x0  }
0xb6: {  	s1 =	rddreg [dreg:$0xb];
	[sflag:s10] =	ssyncadd.s32 $0xFFFFC000  }
0xb7: {  	[hbm4b:s1+s2] =	stream.linear.scatter [tilespmem:s8], [sflag:$0x3], $0x8000, $0x38;
	[tilespmem:$0x11C00] =	vst v63  }
0xb8: {  	_ =	swait.ge [sflag:s3], $0x8000  }
0xb9: {  	s0 =	sld [smem:$0x7F1]  }
0xba: {  	[sflag:s3] =	ssyncset.done $0x0  }
0xbb: {  	s1 =	sld [smem:$0x7F2];
	[sflag:s3] =	ssyncadd.s32 $0xFFFF8000  }
0xbc: {  	[tilespmem:s8], [sflag:$0x2] =	stream.indirect.gather [hbm4b:s4+s7], $0x80, s0, s7, $0xb8;
	[tilespmem:$0x11C00] =	vst v63  }
0xbd: {  	_ = 	snop  }
0xbe: {  	[tilespmem:s11], [sflag:$0x2] =	stream.indirect.gather [hbm4b:s4+s7], $0x80, s1, s7, $0xb8;
	[tilespmem:$0x11C00] =	vst v63  }
0xbf: {  	_ =	swait.ge [sflag:s6], $0x4000  }
0xc0: {  	[sflag:s6] =	ssyncset.done $0x0  }
0xc1: {  	[sflag:s6] =	ssyncadd.s32 $0xFFFFC000  }
0xc2: {  	_ =	swait.ge [sflag:s6], $0x4000  }
0xc3: {  	[sflag:s6] =	ssyncset.done $0x0  }
0xc4: {  	s1 =	rddreg [dreg:$0xc];
	[sflag:s6] =	ssyncadd.s32 $0xFFFFC000  }
0xc5: {  	[hbm4b:s1+s2] =	stream.linear.scatter [tilespmem:s5], [sflag:$0x3], $0x8000, $0x38;
	[tilespmem:$0x11C00] =	vst v63  }
0xc6: {  	_ =	swait.ge [sflag:s3], $0x8000  }
0xc7: {  	s0 =	sld [smem:$0x7F3]  }
0xc8: {  	[sflag:s3] =	ssyncset.done $0x0  }
0xc9: {  	s1 =	sld [smem:$0x7F4];
	[sflag:s3] =	ssyncadd.s32 $0xFFFF8000  }
0xca: {  	[tilespmem:s5], [sflag:$0x1] =	stream.indirect.gather [hbm4b:s4+s7], $0x80, s0, s7, $0xb8;
	[tilespmem:$0x11C00] =	vst v63  }
0xcb: {  	_ = 	snop  }
0xcc: {  	[tilespmem:s9], [sflag:$0x1] =	stream.indirect.gather [hbm4b:s4+s7], $0x80, s1, s7, $0xb8;
	[tilespmem:$0x11C00] =	vst v63  }
0xcd: {  	_ =	swait.ge [sflag:s10], $0x4000  }
0xce: {  	[sflag:s10] =	ssyncset.done $0x0  }
0xcf: {  	[sflag:s10] =	ssyncadd.s32 $0xFFFFC000  }
0xd0: {  	_ =	swait.ge [sflag:s10], $0x4000  }
0xd1: {  	[sflag:s10] =	ssyncset.done $0x0  }
0xd2: {  	s1 =	rddreg [dreg:$0xd];
	[sflag:s10] =	ssyncadd.s32 $0xFFFFC000  }
0xd3: {  	[hbm4b:s1+s2] =	stream.linear.scatter [tilespmem:s8], [sflag:$0x3], $0x8000, $0x38;
	[tilespmem:$0x11C00] =	vst v63  }
0xd4: {  	_ =	swait.ge [sflag:s3], $0x8000  }
0xd5: {  	s0 =	sld [smem:$0x7F5]  }
0xd6: {  	[sflag:s3] =	ssyncset.done $0x0  }
0xd7: {  	s1 =	sld [smem:$0x7F6];
	[sflag:s3] =	ssyncadd.s32 $0xFFFF8000  }
0xd8: {  	[tilespmem:s8], [sflag:$0x2] =	stream.indirect.gather [hbm4b:s4+s7], $0x80, s0, s7, $0xb8;
	[tilespmem:$0x11C00] =	vst v63  }
0xd9: {  	_ = 	snop  }
0xda: {  	[tilespmem:s11], [sflag:$0x2] =	stream.indirect.gather [hbm4b:s4+s7], $0x80, s1, s7, $0xb8;
	[tilespmem:$0x11C00] =	vst v63  }
0xdb: {  	_ =	swait.ge [sflag:s6], $0x4000  }
0xdc: {  	[sflag:s6] =	ssyncset.done $0x0  }
0xdd: {  	[sflag:s6] =	ssyncadd.s32 $0xFFFFC000  }
0xde: {  	_ =	swait.ge [sflag:s6], $0x4000  }
0xdf: {  	[sflag:s6] =	ssyncset.done $0x0  }
0xe0: {  	s1 =	rddreg [dreg:$0xe];
	[sflag:s6] =	ssyncadd.s32 $0xFFFFC000  }
0xe1: {  	[hbm4b:s1+s2] =	stream.linear.scatter [tilespmem:s5], [sflag:$0x3], $0x8000, $0x38;
	[tilespmem:$0x11C00] =	vst v63  }
0xe2: {  	_ =	swait.ge [sflag:s3], $0x8000  }
0xe3: {  	s0 =	sld [smem:$0x7F7]  }
0xe4: {  	[sflag:s3] =	ssyncset.done $0x0  }
0xe5: {  	s1 =	sld [smem:$0x7F8];
	[sflag:s3] =	ssyncadd.s32 $0xFFFF8000  }
0xe6: {  	[tilespmem:s5], [sflag:$0x1] =	stream.indirect.gather [hbm4b:s4+s7], $0x80, s0, s7, $0xb8;
	[tilespmem:$0x11C00] =	vst v63  }
0xe7: {  	_ = 	snop  }
0xe8: {  	[tilespmem:s9], [sflag:$0x1] =	stream.indirect.gather [hbm4b:s4+s7], $0x80, s1, s7, $0xb8;
	[tilespmem:$0x11C00] =	vst v63  }
0xe9: {  	_ =	swait.ge [sflag:s10], $0x4000  }
0xea: {  	[sflag:s10] =	ssyncset.done $0x0  }
0xeb: {  	[sflag:s10] =	ssyncadd.s32 $0xFFFFC000  }
0xec: {  	_ =	swait.ge [sflag:s10], $0x4000  }
0xed: {  	[sflag:s10] =	ssyncset.done $0x0  }
0xee: {  	s1 =	rddreg [dreg:$0xf];
	[sflag:s10] =	ssyncadd.s32 $0xFFFFC000  }
0xef: {  	[hbm4b:s1+s2] =	stream.linear.scatter [tilespmem:s8], [sflag:$0x3], $0x8000, $0x38;
	[tilespmem:$0x11C00] =	vst v63  }
0xf0: {  	_ =	swait.ge [sflag:s3], $0x8000  }
0xf1: {  	s0 =	sld [smem:$0x7F9]  }
0xf2: {  	[sflag:s3] =	ssyncset.done $0x0  }
0xf3: {  	s1 =	sld [smem:$0x7FA];
	[sflag:s3] =	ssyncadd.s32 $0xFFFF8000  }
0xf4: {  	[tilespmem:s8], [sflag:$0x2] =	stream.indirect.gather [hbm4b:s4+s7], $0x80, s0, s7, $0xb8;
	[tilespmem:$0x11C00] =	vst v63  }
0xf5: {  	_ = 	snop  }
0xf6: {  	[tilespmem:s11], [sflag:$0x2] =	stream.indirect.gather [hbm4b:s4+s7], $0x80, s1, s7, $0xb8;
	[tilespmem:$0x11C00] =	vst v63  }
0xf7: {  	_ =	swait.ge [sflag:s6], $0x4000  }
0xf8: {  	[sflag:s6] =	ssyncset.done $0x0  }
0xf9: {  	[sflag:s6] =	ssyncadd.s32 $0xFFFFC000  }
0xfa: {  	_ =	swait.ge [sflag:s6], $0x4000  }
0xfb: {  	[sflag:s6] =	ssyncset.done $0x0  }
0xfc: {  	s1 =	rddreg [dreg:$0x10];
	[sflag:s6] =	ssyncadd.s32 $0xFFFFC000  }
0xfd: {  	[hbm4b:s1+s2] =	stream.linear.scatter [tilespmem:s5], [sflag:$0x3], $0x8000, $0x38;
	[tilespmem:$0x11C00] =	vst v63  }
0xfe: {  	_ =	swait.ge [sflag:s3], $0x8000  }
0xff: {  	s0 =	sld [smem:$0x7FB]  }
0x100: {  	[sflag:s3] =	ssyncset.done $0x0  }
0x101: {  	s1 =	sld [smem:$0x7FC];
	[sflag:s3] =	ssyncadd.s32 $0xFFFF8000  }
0x102: {  	[tilespmem:s5], [sflag:$0x1] =	stream.indirect.gather [hbm4b:s4+s7], $0x80, s0, s7, $0xb8;
	[tilespmem:$0x11C00] =	vst v63  }
0x103: {  	_ = 	snop  }
0x104: {  	[tilespmem:s9], [sflag:$0x1] =	stream.indirect.gather [hbm4b:s4+s7], $0x80, s1, s7, $0xb8;
	[tilespmem:$0x11C00] =	vst v63  }
0x105: {  	_ =	swait.ge [sflag:s10], $0x4000  }
0x106: {  	[sflag:s10] =	ssyncset.done $0x0  }
0x107: {  	[sflag:s10] =	ssyncadd.s32 $0xFFFFC000  }
0x108: {  	_ =	swait.ge [sflag:s10], $0x4000  }
0x109: {  	[sflag:s10] =	ssyncset.done $0x0  }
0x10a: {  	s1 =	rddreg [dreg:$0x11];
	[sflag:s10] =	ssyncadd.s32 $0xFFFFC000  }
0x10b: {  	[hbm4b:s1+s2] =	stream.linear.scatter [tilespmem:s8], [sflag:$0x3], $0x8000, $0x38;
	[tilespmem:$0x11C00] =	vst v63  }
0x10c: {  	_ =	swait.ge [sflag:s3], $0x8000  }
0x10d: {  	s1 =	sld [smem:$0x7FD]  }
0x10e: {  	[sflag:s3] =	ssyncset.done $0x0  }
0x10f: {  	[sflag:s3] =	ssyncadd.s32 $0xFFFF8000  }
0x110: {  	[tilespmem:s8], [sflag:$0x2] =	stream.indirect.gather [hbm4b:s4+s7], $0x80, s1, s7, $0xb8;
	[tilespmem:$0x11C00] =	vst v63  }
0x111: {  	_ = 	snop  }
0x112: {  	[tilespmem:s11], [sflag:$0x2] =	stream.indirect.gather [hbm4b:s4+s7], $0x80, s19, s7, $0xb8;
	[tilespmem:$0x11C00] =	vst v63  }
0x113: {  	_ =	swait.ge [sflag:s6], $0x4000  }
0x114: {  	[sflag:s6] =	ssyncset.done $0x0  }
0x115: {  	[sflag:s6] =	ssyncadd.s32 $0xFFFFC000  }
0x116: {  	_ =	swait.ge [sflag:s6], $0x4000  }
0x117: {  	[sflag:s6] =	ssyncset.done $0x0  }
0x118: {  	s1 =	rddreg [dreg:$0x12];
	[sflag:s6] =	ssyncadd.s32 $0xFFFFC000  }
0x119: {  	[hbm4b:s1+s2] =	stream.linear.scatter [tilespmem:s5], [sflag:$0x3], $0x8000, $0x38;
	[tilespmem:$0x11C00] =	vst v63  }
0x11a: {  	_ =	swait.ge [sflag:s3], $0x8000  }
0x11b: {  	[sflag:s3] =	ssyncset.done $0x0  }
0x11c: {  	[sflag:s3] =	ssyncadd.s32 $0xFFFF8000  }
0x11d: {  	[tilespmem:s5], [sflag:$0x1] =	stream.indirect.gather [hbm4b:s4+s7], $0x80, s30, s7, $0xb8;
	[tilespmem:$0x11C00] =	vst v63  }
0x11e: {  	_ = 	snop  }
0x11f: {  	[tilespmem:s9], [sflag:$0x1] =	stream.indirect.gather [hbm4b:s4+s7], $0x80, s31, s7, $0xb8;
	[tilespmem:$0x11C00] =	vst v63  }
0x120: {  	_ =	swait.ge [sflag:s10], $0x4000  }
0x121: {  	[sflag:s10] =	ssyncset.done $0x0  }
0x122: {  	[sflag:s10] =	ssyncadd.s32 $0xFFFFC000  }
0x123: {  	_ =	swait.ge [sflag:s10], $0x4000  }
0x124: {  	[sflag:s10] =	ssyncset.done $0x0  }
0x125: {  	s1 =	rddreg [dreg:$0x13];
	[sflag:s10] =	ssyncadd.s32 $0xFFFFC000  }
0x126: {  	[hbm4b:s1+s2] =	stream.linear.scatter [tilespmem:s8], [sflag:$0x3], $0x8000, $0x38;
	[tilespmem:$0x11C00] =	vst v63  }
0x127: {  	_ =	swait.ge [sflag:s3], $0x8000  }
0x128: {  	[sflag:s3] =	ssyncset.done $0x0  }
0x129: {  	[sflag:s3] =	ssyncadd.s32 $0xFFFF8000  }
0x12a: {  	[tilespmem:s8], [sflag:$0x2] =	stream.indirect.gather [hbm4b:s4+s7], $0x80, s28, s7, $0xb8;
	[tilespmem:$0x11C00] =	vst v63  }
0x12b: {  	_ = 	snop  }
0x12c: {  	[tilespmem:s11], [sflag:$0x2] =	stream.indirect.gather [hbm4b:s4+s7], $0x80, s29, s7, $0xb8;
	[tilespmem:$0x11C00] =	vst v63  }
0x12d: {  	_ =	swait.ge [sflag:s6], $0x4000  }
0x12e: {  	[sflag:s6] =	ssyncset.done $0x0  }
0x12f: {  	[sflag:s6] =	ssyncadd.s32 $0xFFFFC000  }
0x130: {  	_ =	swait.ge [sflag:s6], $0x4000  }
0x131: {  	[sflag:s6] =	ssyncset.done $0x0  }
0x132: {  	s1 =	rddreg [dreg:$0x14];
	[sflag:s6] =	ssyncadd.s32 $0xFFFFC000  }
0x133: {  	[hbm4b:s1+s2] =	stream.linear.scatter [tilespmem:s5], [sflag:$0x3], $0x8000, $0x38;
	[tilespmem:$0x11C00] =	vst v63  }
0x134: {  	_ =	swait.ge [sflag:s3], $0x8000  }
0x135: {  	[sflag:s3] =	ssyncset.done $0x0  }
0x136: {  	[sflag:s3] =	ssyncadd.s32 $0xFFFF8000  }
0x137: {  	[tilespmem:s5], [sflag:$0x1] =	stream.indirect.gather [hbm4b:s4+s7], $0x80, s25, s7, $0xb8;
	[tilespmem:$0x11C00] =	vst v63  }
0x138: {  	_ = 	snop  }
0x139: {  	[tilespmem:s9], [sflag:$0x1] =	stream.indirect.gather [hbm4b:s4+s7], $0x80, s26, s7, $0xb8;
	[tilespmem:$0x11C00] =	vst v63  }
0x13a: {  	_ =	swait.ge [sflag:s10], $0x4000  }
0x13b: {  	[sflag:s10] =	ssyncset.done $0x0  }
0x13c: {  	[sflag:s10] =	ssyncadd.s32 $0xFFFFC000  }
0x13d: {  	_ =	swait.ge [sflag:s10], $0x4000  }
0x13e: {  	[sflag:s10] =	ssyncset.done $0x0  }
0x13f: {  	s1 =	rddreg [dreg:$0x15];
	[sflag:s10] =	ssyncadd.s32 $0xFFFFC000  }
0x140: {  	[hbm4b:s1+s2] =	stream.linear.scatter [tilespmem:s8], [sflag:$0x3], $0x8000, $0x38;
	[tilespmem:$0x11C00] =	vst v63  }
0x141: {  	_ =	swait.ge [sflag:s3], $0x8000  }
0x142: {  	[sflag:s3] =	ssyncset.done $0x0  }
0x143: {  	[sflag:s3] =	ssyncadd.s32 $0xFFFF8000  }
0x144: {  	[tilespmem:s8], [sflag:$0x2] =	stream.indirect.gather [hbm4b:s4+s7], $0x80, s23, s7, $0xb8;
	[tilespmem:$0x11C00] =	vst v63  }
0x145: {  	_ = 	snop  }
0x146: {  	[tilespmem:s11], [sflag:$0x2] =	stream.indirect.gather [hbm4b:s4+s7], $0x80, s24, s7, $0xb8;
	[tilespmem:$0x11C00] =	vst v63  }
0x147: {  	_ =	swait.ge [sflag:s6], $0x4000  }
0x148: {  	[sflag:s6] =	ssyncset.done $0x0  }
0x149: {  	[sflag:s6] =	ssyncadd.s32 $0xFFFFC000  }
0x14a: {  	_ =	swait.ge [sflag:s6], $0x4000  }
0x14b: {  	[sflag:s6] =	ssyncset.done $0x0  }
0x14c: {  	s1 =	rddreg [dreg:$0x16];
	[sflag:s6] =	ssyncadd.s32 $0xFFFFC000  }
0x14d: {  	[hbm4b:s1+s2] =	stream.linear.scatter [tilespmem:s5], [sflag:$0x3], $0x8000, $0x38;
	[tilespmem:$0x11C00] =	vst v63  }
0x14e: {  	_ =	swait.ge [sflag:s3], $0x8000  }
0x14f: {  	[sflag:s3] =	ssyncset.done $0x0  }
0x150: {  	[sflag:s3] =	ssyncadd.s32 $0xFFFF8000  }
0x151: {  	[tilespmem:s5], [sflag:$0x1] =	stream.indirect.gather [hbm4b:s4+s7], $0x80, s21, s7, $0xb8;
	[tilespmem:$0x11C00] =	vst v63  }
0x152: {  	_ = 	snop  }
0x153: {  	[tilespmem:s9], [sflag:$0x1] =	stream.indirect.gather [hbm4b:s4+s7], $0x80, s22, s7, $0xb8;
	[tilespmem:$0x11C00] =	vst v63  }
0x154: {  	_ =	swait.ge [sflag:s10], $0x4000  }
0x155: {  	[sflag:s10] =	ssyncset.done $0x0  }
0x156: {  	[sflag:s10] =	ssyncadd.s32 $0xFFFFC000  }
0x157: {  	_ =	swait.ge [sflag:s10], $0x4000  }
0x158: {  	[sflag:s10] =	ssyncset.done $0x0  }
0x159: {  	s1 =	rddreg [dreg:$0x17];
	[sflag:s10] =	ssyncadd.s32 $0xFFFFC000  }
0x15a: {  	[hbm4b:s1+s2] =	stream.linear.scatter [tilespmem:s8], [sflag:$0x3], $0x8000, $0x38;
	[tilespmem:$0x11C00] =	vst v63  }
0x15b: {  	_ =	swait.ge [sflag:s3], $0x8000  }
0x15c: {  	[sflag:s3] =	ssyncset.done $0x0  }
0x15d: {  	s1 =	simm.s32 $0x1500;
	[sflag:s3] =	ssyncadd.s32 $0xFFFF8000  }
0x15e: {  	[tilespmem:s8], [sflag:$0x2] =	stream.indirect.gather [hbm4b:s4+s7], $0x80, s1, s7, $0xb8;
	[tilespmem:$0x11C00] =	vst v63  }
0x15f: {  	_ = 	snop  }
0x160: {  	[tilespmem:s11], [sflag:$0x2] =	stream.indirect.gather [hbm4b:s4+s7], $0x80, s20, s7, $0xb8;
	[tilespmem:$0x11C00] =	vst v63  }
0x161: {  	_ =	swait.ge [sflag:s6], $0x4000  }
0x162: {  	[sflag:s6] =	ssyncset.done $0x0  }
0x163: {  	[sflag:s6] =	ssyncadd.s32 $0xFFFFC000  }
0x164: {  	_ =	swait.ge [sflag:s6], $0x4000  }
0x165: {  	[sflag:s6] =	ssyncset.done $0x0  }
0x166: {  	s1 =	rddreg [dreg:$0x18];
	[sflag:s6] =	ssyncadd.s32 $0xFFFFC000  }
0x167: {  	[hbm4b:s1+s2] =	stream.linear.scatter [tilespmem:s5], [sflag:$0x3], $0x8000, $0x38;
	[tilespmem:$0x11C00] =	vst v63  }
0x168: {  	_ =	swait.ge [sflag:s3], $0x8000  }
0x169: {  	[sflag:s3] =	ssyncset.done $0x0  }
0x16a: {  	[sflag:s3] =	ssyncadd.s32 $0xFFFF8000  }
0x16b: {  	[tilespmem:s5], [sflag:$0x1] =	stream.indirect.gather [hbm4b:s4+s7], $0x80, s17, s7, $0xb8;
	[tilespmem:$0x11C00] =	vst v63  }
0x16c: {  	_ = 	snop  }
0x16d: {  	[tilespmem:s9], [sflag:$0x1] =	stream.indirect.gather [hbm4b:s4+s7], $0x80, s18, s7, $0xb8;
	[tilespmem:$0x11C00] =	vst v63  }
0x16e: {  	_ =	swait.ge [sflag:s10], $0x4000  }
0x16f: {  	[sflag:s10] =	ssyncset.done $0x0  }
0x170: {  	[sflag:s10] =	ssyncadd.s32 $0xFFFFC000  }
0x171: {  	_ =	swait.ge [sflag:s10], $0x4000  }
0x172: {  	[sflag:s10] =	ssyncset.done $0x0  }
0x173: {  	s1 =	rddreg [dreg:$0x19];
	[sflag:s10] =	ssyncadd.s32 $0xFFFFC000  }
0x174: {  	[hbm4b:s1+s2] =	stream.linear.scatter [tilespmem:s8], [sflag:$0x3], $0x8000, $0x38;
	[tilespmem:$0x11C00] =	vst v63  }
0x175: {  	_ =	swait.ge [sflag:s3], $0x8000  }
0x176: {  	[sflag:s3] =	ssyncset.done $0x0  }
0x177: {  	[sflag:s3] =	ssyncadd.s32 $0xFFFF8000  }
0x178: {  	[tilespmem:s8], [sflag:$0x2] =	stream.indirect.gather [hbm4b:s4+s7], $0x80, s15, s7, $0xb8;
	[tilespmem:$0x11C00] =	vst v63  }
0x179: {  	_ = 	snop  }
0x17a: {  	[tilespmem:s11], [sflag:$0x2] =	stream.indirect.gather [hbm4b:s4+s7], $0x80, s16, s7, $0xb8;
	[tilespmem:$0x11C00] =	vst v63  }
0x17b: {  	_ =	swait.ge [sflag:s6], $0x4000  }
0x17c: {  	[sflag:s6] =	ssyncset.done $0x0  }
0x17d: {  	[sflag:s6] =	ssyncadd.s32 $0xFFFFC000  }
0x17e: {  	_ =	swait.ge [sflag:s6], $0x4000  }
0x17f: {  	[sflag:s6] =	ssyncset.done $0x0  }
0x180: {  	s1 =	rddreg [dreg:$0x1a];
	[sflag:s6] =	ssyncadd.s32 $0xFFFFC000  }
0x181: {  	[hbm4b:s1+s2] =	stream.linear.scatter [tilespmem:s5], [sflag:$0x3], $0x8000, $0x38;
	[tilespmem:$0x11C00] =	vst v63  }
0x182: {  	_ =	swait.ge [sflag:s3], $0x8000  }
0x183: {  	[sflag:s3] =	ssyncset.done $0x0  }
0x184: {  	[sflag:s3] =	ssyncadd.s32 $0xFFFF8000  }
0x185: {  	[tilespmem:s5], [sflag:$0x1] =	stream.indirect.gather [hbm4b:s4+s7], $0x80, s13, s7, $0xb8;
	[tilespmem:$0x11C00] =	vst v63  }
0x186: {  	_ = 	snop  }
0x187: {  	[tilespmem:s9], [sflag:$0x1] =	stream.indirect.gather [hbm4b:s4+s7], $0x80, s14, s7, $0xb8;
	[tilespmem:$0x11C00] =	vst v63  }
0x188: {  	_ =	swait.ge [sflag:s10], $0x4000  }
0x189: {  	[sflag:s10] =	ssyncset.done $0x0  }
0x18a: {  	[sflag:s10] =	ssyncadd.s32 $0xFFFFC000  }
0x18b: {  	_ =	swait.ge [sflag:s10], $0x4000  }
0x18c: {  	[sflag:s10] =	ssyncset.done $0x0  }
0x18d: {  	s1 =	rddreg [dreg:$0x1b];
	[sflag:s10] =	ssyncadd.s32 $0xFFFFC000  }
0x18e: {  	[hbm4b:s1+s2] =	stream.linear.scatter [tilespmem:s8], [sflag:$0x3], $0x8000, $0x38;
	[tilespmem:$0x11C00] =	vst v63  }
0x18f: {  	_ =	swait.ge [sflag:s3], $0x8000  }
0x190: {  	[sflag:s3] =	ssyncset.done $0x0  }
0x191: {  	[sflag:s3] =	ssyncadd.s32 $0xFFFF8000  }
0x192: {  	_ =	swait.ge [sflag:s6], $0x4000  }
0x193: {  	[sflag:s6] =	ssyncset.done $0x0  }
0x194: {  	[sflag:s6] =	ssyncadd.s32 $0xFFFFC000  }
0x195: {  	p1 =	sne.s32 s12, $0x1;
	_ =	swait.ge [sflag:s6], $0x4000  }
.Ltmp1:
0x196: {  	[sflag:s6] =	ssyncset.done $0x0;
	(pc) =	sbr.rel @!p1 .LBB2_3-.Ltmp1, $4  }
0x197: {  	s1 =	rddreg [dreg:$0x1c];
	[sflag:s6] =	ssyncadd.s32 $0xFFFFC000  }
0x198: {  	[hbm4b:s1+s2] =	stream.linear.scatter [tilespmem:s5], [sflag:$0x3], $0x8000, $0x38;
	[tilespmem:$0x11C00] =	vst v63  }
0x199: {  	p0 =	por $0x1, $0x1;
	_ =	swait.ge [sflag:s3], $0x8000  }
0x19a: {  	s1 =	sadd.s32 $0xFFFFFFFF, s12;
	s0 =	rddreg [dreg:$0x3];
	[sflag:s3] =	ssyncset.done $0x0  }
.LBB2_4:
0x19b: {  	[sflag:s3] =	ssyncadd.s32 $0xFFFF8000  }
0x19c: {  	[tilespmem:s2], [sflag:$0x3] =	stream.linear.gather [hbm4b:s0+s2], $0x1900, $0x38;
	[tilespmem:$0x11C00] =	vst v63  }
0x19d: {  	_ =	swait.ge [sflag:s3], $0x1900  }
0x19e: {  	[sflag:s3] =	ssyncset.done $0x0  }
0x19f: {  	[sflag:s3] =	ssyncadd.s32 $0xFFFFE700  }
0x1a0: {  	[tilespmem:s5], [sflag:$0x1] =	stream.indirect.gather [hbm4b:s4+s7], $0x80, s2, s7, $0xb8;
	[tilespmem:$0x11C00] =	vst v63  }
0x1a1: {  	_ = 	snop  }
0x1a2: {  	[tilespmem:s9], [sflag:$0x1] =	stream.indirect.gather [hbm4b:s4+s7], $0x80, s7, s7, $0xb8;
	[tilespmem:$0x11C00] =	vst v63  }
0x1a3: {  	s0 =	rddreg [dreg:$0x1d]  }
0x1a4: {  	[tilespmem:s8], [sflag:$0x2] =	stream.indirect.gather [hbm4b:s4+s7], $0x80, s0, s7, $0xb8;
	[tilespmem:$0x11C00] =	vst v63  }
0x1a5: {  	s12 =	rddreg [dreg:$0x1e]  }
0x1a6: {  	[tilespmem:s11], [sflag:$0x2] =	stream.indirect.gather [hbm4b:s4+s7], $0x80, s12, s7, $0xb8;
	[tilespmem:$0x11C00] =	vst v63  }
0x1a7: {  	_ =	swait.ge [sflag:s6], $0x4000  }
0x1a8: {  	[sflag:s6] =	ssyncset.done $0x0  }
0x1a9: {  	[sflag:s6] =	ssyncadd.s32 $0xFFFFC000  }
0x1aa: {  	_ =	swait.ge [sflag:s6], $0x4000  }
0x1ab: {  	[sflag:s6] =	ssyncset.done $0x0  }
0x1ac: {  	s12 =	rddreg [dreg:$0x4];
	[sflag:s6] =	ssyncadd.s32 $0xFFFFC000  }
0x1ad: {  	[hbm4b:s12+s2] =	stream.linear.scatter [tilespmem:s5], [sflag:$0x3], $0x8000, $0x38;
	[tilespmem:$0x11C00] =	vst v63  }
0x1ae: {  	_ =	swait.ge [sflag:s3], $0x8000  }
0x1af: {  	s0 =	rddreg [dreg:$0x1f];
	[sflag:s3] =	ssyncset.done $0x0  }
0x1b0: {  	s12 =	sld [smem:$0x7E4];
	[sflag:s3] =	ssyncadd.s32 $0xFFFF8000  }
0x1b1: {  	[tilespmem:s5], [sflag:$0x1] =	stream.indirect.gather [hbm4b:s4+s7], $0x80, s0, s7, $0xb8;
	[tilespmem:$0x11C00] =	vst v63  }
0x1b2: {  	_ = 	snop  }
0x1b3: {  	[tilespmem:s9], [sflag:$0x1] =	stream.indirect.gather [hbm4b:s4+s7], $0x80, s12, s7, $0xb8;
	[tilespmem:$0x11C00] =	vst v63  }
0x1b4: {  	_ =	swait.ge [sflag:s10], $0x4000  }
0x1b5: {  	[sflag:s10] =	ssyncset.done $0x0  }
0x1b6: {  	[sflag:s10] =	ssyncadd.s32 $0xFFFFC000  }
0x1b7: {  	_ =	swait.ge [sflag:s10], $0x4000  }
0x1b8: {  	[sflag:s10] =	ssyncset.done $0x0  }
0x1b9: {  	s12 =	rddreg [dreg:$0x5];
	[sflag:s10] =	ssyncadd.s32 $0xFFFFC000  }
0x1ba: {  	[hbm4b:s12+s2] =	stream.linear.scatter [tilespmem:s8], [sflag:$0x3], $0x8000, $0x38;
	[tilespmem:$0x11C00] =	vst v63  }
0x1bb: {  	_ =	swait.ge [sflag:s3], $0x8000  }
0x1bc: {  	s0 =	sld [smem:$0x7E5]  }
0x1bd: {  	[sflag:s3] =	ssyncset.done $0x0  }
0x1be: {  	s12 =	sld [smem:$0x7E6];
	[sflag:s3] =	ssyncadd.s32 $0xFFFF8000  }
0x1bf: {  	[tilespmem:s8], [sflag:$0x2] =	stream.indirect.gather [hbm4b:s4+s7], $0x80, s0, s7, $0xb8;
	[tilespmem:$0x11C00] =	vst v63  }
0x1c0: {  	_ = 	snop  }
0x1c1: {  	[tilespmem:s11], [sflag:$0x2] =	stream.indirect.gather [hbm4b:s4+s7], $0x80, s12, s7, $0xb8;
	[tilespmem:$0x11C00] =	vst v63  }
0x1c2: {  	_ =	swait.ge [sflag:s6], $0x4000  }
0x1c3: {  	[sflag:s6] =	ssyncset.done $0x0  }
0x1c4: {  	[sflag:s6] =	ssyncadd.s32 $0xFFFFC000  }
0x1c5: {  	_ =	swait.ge [sflag:s6], $0x4000  }
0x1c6: {  	[sflag:s6] =	ssyncset.done $0x0  }
0x1c7: {  	s12 =	rddreg [dreg:$0x6];
	[sflag:s6] =	ssyncadd.s32 $0xFFFFC000  }
0x1c8: {  	[hbm4b:s12+s2] =	stream.linear.scatter [tilespmem:s5], [sflag:$0x3], $0x8000, $0x38;
	[tilespmem:$0x11C00] =	vst v63  }
0x1c9: {  	_ =	swait.ge [sflag:s3], $0x8000  }
0x1ca: {  	s0 =	sld [smem:$0x7E7]  }
0x1cb: {  	[sflag:s3] =	ssyncset.done $0x0  }
0x1cc: {  	s12 =	sld [smem:$0x7E8];
	[sflag:s3] =	ssyncadd.s32 $0xFFFF8000  }
0x1cd: {  	[tilespmem:s5], [sflag:$0x1] =	stream.indirect.gather [hbm4b:s4+s7], $0x80, s0, s7, $0xb8;
	[tilespmem:$0x11C00] =	vst v63  }
0x1ce: {  	_ = 	snop  }
0x1cf: {  	[tilespmem:s9], [sflag:$0x1] =	stream.indirect.gather [hbm4b:s4+s7], $0x80, s12, s7, $0xb8;
	[tilespmem:$0x11C00] =	vst v63  }
0x1d0: {  	_ =	swait.ge [sflag:s10], $0x4000  }
0x1d1: {  	[sflag:s10] =	ssyncset.done $0x0  }
0x1d2: {  	[sflag:s10] =	ssyncadd.s32 $0xFFFFC000  }
0x1d3: {  	_ =	swait.ge [sflag:s10], $0x4000  }
0x1d4: {  	[sflag:s10] =	ssyncset.done $0x0  }
0x1d5: {  	s12 =	rddreg [dreg:$0x7];
	[sflag:s10] =	ssyncadd.s32 $0xFFFFC000  }
0x1d6: {  	[hbm4b:s12+s2] =	stream.linear.scatter [tilespmem:s8], [sflag:$0x3], $0x8000, $0x38;
	[tilespmem:$0x11C00] =	vst v63  }
0x1d7: {  	_ =	swait.ge [sflag:s3], $0x8000  }
0x1d8: {  	s0 =	sld [smem:$0x7E9]  }
0x1d9: {  	[sflag:s3] =	ssyncset.done $0x0  }
0x1da: {  	s12 =	sld [smem:$0x7EA];
	[sflag:s3] =	ssyncadd.s32 $0xFFFF8000  }
0x1db: {  	[tilespmem:s8], [sflag:$0x2] =	stream.indirect.gather [hbm4b:s4+s7], $0x80, s0, s7, $0xb8;
	[tilespmem:$0x11C00] =	vst v63  }
0x1dc: {  	_ = 	snop  }
0x1dd: {  	[tilespmem:s11], [sflag:$0x2] =	stream.indirect.gather [hbm4b:s4+s7], $0x80, s12, s7, $0xb8;
	[tilespmem:$0x11C00] =	vst v63  }
0x1de: {  	_ =	swait.ge [sflag:s6], $0x4000  }
0x1df: {  	[sflag:s6] =	ssyncset.done $0x0  }
0x1e0: {  	[sflag:s6] =	ssyncadd.s32 $0xFFFFC000  }
0x1e1: {  	_ =	swait.ge [sflag:s6], $0x4000  }
0x1e2: {  	[sflag:s6] =	ssyncset.done $0x0  }
0x1e3: {  	s12 =	rddreg [dreg:$0x8];
	[sflag:s6] =	ssyncadd.s32 $0xFFFFC000  }
0x1e4: {  	[hbm4b:s12+s2] =	stream.linear.scatter [tilespmem:s5], [sflag:$0x3], $0x8000, $0x38;
	[tilespmem:$0x11C00] =	vst v63  }
0x1e5: {  	_ =	swait.ge [sflag:s3], $0x8000  }
0x1e6: {  	s0 =	sld [smem:$0x7EB]  }
0x1e7: {  	[sflag:s3] =	ssyncset.done $0x0  }
0x1e8: {  	s12 =	sld [smem:$0x7EC];
	[sflag:s3] =	ssyncadd.s32 $0xFFFF8000  }
0x1e9: {  	[tilespmem:s5], [sflag:$0x1] =	stream.indirect.gather [hbm4b:s4+s7], $0x80, s0, s7, $0xb8;
	[tilespmem:$0x11C00] =	vst v63  }
0x1ea: {  	_ = 	snop  }
0x1eb: {  	[tilespmem:s9], [sflag:$0x1] =	stream.indirect.gather [hbm4b:s4+s7], $0x80, s12, s7, $0xb8;
	[tilespmem:$0x11C00] =	vst v63  }
0x1ec: {  	_ =	swait.ge [sflag:s10], $0x4000  }
0x1ed: {  	[sflag:s10] =	ssyncset.done $0x0  }
0x1ee: {  	[sflag:s10] =	ssyncadd.s32 $0xFFFFC000  }
0x1ef: {  	_ =	swait.ge [sflag:s10], $0x4000  }
0x1f0: {  	[sflag:s10] =	ssyncset.done $0x0  }
0x1f1: {  	s12 =	rddreg [dreg:$0x9];
	[sflag:s10] =	ssyncadd.s32 $0xFFFFC000  }
0x1f2: {  	[hbm4b:s12+s2] =	stream.linear.scatter [tilespmem:s8], [sflag:$0x3], $0x8000, $0x38;
	[tilespmem:$0x11C00] =	vst v63  }
0x1f3: {  	_ =	swait.ge [sflag:s3], $0x8000  }
0x1f4: {  	s0 =	sld [smem:$0x7ED]  }
0x1f5: {  	[sflag:s3] =	ssyncset.done $0x0  }
0x1f6: {  	s12 =	sld [smem:$0x7EE];
	[sflag:s3] =	ssyncadd.s32 $0xFFFF8000  }
0x1f7: {  	[tilespmem:s8], [sflag:$0x2] =	stream.indirect.gather [hbm4b:s4+s7], $0x80, s0, s7, $0xb8;
	[tilespmem:$0x11C00] =	vst v63  }
0x1f8: {  	_ = 	snop  }
0x1f9: {  	[tilespmem:s11], [sflag:$0x2] =	stream.indirect.gather [hbm4b:s4+s7], $0x80, s12, s7, $0xb8;
	[tilespmem:$0x11C00] =	vst v63  }
0x1fa: {  	_ =	swait.ge [sflag:s6], $0x4000  }
0x1fb: {  	[sflag:s6] =	ssyncset.done $0x0  }
0x1fc: {  	[sflag:s6] =	ssyncadd.s32 $0xFFFFC000  }
0x1fd: {  	_ =	swait.ge [sflag:s6], $0x4000  }
0x1fe: {  	[sflag:s6] =	ssyncset.done $0x0  }
0x1ff: {  	s12 =	rddreg [dreg:$0xa];
	[sflag:s6] =	ssyncadd.s32 $0xFFFFC000  }
0x200: {  	[hbm4b:s12+s2] =	stream.linear.scatter [tilespmem:s5], [sflag:$0x3], $0x8000, $0x38;
	[tilespmem:$0x11C00] =	vst v63  }
0x201: {  	_ =	swait.ge [sflag:s3], $0x8000  }
0x202: {  	s0 =	sld [smem:$0x7EF]  }
0x203: {  	[sflag:s3] =	ssyncset.done $0x0  }
0x204: {  	s12 =	sld [smem:$0x7F0];
	[sflag:s3] =	ssyncadd.s32 $0xFFFF8000  }
0x205: {  	[tilespmem:s5], [sflag:$0x1] =	stream.indirect.gather [hbm4b:s4+s7], $0x80, s0, s7, $0xb8;
	[tilespmem:$0x11C00] =	vst v63  }
0x206: {  	_ = 	snop  }
0x207: {  	[tilespmem:s9], [sflag:$0x1] =	stream.indirect.gather [hbm4b:s4+s7], $0x80, s12, s7, $0xb8;
	[tilespmem:$0x11C00] =	vst v63  }
0x208: {  	_ =	swait.ge [sflag:s10], $0x4000  }
0x209: {  	[sflag:s10] =	ssyncset.done $0x0  }
0x20a: {  	[sflag:s10] =	ssyncadd.s32 $0xFFFFC000  }
0x20b: {  	_ =	swait.ge [sflag:s10], $0x4000  }
0x20c: {  	[sflag:s10] =	ssyncset.done $0x0  }
0x20d: {  	s12 =	rddreg [dreg:$0xb];
	[sflag:s10] =	ssyncadd.s32 $0xFFFFC000  }
0x20e: {  	[hbm4b:s12+s2] =	stream.linear.scatter [tilespmem:s8], [sflag:$0x3], $0x8000, $0x38;
	[tilespmem:$0x11C00] =	vst v63  }
0x20f: {  	_ =	swait.ge [sflag:s3], $0x8000  }
0x210: {  	s0 =	sld [smem:$0x7F1]  }
0x211: {  	[sflag:s3] =	ssyncset.done $0x0  }
0x212: {  	s12 =	sld [smem:$0x7F2];
	[sflag:s3] =	ssyncadd.s32 $0xFFFF8000  }
0x213: {  	[tilespmem:s8], [sflag:$0x2] =	stream.indirect.gather [hbm4b:s4+s7], $0x80, s0, s7, $0xb8;
	[tilespmem:$0x11C00] =	vst v63  }
0x214: {  	_ = 	snop  }
0x215: {  	[tilespmem:s11], [sflag:$0x2] =	stream.indirect.gather [hbm4b:s4+s7], $0x80, s12, s7, $0xb8;
	[tilespmem:$0x11C00] =	vst v63  }
0x216: {  	_ =	swait.ge [sflag:s6], $0x4000  }
0x217: {  	[sflag:s6] =	ssyncset.done $0x0  }
0x218: {  	[sflag:s6] =	ssyncadd.s32 $0xFFFFC000  }
0x219: {  	_ =	swait.ge [sflag:s6], $0x4000  }
0x21a: {  	[sflag:s6] =	ssyncset.done $0x0  }
0x21b: {  	s12 =	rddreg [dreg:$0xc];
	[sflag:s6] =	ssyncadd.s32 $0xFFFFC000  }
0x21c: {  	[hbm4b:s12+s2] =	stream.linear.scatter [tilespmem:s5], [sflag:$0x3], $0x8000, $0x38;
	[tilespmem:$0x11C00] =	vst v63  }
0x21d: {  	_ =	swait.ge [sflag:s3], $0x8000  }
0x21e: {  	s0 =	sld [smem:$0x7F3]  }
0x21f: {  	[sflag:s3] =	ssyncset.done $0x0  }
0x220: {  	s12 =	sld [smem:$0x7F4];
	[sflag:s3] =	ssyncadd.s32 $0xFFFF8000  }
0x221: {  	[tilespmem:s5], [sflag:$0x1] =	stream.indirect.gather [hbm4b:s4+s7], $0x80, s0, s7, $0xb8;
	[tilespmem:$0x11C00] =	vst v63  }
0x222: {  	_ = 	snop  }
0x223: {  	[tilespmem:s9], [sflag:$0x1] =	stream.indirect.gather [hbm4b:s4+s7], $0x80, s12, s7, $0xb8;
	[tilespmem:$0x11C00] =	vst v63  }
0x224: {  	_ =	swait.ge [sflag:s10], $0x4000  }
0x225: {  	[sflag:s10] =	ssyncset.done $0x0  }
0x226: {  	[sflag:s10] =	ssyncadd.s32 $0xFFFFC000  }
0x227: {  	_ =	swait.ge [sflag:s10], $0x4000  }
0x228: {  	[sflag:s10] =	ssyncset.done $0x0  }
0x229: {  	s12 =	rddreg [dreg:$0xd];
	[sflag:s10] =	ssyncadd.s32 $0xFFFFC000  }
0x22a: {  	[hbm4b:s12+s2] =	stream.linear.scatter [tilespmem:s8], [sflag:$0x3], $0x8000, $0x38;
	[tilespmem:$0x11C00] =	vst v63  }
0x22b: {  	_ =	swait.ge [sflag:s3], $0x8000  }
0x22c: {  	s0 =	sld [smem:$0x7F5]  }
0x22d: {  	[sflag:s3] =	ssyncset.done $0x0  }
0x22e: {  	s12 =	sld [smem:$0x7F6];
	[sflag:s3] =	ssyncadd.s32 $0xFFFF8000  }
0x22f: {  	[tilespmem:s8], [sflag:$0x2] =	stream.indirect.gather [hbm4b:s4+s7], $0x80, s0, s7, $0xb8;
	[tilespmem:$0x11C00] =	vst v63  }
0x230: {  	_ = 	snop  }
0x231: {  	[tilespmem:s11], [sflag:$0x2] =	stream.indirect.gather [hbm4b:s4+s7], $0x80, s12, s7, $0xb8;
	[tilespmem:$0x11C00] =	vst v63  }
0x232: {  	_ =	swait.ge [sflag:s6], $0x4000  }
0x233: {  	[sflag:s6] =	ssyncset.done $0x0  }
0x234: {  	[sflag:s6] =	ssyncadd.s32 $0xFFFFC000  }
0x235: {  	_ =	swait.ge [sflag:s6], $0x4000  }
0x236: {  	[sflag:s6] =	ssyncset.done $0x0  }
0x237: {  	s12 =	rddreg [dreg:$0xe];
	[sflag:s6] =	ssyncadd.s32 $0xFFFFC000  }
0x238: {  	[hbm4b:s12+s2] =	stream.linear.scatter [tilespmem:s5], [sflag:$0x3], $0x8000, $0x38;
	[tilespmem:$0x11C00] =	vst v63  }
0x239: {  	_ =	swait.ge [sflag:s3], $0x8000  }
0x23a: {  	s0 =	sld [smem:$0x7F7]  }
0x23b: {  	[sflag:s3] =	ssyncset.done $0x0  }
0x23c: {  	s12 =	sld [smem:$0x7F8];
	[sflag:s3] =	ssyncadd.s32 $0xFFFF8000  }
0x23d: {  	[tilespmem:s5], [sflag:$0x1] =	stream.indirect.gather [hbm4b:s4+s7], $0x80, s0, s7, $0xb8;
	[tilespmem:$0x11C00] =	vst v63  }
0x23e: {  	_ = 	snop  }
0x23f: {  	[tilespmem:s9], [sflag:$0x1] =	stream.indirect.gather [hbm4b:s4+s7], $0x80, s12, s7, $0xb8;
	[tilespmem:$0x11C00] =	vst v63  }
0x240: {  	_ =	swait.ge [sflag:s10], $0x4000  }
0x241: {  	[sflag:s10] =	ssyncset.done $0x0  }
0x242: {  	[sflag:s10] =	ssyncadd.s32 $0xFFFFC000  }
0x243: {  	_ =	swait.ge [sflag:s10], $0x4000  }
0x244: {  	[sflag:s10] =	ssyncset.done $0x0  }
0x245: {  	s12 =	rddreg [dreg:$0xf];
	[sflag:s10] =	ssyncadd.s32 $0xFFFFC000  }
0x246: {  	[hbm4b:s12+s2] =	stream.linear.scatter [tilespmem:s8], [sflag:$0x3], $0x8000, $0x38;
	[tilespmem:$0x11C00] =	vst v63  }
0x247: {  	_ =	swait.ge [sflag:s3], $0x8000  }
0x248: {  	s0 =	sld [smem:$0x7F9]  }
0x249: {  	[sflag:s3] =	ssyncset.done $0x0  }
0x24a: {  	s12 =	sld [smem:$0x7FA];
	[sflag:s3] =	ssyncadd.s32 $0xFFFF8000  }
0x24b: {  	[tilespmem:s8], [sflag:$0x2] =	stream.indirect.gather [hbm4b:s4+s7], $0x80, s0, s7, $0xb8;
	[tilespmem:$0x11C00] =	vst v63  }
0x24c: {  	_ = 	snop  }
0x24d: {  	[tilespmem:s11], [sflag:$0x2] =	stream.indirect.gather [hbm4b:s4+s7], $0x80, s12, s7, $0xb8;
	[tilespmem:$0x11C00] =	vst v63  }
0x24e: {  	_ =	swait.ge [sflag:s6], $0x4000  }
0x24f: {  	[sflag:s6] =	ssyncset.done $0x0  }
0x250: {  	[sflag:s6] =	ssyncadd.s32 $0xFFFFC000  }
0x251: {  	_ =	swait.ge [sflag:s6], $0x4000  }
0x252: {  	[sflag:s6] =	ssyncset.done $0x0  }
0x253: {  	s12 =	rddreg [dreg:$0x10];
	[sflag:s6] =	ssyncadd.s32 $0xFFFFC000  }
0x254: {  	[hbm4b:s12+s2] =	stream.linear.scatter [tilespmem:s5], [sflag:$0x3], $0x8000, $0x38;
	[tilespmem:$0x11C00] =	vst v63  }
0x255: {  	_ =	swait.ge [sflag:s3], $0x8000  }
0x256: {  	s0 =	sld [smem:$0x7FB]  }
0x257: {  	[sflag:s3] =	ssyncset.done $0x0  }
0x258: {  	s12 =	sld [smem:$0x7FC];
	[sflag:s3] =	ssyncadd.s32 $0xFFFF8000  }
0x259: {  	[tilespmem:s5], [sflag:$0x1] =	stream.indirect.gather [hbm4b:s4+s7], $0x80, s0, s7, $0xb8;
	[tilespmem:$0x11C00] =	vst v63  }
0x25a: {  	_ = 	snop  }
0x25b: {  	[tilespmem:s9], [sflag:$0x1] =	stream.indirect.gather [hbm4b:s4+s7], $0x80, s12, s7, $0xb8;
	[tilespmem:$0x11C00] =	vst v63  }
0x25c: {  	_ =	swait.ge [sflag:s10], $0x4000  }
0x25d: {  	[sflag:s10] =	ssyncset.done $0x0  }
0x25e: {  	[sflag:s10] =	ssyncadd.s32 $0xFFFFC000  }
0x25f: {  	_ =	swait.ge [sflag:s10], $0x4000  }
0x260: {  	[sflag:s10] =	ssyncset.done $0x0  }
0x261: {  	s12 =	rddreg [dreg:$0x11];
	[sflag:s10] =	ssyncadd.s32 $0xFFFFC000  }
0x262: {  	[hbm4b:s12+s2] =	stream.linear.scatter [tilespmem:s8], [sflag:$0x3], $0x8000, $0x38;
	[tilespmem:$0x11C00] =	vst v63  }
0x263: {  	_ =	swait.ge [sflag:s3], $0x8000  }
0x264: {  	s12 =	sld [smem:$0x7FD]  }
0x265: {  	[sflag:s3] =	ssyncset.done $0x0  }
0x266: {  	[sflag:s3] =	ssyncadd.s32 $0xFFFF8000  }
0x267: {  	[tilespmem:s8], [sflag:$0x2] =	stream.indirect.gather [hbm4b:s4+s7], $0x80, s12, s7, $0xb8;
	[tilespmem:$0x11C00] =	vst v63  }
0x268: {  	_ = 	snop  }
0x269: {  	[tilespmem:s11], [sflag:$0x2] =	stream.indirect.gather [hbm4b:s4+s7], $0x80, s19, s7, $0xb8;
	[tilespmem:$0x11C00] =	vst v63  }
0x26a: {  	_ =	swait.ge [sflag:s6], $0x4000  }
0x26b: {  	[sflag:s6] =	ssyncset.done $0x0  }
0x26c: {  	[sflag:s6] =	ssyncadd.s32 $0xFFFFC000  }
0x26d: {  	_ =	swait.ge [sflag:s6], $0x4000  }
0x26e: {  	[sflag:s6] =	ssyncset.done $0x0  }
0x26f: {  	s12 =	rddreg [dreg:$0x12];
	[sflag:s6] =	ssyncadd.s32 $0xFFFFC000  }
0x270: {  	[hbm4b:s12+s2] =	stream.linear.scatter [tilespmem:s5], [sflag:$0x3], $0x8000, $0x38;
	[tilespmem:$0x11C00] =	vst v63  }
0x271: {  	_ =	swait.ge [sflag:s3], $0x8000  }
0x272: {  	[sflag:s3] =	ssyncset.done $0x0  }
0x273: {  	[sflag:s3] =	ssyncadd.s32 $0xFFFF8000  }
0x274: {  	[tilespmem:s5], [sflag:$0x1] =	stream.indirect.gather [hbm4b:s4+s7], $0x80, s30, s7, $0xb8;
	[tilespmem:$0x11C00] =	vst v63  }
0x275: {  	_ = 	snop  }
0x276: {  	[tilespmem:s9], [sflag:$0x1] =	stream.indirect.gather [hbm4b:s4+s7], $0x80, s31, s7, $0xb8;
	[tilespmem:$0x11C00] =	vst v63  }
0x277: {  	_ =	swait.ge [sflag:s10], $0x4000  }
0x278: {  	[sflag:s10] =	ssyncset.done $0x0  }
0x279: {  	[sflag:s10] =	ssyncadd.s32 $0xFFFFC000  }
0x27a: {  	_ =	swait.ge [sflag:s10], $0x4000  }
0x27b: {  	[sflag:s10] =	ssyncset.done $0x0  }
0x27c: {  	s12 =	rddreg [dreg:$0x13];
	[sflag:s10] =	ssyncadd.s32 $0xFFFFC000  }
0x27d: {  	[hbm4b:s12+s2] =	stream.linear.scatter [tilespmem:s8], [sflag:$0x3], $0x8000, $0x38;
	[tilespmem:$0x11C00] =	vst v63  }
0x27e: {  	_ =	swait.ge [sflag:s3], $0x8000  }
0x27f: {  	[sflag:s3] =	ssyncset.done $0x0  }
0x280: {  	[sflag:s3] =	ssyncadd.s32 $0xFFFF8000  }
0x281: {  	[tilespmem:s8], [sflag:$0x2] =	stream.indirect.gather [hbm4b:s4+s7], $0x80, s28, s7, $0xb8;
	[tilespmem:$0x11C00] =	vst v63  }
0x282: {  	_ = 	snop  }
0x283: {  	[tilespmem:s11], [sflag:$0x2] =	stream.indirect.gather [hbm4b:s4+s7], $0x80, s29, s7, $0xb8;
	[tilespmem:$0x11C00] =	vst v63  }
0x284: {  	_ =	swait.ge [sflag:s6], $0x4000  }
0x285: {  	[sflag:s6] =	ssyncset.done $0x0  }
0x286: {  	[sflag:s6] =	ssyncadd.s32 $0xFFFFC000  }
0x287: {  	_ =	swait.ge [sflag:s6], $0x4000  }
0x288: {  	[sflag:s6] =	ssyncset.done $0x0  }
0x289: {  	s12 =	rddreg [dreg:$0x14];
	[sflag:s6] =	ssyncadd.s32 $0xFFFFC000  }
0x28a: {  	[hbm4b:s12+s2] =	stream.linear.scatter [tilespmem:s5], [sflag:$0x3], $0x8000, $0x38;
	[tilespmem:$0x11C00] =	vst v63  }
0x28b: {  	_ =	swait.ge [sflag:s3], $0x8000  }
0x28c: {  	[sflag:s3] =	ssyncset.done $0x0  }
0x28d: {  	[sflag:s3] =	ssyncadd.s32 $0xFFFF8000  }
0x28e: {  	[tilespmem:s5], [sflag:$0x1] =	stream.indirect.gather [hbm4b:s4+s7], $0x80, s25, s7, $0xb8;
	[tilespmem:$0x11C00] =	vst v63  }
0x28f: {  	_ = 	snop  }
0x290: {  	[tilespmem:s9], [sflag:$0x1] =	stream.indirect.gather [hbm4b:s4+s7], $0x80, s26, s7, $0xb8;
	[tilespmem:$0x11C00] =	vst v63  }
0x291: {  	_ =	swait.ge [sflag:s10], $0x4000  }
0x292: {  	[sflag:s10] =	ssyncset.done $0x0  }
0x293: {  	[sflag:s10] =	ssyncadd.s32 $0xFFFFC000  }
0x294: {  	_ =	swait.ge [sflag:s10], $0x4000  }
0x295: {  	[sflag:s10] =	ssyncset.done $0x0  }
0x296: {  	s12 =	rddreg [dreg:$0x15];
	[sflag:s10] =	ssyncadd.s32 $0xFFFFC000  }
0x297: {  	[hbm4b:s12+s2] =	stream.linear.scatter [tilespmem:s8], [sflag:$0x3], $0x8000, $0x38;
	[tilespmem:$0x11C00] =	vst v63  }
0x298: {  	_ =	swait.ge [sflag:s3], $0x8000  }
0x299: {  	[sflag:s3] =	ssyncset.done $0x0  }
0x29a: {  	[sflag:s3] =	ssyncadd.s32 $0xFFFF8000  }
0x29b: {  	[tilespmem:s8], [sflag:$0x2] =	stream.indirect.gather [hbm4b:s4+s7], $0x80, s23, s7, $0xb8;
	[tilespmem:$0x11C00] =	vst v63  }
0x29c: {  	_ = 	snop  }
0x29d: {  	[tilespmem:s11], [sflag:$0x2] =	stream.indirect.gather [hbm4b:s4+s7], $0x80, s24, s7, $0xb8;
	[tilespmem:$0x11C00] =	vst v63  }
0x29e: {  	_ =	swait.ge [sflag:s6], $0x4000  }
0x29f: {  	[sflag:s6] =	ssyncset.done $0x0  }
0x2a0: {  	[sflag:s6] =	ssyncadd.s32 $0xFFFFC000  }
0x2a1: {  	_ =	swait.ge [sflag:s6], $0x4000  }
0x2a2: {  	[sflag:s6] =	ssyncset.done $0x0  }
0x2a3: {  	s12 =	rddreg [dreg:$0x16];
	[sflag:s6] =	ssyncadd.s32 $0xFFFFC000  }
0x2a4: {  	[hbm4b:s12+s2] =	stream.linear.scatter [tilespmem:s5], [sflag:$0x3], $0x8000, $0x38;
	[tilespmem:$0x11C00] =	vst v63  }
0x2a5: {  	_ =	swait.ge [sflag:s3], $0x8000  }
0x2a6: {  	[sflag:s3] =	ssyncset.done $0x0  }
0x2a7: {  	[sflag:s3] =	ssyncadd.s32 $0xFFFF8000  }
0x2a8: {  	[tilespmem:s5], [sflag:$0x1] =	stream.indirect.gather [hbm4b:s4+s7], $0x80, s21, s7, $0xb8;
	[tilespmem:$0x11C00] =	vst v63  }
0x2a9: {  	_ = 	snop  }
0x2aa: {  	[tilespmem:s9], [sflag:$0x1] =	stream.indirect.gather [hbm4b:s4+s7], $0x80, s22, s7, $0xb8;
	[tilespmem:$0x11C00] =	vst v63  }
0x2ab: {  	_ =	swait.ge [sflag:s10], $0x4000  }
0x2ac: {  	[sflag:s10] =	ssyncset.done $0x0  }
0x2ad: {  	[sflag:s10] =	ssyncadd.s32 $0xFFFFC000  }
0x2ae: {  	_ =	swait.ge [sflag:s10], $0x4000  }
0x2af: {  	[sflag:s10] =	ssyncset.done $0x0  }
0x2b0: {  	s12 =	rddreg [dreg:$0x17];
	[sflag:s10] =	ssyncadd.s32 $0xFFFFC000  }
0x2b1: {  	[hbm4b:s12+s2] =	stream.linear.scatter [tilespmem:s8], [sflag:$0x3], $0x8000, $0x38;
	[tilespmem:$0x11C00] =	vst v63  }
0x2b2: {  	_ =	swait.ge [sflag:s3], $0x8000  }
0x2b3: {  	[sflag:s3] =	ssyncset.done $0x0  }
0x2b4: {  	s12 =	simm.s32 $0x1500;
	[sflag:s3] =	ssyncadd.s32 $0xFFFF8000  }
0x2b5: {  	[tilespmem:s8], [sflag:$0x2] =	stream.indirect.gather [hbm4b:s4+s7], $0x80, s12, s7, $0xb8;
	[tilespmem:$0x11C00] =	vst v63  }
0x2b6: {  	_ = 	snop  }
0x2b7: {  	[tilespmem:s11], [sflag:$0x2] =	stream.indirect.gather [hbm4b:s4+s7], $0x80, s20, s7, $0xb8;
	[tilespmem:$0x11C00] =	vst v63  }
0x2b8: {  	_ =	swait.ge [sflag:s6], $0x4000  }
0x2b9: {  	[sflag:s6] =	ssyncset.done $0x0  }
0x2ba: {  	[sflag:s6] =	ssyncadd.s32 $0xFFFFC000  }
0x2bb: {  	_ =	swait.ge [sflag:s6], $0x4000  }
0x2bc: {  	[sflag:s6] =	ssyncset.done $0x0  }
0x2bd: {  	s12 =	rddreg [dreg:$0x18];
	[sflag:s6] =	ssyncadd.s32 $0xFFFFC000  }
0x2be: {  	[hbm4b:s12+s2] =	stream.linear.scatter [tilespmem:s5], [sflag:$0x3], $0x8000, $0x38;
	[tilespmem:$0x11C00] =	vst v63  }
0x2bf: {  	_ =	swait.ge [sflag:s3], $0x8000  }
0x2c0: {  	[sflag:s3] =	ssyncset.done $0x0  }
0x2c1: {  	[sflag:s3] =	ssyncadd.s32 $0xFFFF8000  }
0x2c2: {  	[tilespmem:s5], [sflag:$0x1] =	stream.indirect.gather [hbm4b:s4+s7], $0x80, s17, s7, $0xb8;
	[tilespmem:$0x11C00] =	vst v63  }
0x2c3: {  	_ = 	snop  }
0x2c4: {  	[tilespmem:s9], [sflag:$0x1] =	stream.indirect.gather [hbm4b:s4+s7], $0x80, s18, s7, $0xb8;
	[tilespmem:$0x11C00] =	vst v63  }
0x2c5: {  	_ =	swait.ge [sflag:s10], $0x4000  }
0x2c6: {  	[sflag:s10] =	ssyncset.done $0x0  }
0x2c7: {  	[sflag:s10] =	ssyncadd.s32 $0xFFFFC000  }
0x2c8: {  	_ =	swait.ge [sflag:s10], $0x4000  }
0x2c9: {  	[sflag:s10] =	ssyncset.done $0x0  }
0x2ca: {  	s12 =	rddreg [dreg:$0x19];
	[sflag:s10] =	ssyncadd.s32 $0xFFFFC000  }
0x2cb: {  	[hbm4b:s12+s2] =	stream.linear.scatter [tilespmem:s8], [sflag:$0x3], $0x8000, $0x38;
	[tilespmem:$0x11C00] =	vst v63  }
0x2cc: {  	_ =	swait.ge [sflag:s3], $0x8000  }
0x2cd: {  	[sflag:s3] =	ssyncset.done $0x0  }
0x2ce: {  	[sflag:s3] =	ssyncadd.s32 $0xFFFF8000  }
0x2cf: {  	[tilespmem:s8], [sflag:$0x2] =	stream.indirect.gather [hbm4b:s4+s7], $0x80, s15, s7, $0xb8;
	[tilespmem:$0x11C00] =	vst v63  }
0x2d0: {  	_ = 	snop  }
0x2d1: {  	[tilespmem:s11], [sflag:$0x2] =	stream.indirect.gather [hbm4b:s4+s7], $0x80, s16, s7, $0xb8;
	[tilespmem:$0x11C00] =	vst v63  }
0x2d2: {  	_ =	swait.ge [sflag:s6], $0x4000  }
0x2d3: {  	[sflag:s6] =	ssyncset.done $0x0  }
0x2d4: {  	[sflag:s6] =	ssyncadd.s32 $0xFFFFC000  }
0x2d5: {  	_ =	swait.ge [sflag:s6], $0x4000  }
0x2d6: {  	[sflag:s6] =	ssyncset.done $0x0  }
0x2d7: {  	s12 =	rddreg [dreg:$0x1a];
	[sflag:s6] =	ssyncadd.s32 $0xFFFFC000  }
0x2d8: {  	[hbm4b:s12+s2] =	stream.linear.scatter [tilespmem:s5], [sflag:$0x3], $0x8000, $0x38;
	[tilespmem:$0x11C00] =	vst v63  }
0x2d9: {  	_ =	swait.ge [sflag:s3], $0x8000  }
0x2da: {  	[sflag:s3] =	ssyncset.done $0x0  }
0x2db: {  	[sflag:s3] =	ssyncadd.s32 $0xFFFF8000  }
0x2dc: {  	[tilespmem:s5], [sflag:$0x1] =	stream.indirect.gather [hbm4b:s4+s7], $0x80, s13, s7, $0xb8;
	[tilespmem:$0x11C00] =	vst v63  }
0x2dd: {  	_ = 	snop  }
0x2de: {  	[tilespmem:s9], [sflag:$0x1] =	stream.indirect.gather [hbm4b:s4+s7], $0x80, s14, s7, $0xb8;
	[tilespmem:$0x11C00] =	vst v63  }
0x2df: {  	_ =	swait.ge [sflag:s10], $0x4000  }
0x2e0: {  	[sflag:s10] =	ssyncset.done $0x0  }
0x2e1: {  	[sflag:s10] =	ssyncadd.s32 $0xFFFFC000  }
0x2e2: {  	_ =	swait.ge [sflag:s10], $0x4000  }
0x2e3: {  	[sflag:s10] =	ssyncset.done $0x0  }
0x2e4: {  	s12 =	rddreg [dreg:$0x1b];
	[sflag:s10] =	ssyncadd.s32 $0xFFFFC000  }
0x2e5: {  	[hbm4b:s12+s2] =	stream.linear.scatter [tilespmem:s8], [sflag:$0x3], $0x8000, $0x38;
	[tilespmem:$0x11C00] =	vst v63  }
0x2e6: {  	_ =	swait.ge [sflag:s3], $0x8000  }
0x2e7: {  	[sflag:s3] =	ssyncset.done $0x0  }
0x2e8: {  	[sflag:s3] =	ssyncadd.s32 $0xFFFF8000  }
0x2e9: {  	_ =	swait.ge [sflag:s6], $0x4000  }
0x2ea: {  	[sflag:s6] =	ssyncset.done $0x0  }
0x2eb: {  	[sflag:s6] =	ssyncadd.s32 $0xFFFFC000  }
0x2ec: {  	p1 =	sne.s32 s1, $0x1;
	_ =	swait.ge [sflag:s6], $0x4000  }
.Ltmp2:
0x2ed: {  	[sflag:s6] =	ssyncset.done $0x0;
	(pc) =	sbr.rel @p1 .LBB2_4-.Ltmp2, $4  }
0x2ee: {  	s12 =	rddreg [dreg:$0x1c];
	[sflag:s6] =	ssyncadd.s32 $0xFFFFC000  }
0x2ef: {  	[hbm4b:s12+s2] =	stream.linear.scatter [tilespmem:s5], [sflag:$0x3], $0x8000, $0x38;
	[tilespmem:$0x11C00] =	vst v63  }
0x2f0: {  	_ =	swait.ge [sflag:s3], $0x8000  }
0x2f1: {  	s1 =	sadd.s32 $0xFFFFFFFF, s1;
	s0 =	rddreg [dreg:$0x3];
	[sflag:s3] =	ssyncset.done $0x0  }
0x2f2: {  	s14 =	simm.s32 $0xF80  }
0x2f3: {  	s31 =	simm.s32 $0x1080;
	s30 =	simm.s32 $0x1000;
	s29 =	simm.s32 $0x1180  }
0x2f4: {  	s28 =	simm.s32 $0x1100;
	s26 =	simm.s32 $0x1280;
	s25 =	simm.s32 $0x1200  }
0x2f5: {  	s24 =	simm.s32 $0x1380;
	s23 =	simm.s32 $0x1300;
	s22 =	simm.s32 $0x1480  }
0x2f6: {  	s21 =	simm.s32 $0x1400;
	s20 =	simm.s32 $0x1580;
	s19 =	simm.s32 $0x1500  }
0x2f7: {  	s18 =	simm.s32 $0x1680;
	s17 =	simm.s32 $0x1600;
	s16 =	simm.s32 $0x1780  }
0x2f8: {  	s15 =	simm.s32 $0x1700;
	s13 =	simm.s32 $0x1800;
	s12 =	stileid.u32  }
.LBB2_6:
0x2f9: {  	[sflag:s3] =	ssyncadd.s32 @p0 $0xFFFF8000  }
0x2fa: {  	[tilespmem:s2], [sflag:$0x3] =	stream.linear.gather [hbm4b:s0+s2], $0x1900, $0x38;
	[tilespmem:$0x11C00] =	vst v63  }
0x2fb: {  	_ =	swait.ge [sflag:s3], $0x1900  }
0x2fc: {  	[sflag:s3] =	ssyncset.done $0x0  }
0x2fd: {  	[sflag:s3] =	ssyncadd.s32 $0xFFFFE700  }
0x2fe: {  	[tilespmem:s5], [sflag:$0x1] =	stream.indirect.gather [hbm4b:s4+s7], $0x80, s2, s7, $0xb8;
	[tilespmem:$0x11C00] =	vst v63  }
0x2ff: {  	_ = 	snop  }
0x300: {  	[tilespmem:s9], [sflag:$0x1] =	stream.indirect.gather [hbm4b:s4+s7], $0x80, s7, s7, $0xb8;
	[tilespmem:$0x11C00] =	vst v63  }
0x301: {  	s0 =	rddreg [dreg:$0x1d]  }
0x302: {  	[tilespmem:s8], [sflag:$0x2] =	stream.indirect.gather [hbm4b:s4+s7], $0x80, s0, s7, $0xb8;
	[tilespmem:$0x11C00] =	vst v63  }
0x303: {  	s1 =	rddreg [dreg:$0x1e]  }
0x304: {  	[tilespmem:s11], [sflag:$0x2] =	stream.indirect.gather [hbm4b:s4+s7], $0x80, s1, s7, $0xb8;
	[tilespmem:$0x11C00] =	vst v63  }
0x305: {  	_ =	swait.ge [sflag:s6], $0x4000  }
0x306: {  	[sflag:s6] =	ssyncset.done $0x0  }
0x307: {  	[sflag:s6] =	ssyncadd.s32 $0xFFFFC000  }
0x308: {  	_ =	swait.ge [sflag:s6], $0x4000  }
0x309: {  	[sflag:s6] =	ssyncset.done $0x0  }
0x30a: {  	s1 =	rddreg [dreg:$0x4];
	[sflag:s6] =	ssyncadd.s32 $0xFFFFC000  }
0x30b: {  	[hbm4b:s1+s2] =	stream.linear.scatter [tilespmem:s5], [sflag:$0x3], $0x8000, $0x38;
	[tilespmem:$0x11C00] =	vst v63  }
0x30c: {  	_ =	swait.ge [sflag:s3], $0x8000  }
0x30d: {  	s0 =	rddreg [dreg:$0x1f];
	[sflag:s3] =	ssyncset.done $0x0  }
0x30e: {  	s1 =	sld [smem:$0x7E4];
	[sflag:s3] =	ssyncadd.s32 $0xFFFF8000  }
0x30f: {  	[tilespmem:s5], [sflag:$0x1] =	stream.indirect.gather [hbm4b:s4+s7], $0x80, s0, s7, $0xb8;
	[tilespmem:$0x11C00] =	vst v63  }
0x310: {  	_ = 	snop  }
0x311: {  	[tilespmem:s9], [sflag:$0x1] =	stream.indirect.gather [hbm4b:s4+s7], $0x80, s1, s7, $0xb8;
	[tilespmem:$0x11C00] =	vst v63  }
0x312: {  	_ =	swait.ge [sflag:s10], $0x4000  }
0x313: {  	[sflag:s10] =	ssyncset.done $0x0  }
0x314: {  	[sflag:s10] =	ssyncadd.s32 $0xFFFFC000  }
0x315: {  	_ =	swait.ge [sflag:s10], $0x4000  }
0x316: {  	[sflag:s10] =	ssyncset.done $0x0  }
0x317: {  	s1 =	rddreg [dreg:$0x5];
	[sflag:s10] =	ssyncadd.s32 $0xFFFFC000  }
0x318: {  	[hbm4b:s1+s2] =	stream.linear.scatter [tilespmem:s8], [sflag:$0x3], $0x8000, $0x38;
	[tilespmem:$0x11C00] =	vst v63  }
0x319: {  	_ =	swait.ge [sflag:s3], $0x8000  }
0x31a: {  	s0 =	sld [smem:$0x7E5]  }
0x31b: {  	[sflag:s3] =	ssyncset.done $0x0  }
0x31c: {  	s1 =	sld [smem:$0x7E6];
	[sflag:s3] =	ssyncadd.s32 $0xFFFF8000  }
0x31d: {  	[tilespmem:s8], [sflag:$0x2] =	stream.indirect.gather [hbm4b:s4+s7], $0x80, s0, s7, $0xb8;
	[tilespmem:$0x11C00] =	vst v63  }
0x31e: {  	_ = 	snop  }
0x31f: {  	[tilespmem:s11], [sflag:$0x2] =	stream.indirect.gather [hbm4b:s4+s7], $0x80, s1, s7, $0xb8;
	[tilespmem:$0x11C00] =	vst v63  }
0x320: {  	_ =	swait.ge [sflag:s6], $0x4000  }
0x321: {  	[sflag:s6] =	ssyncset.done $0x0  }
0x322: {  	[sflag:s6] =	ssyncadd.s32 $0xFFFFC000  }
0x323: {  	_ =	swait.ge [sflag:s6], $0x4000  }
0x324: {  	[sflag:s6] =	ssyncset.done $0x0  }
0x325: {  	s1 =	rddreg [dreg:$0x6];
	[sflag:s6] =	ssyncadd.s32 $0xFFFFC000  }
0x326: {  	[hbm4b:s1+s2] =	stream.linear.scatter [tilespmem:s5], [sflag:$0x3], $0x8000, $0x38;
	[tilespmem:$0x11C00] =	vst v63  }
0x327: {  	_ =	swait.ge [sflag:s3], $0x8000  }
0x328: {  	s0 =	sld [smem:$0x7E7]  }
0x329: {  	[sflag:s3] =	ssyncset.done $0x0  }
0x32a: {  	s1 =	sld [smem:$0x7E8];
	[sflag:s3] =	ssyncadd.s32 $0xFFFF8000  }
0x32b: {  	[tilespmem:s5], [sflag:$0x1] =	stream.indirect.gather [hbm4b:s4+s7], $0x80, s0, s7, $0xb8;
	[tilespmem:$0x11C00] =	vst v63  }
0x32c: {  	_ = 	snop  }
0x32d: {  	[tilespmem:s9], [sflag:$0x1] =	stream.indirect.gather [hbm4b:s4+s7], $0x80, s1, s7, $0xb8;
	[tilespmem:$0x11C00] =	vst v63  }
0x32e: {  	_ =	swait.ge [sflag:s10], $0x4000  }
0x32f: {  	[sflag:s10] =	ssyncset.done $0x0  }
0x330: {  	[sflag:s10] =	ssyncadd.s32 $0xFFFFC000  }
0x331: {  	_ =	swait.ge [sflag:s10], $0x4000  }
0x332: {  	[sflag:s10] =	ssyncset.done $0x0  }
0x333: {  	s1 =	rddreg [dreg:$0x7];
	[sflag:s10] =	ssyncadd.s32 $0xFFFFC000  }
0x334: {  	[hbm4b:s1+s2] =	stream.linear.scatter [tilespmem:s8], [sflag:$0x3], $0x8000, $0x38;
	[tilespmem:$0x11C00] =	vst v63  }
0x335: {  	_ =	swait.ge [sflag:s3], $0x8000  }
0x336: {  	s0 =	sld [smem:$0x7E9]  }
0x337: {  	[sflag:s3] =	ssyncset.done $0x0  }
0x338: {  	s1 =	sld [smem:$0x7EA];
	[sflag:s3] =	ssyncadd.s32 $0xFFFF8000  }
0x339: {  	[tilespmem:s8], [sflag:$0x2] =	stream.indirect.gather [hbm4b:s4+s7], $0x80, s0, s7, $0xb8;
	[tilespmem:$0x11C00] =	vst v63  }
0x33a: {  	_ = 	snop  }
0x33b: {  	[tilespmem:s11], [sflag:$0x2] =	stream.indirect.gather [hbm4b:s4+s7], $0x80, s1, s7, $0xb8;
	[tilespmem:$0x11C00] =	vst v63  }
0x33c: {  	_ =	swait.ge [sflag:s6], $0x4000  }
0x33d: {  	[sflag:s6] =	ssyncset.done $0x0  }
0x33e: {  	[sflag:s6] =	ssyncadd.s32 $0xFFFFC000  }
0x33f: {  	_ =	swait.ge [sflag:s6], $0x4000  }
0x340: {  	[sflag:s6] =	ssyncset.done $0x0  }
0x341: {  	s1 =	rddreg [dreg:$0x8];
	[sflag:s6] =	ssyncadd.s32 $0xFFFFC000  }
0x342: {  	[hbm4b:s1+s2] =	stream.linear.scatter [tilespmem:s5], [sflag:$0x3], $0x8000, $0x38;
	[tilespmem:$0x11C00] =	vst v63  }
0x343: {  	_ =	swait.ge [sflag:s3], $0x8000  }
0x344: {  	s0 =	sld [smem:$0x7EB]  }
0x345: {  	[sflag:s3] =	ssyncset.done $0x0  }
0x346: {  	s1 =	sld [smem:$0x7EC];
	[sflag:s3] =	ssyncadd.s32 $0xFFFF8000  }
0x347: {  	[tilespmem:s5], [sflag:$0x1] =	stream.indirect.gather [hbm4b:s4+s7], $0x80, s0, s7, $0xb8;
	[tilespmem:$0x11C00] =	vst v63  }
0x348: {  	_ = 	snop  }
0x349: {  	[tilespmem:s9], [sflag:$0x1] =	stream.indirect.gather [hbm4b:s4+s7], $0x80, s1, s7, $0xb8;
	[tilespmem:$0x11C00] =	vst v63  }
0x34a: {  	_ =	swait.ge [sflag:s10], $0x4000  }
0x34b: {  	[sflag:s10] =	ssyncset.done $0x0  }
0x34c: {  	[sflag:s10] =	ssyncadd.s32 $0xFFFFC000  }
0x34d: {  	_ =	swait.ge [sflag:s10], $0x4000  }
0x34e: {  	[sflag:s10] =	ssyncset.done $0x0  }
0x34f: {  	s1 =	rddreg [dreg:$0x9];
	[sflag:s10] =	ssyncadd.s32 $0xFFFFC000  }
0x350: {  	[hbm4b:s1+s2] =	stream.linear.scatter [tilespmem:s8], [sflag:$0x3], $0x8000, $0x38;
	[tilespmem:$0x11C00] =	vst v63  }
0x351: {  	_ =	swait.ge [sflag:s3], $0x8000  }
0x352: {  	s0 =	sld [smem:$0x7ED]  }
0x353: {  	[sflag:s3] =	ssyncset.done $0x0  }
0x354: {  	s1 =	sld [smem:$0x7EE];
	[sflag:s3] =	ssyncadd.s32 $0xFFFF8000  }
0x355: {  	[tilespmem:s8], [sflag:$0x2] =	stream.indirect.gather [hbm4b:s4+s7], $0x80, s0, s7, $0xb8;
	[tilespmem:$0x11C00] =	vst v63  }
0x356: {  	_ = 	snop  }
0x357: {  	[tilespmem:s11], [sflag:$0x2] =	stream.indirect.gather [hbm4b:s4+s7], $0x80, s1, s7, $0xb8;
	[tilespmem:$0x11C00] =	vst v63  }
0x358: {  	_ =	swait.ge [sflag:s6], $0x4000  }
0x359: {  	[sflag:s6] =	ssyncset.done $0x0  }
0x35a: {  	[sflag:s6] =	ssyncadd.s32 $0xFFFFC000  }
0x35b: {  	_ =	swait.ge [sflag:s6], $0x4000  }
0x35c: {  	[sflag:s6] =	ssyncset.done $0x0  }
0x35d: {  	s1 =	rddreg [dreg:$0xa];
	[sflag:s6] =	ssyncadd.s32 $0xFFFFC000  }
0x35e: {  	[hbm4b:s1+s2] =	stream.linear.scatter [tilespmem:s5], [sflag:$0x3], $0x8000, $0x38;
	[tilespmem:$0x11C00] =	vst v63  }
0x35f: {  	_ =	swait.ge [sflag:s3], $0x8000  }
0x360: {  	s0 =	sld [smem:$0x7EF]  }
0x361: {  	[sflag:s3] =	ssyncset.done $0x0  }
0x362: {  	s1 =	sld [smem:$0x7F0];
	[sflag:s3] =	ssyncadd.s32 $0xFFFF8000  }
0x363: {  	[tilespmem:s5], [sflag:$0x1] =	stream.indirect.gather [hbm4b:s4+s7], $0x80, s0, s7, $0xb8;
	[tilespmem:$0x11C00] =	vst v63  }
0x364: {  	_ = 	snop  }
0x365: {  	[tilespmem:s9], [sflag:$0x1] =	stream.indirect.gather [hbm4b:s4+s7], $0x80, s1, s7, $0xb8;
	[tilespmem:$0x11C00] =	vst v63  }
0x366: {  	_ =	swait.ge [sflag:s10], $0x4000  }
0x367: {  	[sflag:s10] =	ssyncset.done $0x0  }
0x368: {  	[sflag:s10] =	ssyncadd.s32 $0xFFFFC000  }
0x369: {  	_ =	swait.ge [sflag:s10], $0x4000  }
0x36a: {  	[sflag:s10] =	ssyncset.done $0x0  }
0x36b: {  	s1 =	rddreg [dreg:$0xb];
	[sflag:s10] =	ssyncadd.s32 $0xFFFFC000  }
0x36c: {  	[hbm4b:s1+s2] =	stream.linear.scatter [tilespmem:s8], [sflag:$0x3], $0x8000, $0x38;
	[tilespmem:$0x11C00] =	vst v63  }
0x36d: {  	_ =	swait.ge [sflag:s3], $0x8000  }
0x36e: {  	s0 =	sld [smem:$0x7F1]  }
0x36f: {  	[sflag:s3] =	ssyncset.done $0x0  }
0x370: {  	s1 =	sld [smem:$0x7F2];
	[sflag:s3] =	ssyncadd.s32 $0xFFFF8000  }
0x371: {  	[tilespmem:s8], [sflag:$0x2] =	stream.indirect.gather [hbm4b:s4+s7], $0x80, s0, s7, $0xb8;
	[tilespmem:$0x11C00] =	vst v63  }
0x372: {  	_ = 	snop  }
0x373: {  	[tilespmem:s11], [sflag:$0x2] =	stream.indirect.gather [hbm4b:s4+s7], $0x80, s1, s7, $0xb8;
	[tilespmem:$0x11C00] =	vst v63  }
0x374: {  	_ =	swait.ge [sflag:s6], $0x4000  }
0x375: {  	[sflag:s6] =	ssyncset.done $0x0  }
0x376: {  	[sflag:s6] =	ssyncadd.s32 $0xFFFFC000  }
0x377: {  	_ =	swait.ge [sflag:s6], $0x4000  }
0x378: {  	[sflag:s6] =	ssyncset.done $0x0  }
0x379: {  	s1 =	rddreg [dreg:$0xc];
	[sflag:s6] =	ssyncadd.s32 $0xFFFFC000  }
0x37a: {  	[hbm4b:s1+s2] =	stream.linear.scatter [tilespmem:s5], [sflag:$0x3], $0x8000, $0x38;
	[tilespmem:$0x11C00] =	vst v63  }
0x37b: {  	_ =	swait.ge [sflag:s3], $0x8000  }
0x37c: {  	s0 =	sld [smem:$0x7F3]  }
0x37d: {  	[sflag:s3] =	ssyncset.done $0x0  }
0x37e: {  	s1 =	sld [smem:$0x7F4];
	[sflag:s3] =	ssyncadd.s32 $0xFFFF8000  }
0x37f: {  	[tilespmem:s5], [sflag:$0x1] =	stream.indirect.gather [hbm4b:s4+s7], $0x80, s0, s7, $0xb8;
	[tilespmem:$0x11C00] =	vst v63  }
0x380: {  	_ = 	snop  }
0x381: {  	[tilespmem:s9], [sflag:$0x1] =	stream.indirect.gather [hbm4b:s4+s7], $0x80, s1, s7, $0xb8;
	[tilespmem:$0x11C00] =	vst v63  }
0x382: {  	_ =	swait.ge [sflag:s10], $0x4000  }
0x383: {  	[sflag:s10] =	ssyncset.done $0x0  }
0x384: {  	[sflag:s10] =	ssyncadd.s32 $0xFFFFC000  }
0x385: {  	_ =	swait.ge [sflag:s10], $0x4000  }
0x386: {  	[sflag:s10] =	ssyncset.done $0x0  }
0x387: {  	s1 =	rddreg [dreg:$0xd];
	[sflag:s10] =	ssyncadd.s32 $0xFFFFC000  }
0x388: {  	[hbm4b:s1+s2] =	stream.linear.scatter [tilespmem:s8], [sflag:$0x3], $0x8000, $0x38;
	[tilespmem:$0x11C00] =	vst v63  }
0x389: {  	_ =	swait.ge [sflag:s3], $0x8000  }
0x38a: {  	s0 =	sld [smem:$0x7F5]  }
0x38b: {  	[sflag:s3] =	ssyncset.done $0x0  }
0x38c: {  	s1 =	sld [smem:$0x7F6];
	[sflag:s3] =	ssyncadd.s32 $0xFFFF8000  }
0x38d: {  	[tilespmem:s8], [sflag:$0x2] =	stream.indirect.gather [hbm4b:s4+s7], $0x80, s0, s7, $0xb8;
	[tilespmem:$0x11C00] =	vst v63  }
0x38e: {  	_ = 	snop  }
0x38f: {  	[tilespmem:s11], [sflag:$0x2] =	stream.indirect.gather [hbm4b:s4+s7], $0x80, s1, s7, $0xb8;
	[tilespmem:$0x11C00] =	vst v63  }
0x390: {  	_ =	swait.ge [sflag:s6], $0x4000  }
0x391: {  	[sflag:s6] =	ssyncset.done $0x0  }
0x392: {  	[sflag:s6] =	ssyncadd.s32 $0xFFFFC000  }
0x393: {  	_ =	swait.ge [sflag:s6], $0x4000  }
0x394: {  	[sflag:s6] =	ssyncset.done $0x0  }
0x395: {  	s1 =	rddreg [dreg:$0xe];
	[sflag:s6] =	ssyncadd.s32 $0xFFFFC000  }
0x396: {  	[hbm4b:s1+s2] =	stream.linear.scatter [tilespmem:s5], [sflag:$0x3], $0x8000, $0x38;
	[tilespmem:$0x11C00] =	vst v63  }
0x397: {  	_ =	swait.ge [sflag:s3], $0x8000  }
0x398: {  	s0 =	sld [smem:$0x7F7]  }
0x399: {  	[sflag:s3] =	ssyncset.done $0x0  }
0x39a: {  	s1 =	sld [smem:$0x7F8];
	[sflag:s3] =	ssyncadd.s32 $0xFFFF8000  }
0x39b: {  	[tilespmem:s5], [sflag:$0x1] =	stream.indirect.gather [hbm4b:s4+s7], $0x80, s0, s7, $0xb8;
	[tilespmem:$0x11C00] =	vst v63  }
0x39c: {  	_ = 	snop  }
0x39d: {  	[tilespmem:s9], [sflag:$0x1] =	stream.indirect.gather [hbm4b:s4+s7], $0x80, s1, s7, $0xb8;
	[tilespmem:$0x11C00] =	vst v63  }
0x39e: {  	_ =	swait.ge [sflag:s10], $0x4000  }
0x39f: {  	[sflag:s10] =	ssyncset.done $0x0  }
0x3a0: {  	[sflag:s10] =	ssyncadd.s32 $0xFFFFC000  }
0x3a1: {  	_ =	swait.ge [sflag:s10], $0x4000  }
0x3a2: {  	[sflag:s10] =	ssyncset.done $0x0  }
0x3a3: {  	s1 =	rddreg [dreg:$0xf];
	[sflag:s10] =	ssyncadd.s32 $0xFFFFC000  }
0x3a4: {  	[hbm4b:s1+s2] =	stream.linear.scatter [tilespmem:s8], [sflag:$0x3], $0x8000, $0x38;
	[tilespmem:$0x11C00] =	vst v63  }
0x3a5: {  	_ =	swait.ge [sflag:s3], $0x8000  }
0x3a6: {  	s0 =	sld [smem:$0x7F9]  }
0x3a7: {  	[sflag:s3] =	ssyncset.done $0x0  }
0x3a8: {  	s1 =	sld [smem:$0x7FA];
	[sflag:s3] =	ssyncadd.s32 $0xFFFF8000  }
0x3a9: {  	[tilespmem:s8], [sflag:$0x2] =	stream.indirect.gather [hbm4b:s4+s7], $0x80, s0, s7, $0xb8;
	[tilespmem:$0x11C00] =	vst v63  }
0x3aa: {  	_ = 	snop  }
0x3ab: {  	[tilespmem:s11], [sflag:$0x2] =	stream.indirect.gather [hbm4b:s4+s7], $0x80, s1, s7, $0xb8;
	[tilespmem:$0x11C00] =	vst v63  }
0x3ac: {  	_ =	swait.ge [sflag:s6], $0x4000  }
0x3ad: {  	[sflag:s6] =	ssyncset.done $0x0  }
0x3ae: {  	[sflag:s6] =	ssyncadd.s32 $0xFFFFC000  }
0x3af: {  	_ =	swait.ge [sflag:s6], $0x4000  }
0x3b0: {  	[sflag:s6] =	ssyncset.done $0x0  }
0x3b1: {  	s1 =	rddreg [dreg:$0x10];
	[sflag:s6] =	ssyncadd.s32 $0xFFFFC000  }
0x3b2: {  	[hbm4b:s1+s2] =	stream.linear.scatter [tilespmem:s5], [sflag:$0x3], $0x8000, $0x38;
	[tilespmem:$0x11C00] =	vst v63  }
0x3b3: {  	_ =	swait.ge [sflag:s3], $0x8000  }
0x3b4: {  	s0 =	sld [smem:$0x7FB]  }
0x3b5: {  	[sflag:s3] =	ssyncset.done $0x0  }
0x3b6: {  	s1 =	sld [smem:$0x7FC];
	[sflag:s3] =	ssyncadd.s32 $0xFFFF8000  }
0x3b7: {  	[tilespmem:s5], [sflag:$0x1] =	stream.indirect.gather [hbm4b:s4+s7], $0x80, s0, s7, $0xb8;
	[tilespmem:$0x11C00] =	vst v63  }
0x3b8: {  	_ = 	snop  }
0x3b9: {  	[tilespmem:s9], [sflag:$0x1] =	stream.indirect.gather [hbm4b:s4+s7], $0x80, s1, s7, $0xb8;
	[tilespmem:$0x11C00] =	vst v63  }
0x3ba: {  	_ =	swait.ge [sflag:s10], $0x4000  }
0x3bb: {  	[sflag:s10] =	ssyncset.done $0x0  }
0x3bc: {  	[sflag:s10] =	ssyncadd.s32 $0xFFFFC000  }
0x3bd: {  	_ =	swait.ge [sflag:s10], $0x4000  }
0x3be: {  	[sflag:s10] =	ssyncset.done $0x0  }
0x3bf: {  	s1 =	rddreg [dreg:$0x11];
	[sflag:s10] =	ssyncadd.s32 $0xFFFFC000  }
0x3c0: {  	[hbm4b:s1+s2] =	stream.linear.scatter [tilespmem:s8], [sflag:$0x3], $0x8000, $0x38;
	[tilespmem:$0x11C00] =	vst v63  }
0x3c1: {  	_ =	swait.ge [sflag:s3], $0x8000  }
0x3c2: {  	s1 =	sld [smem:$0x7FD]  }
0x3c3: {  	[sflag:s3] =	ssyncset.done $0x0  }
0x3c4: {  	[sflag:s3] =	ssyncadd.s32 $0xFFFF8000  }
0x3c5: {  	[tilespmem:s8], [sflag:$0x2] =	stream.indirect.gather [hbm4b:s4+s7], $0x80, s1, s7, $0xb8;
	[tilespmem:$0x11C00] =	vst v63  }
0x3c6: {  	_ = 	snop  }
0x3c7: {  	[tilespmem:s11], [sflag:$0x2] =	stream.indirect.gather [hbm4b:s4+s7], $0x80, s14, s7, $0xb8;
	[tilespmem:$0x11C00] =	vst v63  }
0x3c8: {  	_ =	swait.ge [sflag:s6], $0x4000  }
0x3c9: {  	[sflag:s6] =	ssyncset.done $0x0  }
0x3ca: {  	[sflag:s6] =	ssyncadd.s32 $0xFFFFC000  }
0x3cb: {  	_ =	swait.ge [sflag:s6], $0x4000  }
0x3cc: {  	[sflag:s6] =	ssyncset.done $0x0  }
0x3cd: {  	s14 =	rddreg [dreg:$0x12];
	[sflag:s6] =	ssyncadd.s32 $0xFFFFC000  }
0x3ce: {  	[hbm4b:s14+s2] =	stream.linear.scatter [tilespmem:s5], [sflag:$0x3], $0x8000, $0x38;
	[tilespmem:$0x11C00] =	vst v63  }
0x3cf: {  	_ =	swait.ge [sflag:s3], $0x8000  }
0x3d0: {  	[sflag:s3] =	ssyncset.done $0x0  }
0x3d1: {  	[sflag:s3] =	ssyncadd.s32 $0xFFFF8000  }
0x3d2: {  	[tilespmem:s5], [sflag:$0x1] =	stream.indirect.gather [hbm4b:s4+s7], $0x80, s30, s7, $0xb8;
	[tilespmem:$0x11C00] =	vst v63  }
0x3d3: {  	_ = 	snop  }
0x3d4: {  	[tilespmem:s9], [sflag:$0x1] =	stream.indirect.gather [hbm4b:s4+s7], $0x80, s31, s7, $0xb8;
	[tilespmem:$0x11C00] =	vst v63  }
0x3d5: {  	_ =	swait.ge [sflag:s10], $0x4000  }
0x3d6: {  	[sflag:s10] =	ssyncset.done $0x0  }
0x3d7: {  	[sflag:s10] =	ssyncadd.s32 $0xFFFFC000  }
0x3d8: {  	_ =	swait.ge [sflag:s10], $0x4000  }
0x3d9: {  	[sflag:s10] =	ssyncset.done $0x0  }
0x3da: {  	s31 =	rddreg [dreg:$0x13];
	[sflag:s10] =	ssyncadd.s32 $0xFFFFC000  }
0x3db: {  	[hbm4b:s31+s2] =	stream.linear.scatter [tilespmem:s8], [sflag:$0x3], $0x8000, $0x38;
	[tilespmem:$0x11C00] =	vst v63  }
0x3dc: {  	_ =	swait.ge [sflag:s3], $0x8000  }
0x3dd: {  	[sflag:s3] =	ssyncset.done $0x0  }
0x3de: {  	[sflag:s3] =	ssyncadd.s32 $0xFFFF8000  }
0x3df: {  	[tilespmem:s8], [sflag:$0x2] =	stream.indirect.gather [hbm4b:s4+s7], $0x80, s28, s7, $0xb8;
	[tilespmem:$0x11C00] =	vst v63  }
0x3e0: {  	_ = 	snop  }
0x3e1: {  	[tilespmem:s11], [sflag:$0x2] =	stream.indirect.gather [hbm4b:s4+s7], $0x80, s29, s7, $0xb8;
	[tilespmem:$0x11C00] =	vst v63  }
0x3e2: {  	_ =	swait.ge [sflag:s6], $0x4000  }
0x3e3: {  	[sflag:s6] =	ssyncset.done $0x0  }
0x3e4: {  	[sflag:s6] =	ssyncadd.s32 $0xFFFFC000  }
0x3e5: {  	_ =	swait.ge [sflag:s6], $0x4000  }
0x3e6: {  	[sflag:s6] =	ssyncset.done $0x0  }
0x3e7: {  	s1 =	rddreg [dreg:$0x14];
	[sflag:s6] =	ssyncadd.s32 $0xFFFFC000  }
0x3e8: {  	[hbm4b:s1+s2] =	stream.linear.scatter [tilespmem:s5], [sflag:$0x3], $0x8000, $0x38;
	[tilespmem:$0x11C00] =	vst v63  }
0x3e9: {  	_ =	swait.ge [sflag:s3], $0x8000  }
0x3ea: {  	[sflag:s3] =	ssyncset.done $0x0  }
0x3eb: {  	[sflag:s3] =	ssyncadd.s32 $0xFFFF8000  }
0x3ec: {  	[tilespmem:s5], [sflag:$0x1] =	stream.indirect.gather [hbm4b:s4+s7], $0x80, s25, s7, $0xb8;
	[tilespmem:$0x11C00] =	vst v63  }
0x3ed: {  	_ = 	snop  }
0x3ee: {  	[tilespmem:s9], [sflag:$0x1] =	stream.indirect.gather [hbm4b:s4+s7], $0x80, s26, s7, $0xb8;
	[tilespmem:$0x11C00] =	vst v63  }
0x3ef: {  	_ =	swait.ge [sflag:s10], $0x4000  }
0x3f0: {  	[sflag:s10] =	ssyncset.done $0x0  }
0x3f1: {  	[sflag:s10] =	ssyncadd.s32 $0xFFFFC000  }
0x3f2: {  	_ =	swait.ge [sflag:s10], $0x4000  }
0x3f3: {  	[sflag:s10] =	ssyncset.done $0x0  }
0x3f4: {  	s14 =	rddreg [dreg:$0x15];
	[sflag:s10] =	ssyncadd.s32 $0xFFFFC000  }
0x3f5: {  	[hbm4b:s14+s2] =	stream.linear.scatter [tilespmem:s8], [sflag:$0x3], $0x8000, $0x38;
	[tilespmem:$0x11C00] =	vst v63  }
0x3f6: {  	_ =	swait.ge [sflag:s3], $0x8000  }
0x3f7: {  	[sflag:s3] =	ssyncset.done $0x0  }
0x3f8: {  	[sflag:s3] =	ssyncadd.s32 $0xFFFF8000  }
0x3f9: {  	[tilespmem:s8], [sflag:$0x2] =	stream.indirect.gather [hbm4b:s4+s7], $0x80, s23, s7, $0xb8;
	[tilespmem:$0x11C00] =	vst v63  }
0x3fa: {  	_ = 	snop  }
0x3fb: {  	[tilespmem:s11], [sflag:$0x2] =	stream.indirect.gather [hbm4b:s4+s7], $0x80, s24, s7, $0xb8;
	[tilespmem:$0x11C00] =	vst v63  }
0x3fc: {  	_ =	swait.ge [sflag:s6], $0x4000  }
0x3fd: {  	[sflag:s6] =	ssyncset.done $0x0  }
0x3fe: {  	[sflag:s6] =	ssyncadd.s32 $0xFFFFC000  }
0x3ff: {  	_ =	swait.ge [sflag:s6], $0x4000  }
0x400: {  	[sflag:s6] =	ssyncset.done $0x0  }
0x401: {  	s23 =	rddreg [dreg:$0x16];
	[sflag:s6] =	ssyncadd.s32 $0xFFFFC000  }
0x402: {  	[hbm4b:s23+s2] =	stream.linear.scatter [tilespmem:s5], [sflag:$0x3], $0x8000, $0x38;
	[tilespmem:$0x11C00] =	vst v63  }
0x403: {  	_ =	swait.ge [sflag:s3], $0x8000  }
0x404: {  	[sflag:s3] =	ssyncset.done $0x0  }
0x405: {  	[sflag:s3] =	ssyncadd.s32 $0xFFFF8000  }
0x406: {  	[tilespmem:s5], [sflag:$0x1] =	stream.indirect.gather [hbm4b:s4+s7], $0x80, s21, s7, $0xb8;
	[tilespmem:$0x11C00] =	vst v63  }
0x407: {  	_ = 	snop  }
0x408: {  	[tilespmem:s9], [sflag:$0x1] =	stream.indirect.gather [hbm4b:s4+s7], $0x80, s22, s7, $0xb8;
	[tilespmem:$0x11C00] =	vst v63  }
0x409: {  	_ =	swait.ge [sflag:s10], $0x4000  }
0x40a: {  	[sflag:s10] =	ssyncset.done $0x0  }
0x40b: {  	[sflag:s10] =	ssyncadd.s32 $0xFFFFC000  }
0x40c: {  	_ =	swait.ge [sflag:s10], $0x4000  }
0x40d: {  	[sflag:s10] =	ssyncset.done $0x0  }
0x40e: {  	s24 =	rddreg [dreg:$0x17];
	[sflag:s10] =	ssyncadd.s32 $0xFFFFC000  }
0x40f: {  	[hbm4b:s24+s2] =	stream.linear.scatter [tilespmem:s8], [sflag:$0x3], $0x8000, $0x38;
	[tilespmem:$0x11C00] =	vst v63  }
0x410: {  	_ =	swait.ge [sflag:s3], $0x8000  }
0x411: {  	[sflag:s3] =	ssyncset.done $0x0  }
0x412: {  	[sflag:s3] =	ssyncadd.s32 $0xFFFF8000  }
0x413: {  	[tilespmem:s8], [sflag:$0x2] =	stream.indirect.gather [hbm4b:s4+s7], $0x80, s19, s7, $0xb8;
	[tilespmem:$0x11C00] =	vst v63  }
0x414: {  	_ = 	snop  }
0x415: {  	[tilespmem:s11], [sflag:$0x2] =	stream.indirect.gather [hbm4b:s4+s7], $0x80, s20, s7, $0xb8;
	[tilespmem:$0x11C00] =	vst v63  }
0x416: {  	_ =	swait.ge [sflag:s6], $0x4000  }
0x417: {  	[sflag:s6] =	ssyncset.done $0x0  }
0x418: {  	[sflag:s6] =	ssyncadd.s32 $0xFFFFC000  }
0x419: {  	_ =	swait.ge [sflag:s6], $0x4000  }
0x41a: {  	[sflag:s6] =	ssyncset.done $0x0  }
0x41b: {  	s25 =	rddreg [dreg:$0x18];
	[sflag:s6] =	ssyncadd.s32 $0xFFFFC000  }
0x41c: {  	[hbm4b:s25+s2] =	stream.linear.scatter [tilespmem:s5], [sflag:$0x3], $0x8000, $0x38;
	[tilespmem:$0x11C00] =	vst v63  }
0x41d: {  	_ =	swait.ge [sflag:s3], $0x8000  }
0x41e: {  	[sflag:s3] =	ssyncset.done $0x0  }
0x41f: {  	[sflag:s3] =	ssyncadd.s32 $0xFFFF8000  }
0x420: {  	[tilespmem:s5], [sflag:$0x1] =	stream.indirect.gather [hbm4b:s4+s7], $0x80, s17, s7, $0xb8;
	[tilespmem:$0x11C00] =	vst v63  }
0x421: {  	_ = 	snop  }
0x422: {  	[tilespmem:s9], [sflag:$0x1] =	stream.indirect.gather [hbm4b:s4+s7], $0x80, s18, s7, $0xb8;
	[tilespmem:$0x11C00] =	vst v63  }
0x423: {  	_ =	swait.ge [sflag:s10], $0x4000  }
0x424: {  	[sflag:s10] =	ssyncset.done $0x0  }
0x425: {  	[sflag:s10] =	ssyncadd.s32 $0xFFFFC000  }
0x426: {  	_ =	swait.ge [sflag:s10], $0x4000  }
0x427: {  	[sflag:s10] =	ssyncset.done $0x0  }
0x428: {  	s26 =	rddreg [dreg:$0x19];
	[sflag:s10] =	ssyncadd.s32 $0xFFFFC000  }
0x429: {  	[hbm4b:s26+s2] =	stream.linear.scatter [tilespmem:s8], [sflag:$0x3], $0x8000, $0x38;
	[tilespmem:$0x11C00] =	vst v63  }
0x42a: {  	_ =	swait.ge [sflag:s3], $0x8000  }
0x42b: {  	[sflag:s3] =	ssyncset.done $0x0  }
0x42c: {  	[sflag:s3] =	ssyncadd.s32 $0xFFFF8000  }
0x42d: {  	[tilespmem:s8], [sflag:$0x2] =	stream.indirect.gather [hbm4b:s4+s7], $0x80, s15, s7, $0xb8;
	[tilespmem:$0x11C00] =	vst v63  }
0x42e: {  	_ = 	snop  }
0x42f: {  	[tilespmem:s11], [sflag:$0x2] =	stream.indirect.gather [hbm4b:s4+s7], $0x80, s16, s7, $0xb8;
	[tilespmem:$0x11C00] =	vst v63  }
0x430: {  	_ =	swait.ge [sflag:s6], $0x4000  }
0x431: {  	[sflag:s6] =	ssyncset.done $0x0  }
0x432: {  	[sflag:s6] =	ssyncadd.s32 $0xFFFFC000  }
0x433: {  	_ =	swait.ge [sflag:s6], $0x4000  }
0x434: {  	[sflag:s6] =	ssyncset.done $0x0  }
0x435: {  	s28 =	rddreg [dreg:$0x1a];
	[sflag:s6] =	ssyncadd.s32 $0xFFFFC000  }
0x436: {  	[hbm4b:s28+s2] =	stream.linear.scatter [tilespmem:s5], [sflag:$0x3], $0x8000, $0x38;
	[tilespmem:$0x11C00] =	vst v63  }
0x437: {  	_ =	swait.ge [sflag:s3], $0x8000  }
0x438: {  	[sflag:s3] =	ssyncset.done $0x0  }
0x439: {  	[sflag:s3] =	ssyncadd.s32 $0xFFFF8000  }
0x43a: {  	[tilespmem:s5], [sflag:$0x1] =	stream.indirect.gather [hbm4b:s4+s7], $0x80, s13, s7, $0xb8;
	[tilespmem:$0x11C00] =	vst v63  }
0x43b: {  	s29 =	simm.s32 $0x1880  }
0x43c: {  	[tilespmem:s9], [sflag:$0x1] =	stream.indirect.gather [hbm4b:s4+s7], $0x80, s29, s7, $0xb8;
	[tilespmem:$0x11C00] =	vst v63  }
0x43d: {  	_ =	swait.ge [sflag:s10], $0x4000  }
0x43e: {  	[sflag:s10] =	ssyncset.done $0x0  }
0x43f: {  	[sflag:s10] =	ssyncadd.s32 $0xFFFFC000  }
0x440: {  	_ =	swait.ge [sflag:s10], $0x4000  }
0x441: {  	[sflag:s10] =	ssyncset.done $0x0  }
0x442: {  	s30 =	rddreg [dreg:$0x1b];
	[sflag:s10] =	ssyncadd.s32 $0xFFFFC000  }
0x443: {  	[hbm4b:s30+s2] =	stream.linear.scatter [tilespmem:s8], [sflag:$0x3], $0x8000, $0x38;
	[tilespmem:$0x11C00] =	vst v63  }
0x444: {  	_ =	swait.ge [sflag:s3], $0x8000  }
0x445: {  	[sflag:s3] =	ssyncset.done $0x0  }
0x446: {  	[sflag:s3] =	ssyncadd.s32 $0xFFFF8000  }
0x447: {  	_ =	swait.ge [sflag:s6], $0x4000  }
0x448: {  	[sflag:s6] =	ssyncset.done $0x0  }
0x449: {  	[sflag:s6] =	ssyncadd.s32 $0xFFFFC000  }
0x44a: {  	_ =	swait.ge [sflag:s6], $0x4000  }
0x44b: {  	[sflag:s6] =	ssyncset.done $0x0  }
0x44c: {  	s31 =	rddreg [dreg:$0x1c];
	[sflag:s6] =	ssyncadd.s32 $0xFFFFC000  }
0x44d: {  	[hbm4b:s31+s2] =	stream.linear.scatter [tilespmem:s5], [sflag:$0x3], $0x8000, $0x38;
	[tilespmem:$0x11C00] =	vst v63  }
0x44e: {  	_ =	swait.ge [sflag:s3], $0x8000  }
0x44f: {  	[sflag:s3] =	ssyncset.done $0x0  }
0x450: {  	[sflag:s3] =	ssyncadd.s32 $0xFFFF8000  }
0x451: {  	_ =	sfence.sel $0x180000  }
0x452: {  	[bflag:$0x0] =	sbarrier.arrive $0xFFFF  }
0x453: {  	_ =	strace $0x90000047  }
0x454: {  	[bflag:$0x2] =	sbarrier.arrive $0xFFFF  }
0x455: {  	p0 =	sne.s32 s12, $0x0;
	s0 =	rddreg [dreg:$0x2]  }
0x456: {  	s0 =	sadd.s32 @!p0 $0x100000, s0  }
0x457: {  	[sflag:s0] =	ssyncadd.tile.s32 @!p0 $0x1;
	_ =	shalt  }
.LBB2_1:
0x458: {  	s14 =	simm.s32 $0xF80  }
0x459: {  	s31 =	simm.s32 $0x1080;
	s30 =	simm.s32 $0x1000;
	s29 =	simm.s32 $0x1180  }
.Ltmp3:
0x45a: {  	s28 =	simm.s32 $0x1100;
	s26 =	simm.s32 $0x1280;
	(pc) =	sbr.rel .LBB2_6-.Ltmp3, $4  }
0x45b: {  	s25 =	simm.s32 $0x1200;
	s24 =	simm.s32 $0x1380;
	s23 =	simm.s32 $0x1300  }
0x45c: {  	s22 =	simm.s32 $0x1480;
	s21 =	simm.s32 $0x1400;
	s20 =	simm.s32 $0x1580  }
0x45d: {  	s19 =	simm.s32 $0x1500;
	s18 =	simm.s32 $0x1680;
	s17 =	simm.s32 $0x1600  }
0x45e: {  	s16 =	simm.s32 $0x1780;
	s15 =	simm.s32 $0x1700;
	s13 =	simm.s32 $0x1800  }
.LBB2_3:
0x45f: {  	s14 =	simm.s32 $0xF80;
	s31 =	simm.s32 $0x1080  }
0x460: {  	s30 =	simm.s32 $0x1000;
	s29 =	simm.s32 $0x1180;
	s28 =	simm.s32 $0x1100  }
.Ltmp4:
0x461: {  	s26 =	simm.s32 $0x1280;
	s25 =	simm.s32 $0x1200;
	(pc) =	sbr.rel .LBB2_6-.Ltmp4, $4  }
0x462: {  	s24 =	simm.s32 $0x1380;
	s23 =	simm.s32 $0x1300;
	s22 =	simm.s32 $0x1480  }
0x463: {  	s21 =	simm.s32 $0x1400;
	s20 =	simm.s32 $0x1580;
	s19 =	simm.s32 $0x1500  }
0x464: {  	s18 =	simm.s32 $0x1680;
	s17 =	simm.s32 $0x1600;
	s16 =	simm.s32 $0x1780  }
0x465: {  	s15 =	simm.s32 $0x1700;
	s13 =	simm.s32 $0x1800;
	s12 =	stileid.u32  }
.Lfunc_end2:
_tile_overlayer_lowered:
.L_overlay_start_2:
0x466: {  	(tag) =	ssettag $0x2  }
0x467: {  	s0 =	rddreg [dreg:$0x0];
	s2 =	stileid.u32  }
0x468: {  	s1 =	rddreg [dreg:$0x1];
	p0 =	sne.s32 s2, $0x0  }
0x469: {  	s3 =	rddreg [dreg:$0x2];
	[bflag:$0x3] =	sbarrier.arrive $0xFFFF;
	s2 =	simm.s32 @!p0 $0x1C03  }
0x46a: {  	[timem:s3], [sflag:s2] =	dma.local @!p0 [hbm:s0], s1  }
0x46b: {  	s0 =	simm.s32 @!p0 $0x3  }
0x46c: {  	_ =	swait.ge @!p0 [sflag:s0], s1  }
0x46d: {  	s1 =	ssub.s32 @!p0 $0x0, s1;
	[sflag:s0] =	ssyncset.done @!p0 $0x0  }
0x46e: {  	[sflag:s0] =	ssyncadd.s32 @!p0 s1  }
0x46f: {  	[bflag:$0x3] =	sbarrier.arrive $0xFFFF  }
0x470: {  	_ =	shalt  }

</sc_bundles>
